<compile_context>
chip_gen: v7x
topology: tpu7x:2x2x1
jax: 0.10.2.dev20260603
libtpu: 0.0.44.dev20260713+nightly
codegen_flags: <defaults>
</compile_context>

<pallas_src>
import functools

import jax
import jax.numpy as jnp
from jax import lax
from jax.experimental import pallas as pl
from jax.experimental.pallas import tpu as pltpu
from jax.experimental.pallas import tpu_sc as plsc

N_COLS = 8192
N_ROWS = 4096
L = 16
NC, NS = 2, 16
NW = NC * NS
ROWS_W = N_ROWS // NW
CH = 2
VECS = N_COLS // L
ACCS = 4
NEG = -1.0


def _bcast(scalar):
    return jnp.full((L,), scalar, dtype=jnp.float32)


def _tri_update(tri, x):
    t1, t2, t3 = tri
    n1 = jnp.maximum(t1, x)
    lo = jnp.minimum(t1, x)
    n2 = jnp.maximum(t2, lo)
    lo2 = jnp.minimum(t2, lo)
    n3 = jnp.maximum(t3, lo2)
    return n1, n2, n3


def _tri_merge(a, b):
    a1, a2, a3 = a
    b1, b2, b3 = b
    c1 = jnp.maximum(a1, b1)
    c2 = jnp.maximum(jnp.maximum(a2, b2), jnp.minimum(a1, b1))
    c3 = jnp.maximum(
        jnp.maximum(a3, b3),
        jnp.maximum(jnp.minimum(a2, b1), jnp.minimum(a1, b2)),
    )
    return c1, c2, c3


def _row_stats(buf, r):
    neg = _bcast(NEG)
    init = tuple((neg, neg, neg) for _ in range(ACCS))

    @plsc.parallel_loop(0, VECS, ACCS, unroll=4, carry=init)
    def tris(i, tris):
        return tuple(
            _tri_update(tris[j], buf[r, pl.ds((i + j) * L, L)])
            for j in range(ACCS)
        )

    t = tris[0]
    for j in range(1, ACCS):
        t = _tri_merge(t, tris[j])
    t1, t2, t3 = t

    one = _bcast(1.0)
    zero = _bcast(0.0)
    negv = _bcast(NEG)
    three = _bcast(3.0)
    m1 = _bcast(jnp.max(t1, axis=0))
    eq1 = (jnp.where(t1 == m1, one, zero) + jnp.where(t2 == m1, one, zero)
           + jnp.where(t3 == m1, one, zero))
    c1 = _bcast(jnp.sum(eq1, axis=0))
    u1 = jnp.where(t1 < m1, t1, negv)
    u2 = jnp.where(t2 < m1, t2, negv)
    u3 = jnp.where(t3 < m1, t3, negv)
    m2 = _bcast(jnp.max(jnp.maximum(jnp.maximum(u1, u2), u3), axis=0))
    eq2 = (jnp.where(u1 == m2, one, zero) + jnp.where(u2 == m2, one, zero)
           + jnp.where(u3 == m2, one, zero))
    c2 = _bcast(jnp.sum(eq2, axis=0))
    w1 = jnp.where(u1 < m2, u1, negv)
    w2 = jnp.where(u2 < m2, u2, negv)
    w3 = jnp.where(u3 < m2, u3, negv)
    m3 = _bcast(jnp.max(jnp.maximum(jnp.maximum(w1, w2), w3), axis=0))
    kth = jnp.where(c1 >= three, m1, jnp.where(c1 + c2 >= three, m2, m3))

    n1 = jnp.minimum(c1, three)
    n2 = jnp.clip(jnp.minimum(c2, three - n1), 0.0, 3.0)
    n3 = three - n1 - n2
    s_fast = n1 * m1 + n2 * m2 + n3 * m3

    izero = jnp.zeros((L,), jnp.int32)
    ione = jnp.ones((L,), jnp.int32)
    capped = izero
    risk = izero
    for (a1, a2, a3) in tris:
        capped = capped + jnp.where(a1 >= kth, ione, izero)
        capped = capped + jnp.where(a2 >= kth, ione, izero)
        capped = capped + jnp.where(a3 >= kth, ione, izero)
        risk = risk + jnp.where(a3 >= kth, ione, izero)
    n_ge = jnp.sum(capped, axis=0)
    n_risk = jnp.sum(risk, axis=0)
    need_slow = jnp.logical_or(n_ge != 3, n_risk > 0)

    def slow():
        accs0 = (zero,) * ACCS

        @plsc.parallel_loop(0, VECS, ACCS, unroll=4, carry=accs0)
        def accs(i, accs):
            out = []
            for j in range(ACCS):
                x = buf[r, pl.ds((i + j) * L, L)]
                out.append(accs[j] + jnp.where(x >= kth, x, 0.0))
            return tuple(out)

        tot = accs[0]
        for j in range(1, ACCS):
            tot = tot + accs[j]
        return _bcast(jnp.sum(tot, axis=0))

    s = lax.cond(need_slow, slow, lambda: s_fast)
    return kth, 1.0 / s


def _mask_normalize(inb, outb, r, kth, rcp):
    zero = _bcast(0.0)

    @plsc.parallel_loop(0, VECS, 4, unroll=4)
    def _(i):
        for j in range(4):
            sl = pl.ds((i + j) * L, L)
            x = inb[r, sl]
            outb[r, sl] = jnp.where(x >= kth, x * rcp, zero)


def _sc_body(x_hbm, o_hbm, in0, in1, outb, semi0, semi1, semo):
    wid = lax.axis_index("s") * NC + lax.axis_index("c")
    base = wid * ROWS_W
    n_pairs = ROWS_W // CH // 2

    def in_dma(row0, buf, sem):
        return pltpu.make_async_copy(x_hbm.at[pl.ds(row0, CH)], buf, sem)

    def out_dma(row0):
        return pltpu.make_async_copy(outb, o_hbm.at[pl.ds(row0, CH)], semo)

    def do_chunk(c0, inb, t, first_of_pair):
        stats = [_row_stats(inb, r) for r in range(CH)]
        if first_of_pair:
            @pl.when(t > 0)
            def _():
                out_dma(c0).wait()
        else:
            out_dma(c0).wait()
        for r in range(CH):
            kth, rcp = stats[r]
            _mask_normalize(inb, outb, r, kth, rcp)
        out_dma(c0).start()

    in_dma(base, in0, semi0).start()

    def pair(t, _):
        c0 = base + 2 * t * CH
        c1 = c0 + CH
        in_dma(c1, in1, semi1).start()
        in_dma(c0, in0, semi0).wait()
        do_chunk(c0, in0, t, True)

        @pl.when(t < n_pairs - 1)
        def _():
            in_dma(c1 + CH, in0, semi0).start()

        in_dma(c1, in1, semi1).wait()
        do_chunk(c1, in1, t, False)
        return 0

    lax.fori_loop(0, n_pairs, pair, 0)
    out_dma(base).wait()


@jax.jit
def kernel(inputs):
    b, h, n = inputs.shape
    x2d = inputs.reshape(b * h, n)
    mesh = plsc.VectorSubcoreMesh(core_axis_name="c", subcore_axis_name="s")
    k = functools.partial(
        pl.kernel,
        mesh=mesh,
        out_type=jax.ShapeDtypeStruct((b * h, n), jnp.float32),
        scratch_types=[
            pltpu.VMEM((CH, N_COLS), jnp.float32),
            pltpu.VMEM((CH, N_COLS), jnp.float32),
            pltpu.VMEM((CH, N_COLS), jnp.float32),
            pltpu.SemaphoreType.DMA,
            pltpu.SemaphoreType.DMA,
            pltpu.SemaphoreType.DMA,
        ],
        compiler_params=pltpu.CompilerParams(needs_layout_passes=False),
    )(_sc_body)
    return k(x2d).reshape(b, h, n)

# --- scband reference (transcript-rebuilt; emitter-appended) ---
"""Pipeline reference for scband-kmax-layer-21818433864134 (READ-ONLY COPY).

The authoritative reference and input builder live on the scoring server;
editing this copy changes nothing except your own understanding.
"""

import jax, jax.numpy as jnp
import numpy as np

K_TOP = 3

def setup_inputs(seed: int = 0) -> dict:
    key = jax.random.key(seed)
    inputs = jax.random.uniform(key, (128, 32, 8192), dtype=jnp.float32)
    return {"inputs": inputs}

def reference(inputs):
    # tf.nn.top_k over last axis, sorted=False (order irrelevant, we take min)
    a_top, _ = jax.lax.top_k(inputs, K_TOP)
    # kth largest value per row, keepdims
    kth = jnp.min(a_top, axis=2, keepdims=True)
    # boolean mask of entries >= kth (cast to float, non-differentiable path)
    mask = jax.lax.stop_gradient((inputs >= kth).astype(jnp.float32))
    v = inputs * mask
    # reciprocal of per-row sum, broadcast back over last dim
    # (equivalent to K.repeat(...) then transpose in the original)
    s = jnp.reciprocal(jnp.sum(v, axis=2, keepdims=True))
    norms = v * s
    return norms

if __name__ == "__main__":
    import jax
    _d = setup_inputs()
    print(jax.jit(kernel)(*tuple(_d.values())))

</pallas_src>

<mosaic_0001>
#map = affine_map<(d0, d1) -> (0, 0)>
module attributes {stable_mosaic.version = 14 : i64} {
  func.func @_sc_body(%arg0: i32, %arg1: i32, %arg2: memref<4096x8192xf32, #tpu.memory_space<hbm>>, %arg3: memref<4096x8192xf32, #tpu.memory_space<hbm>>, %arg4: memref<2x8192xf32, #tpu.memory_space<vmem>>, %arg5: memref<2x8192xf32, #tpu.memory_space<vmem>>, %arg6: memref<2x8192xf32, #tpu.memory_space<vmem>>, %arg7: memref<!tpu.dma_semaphore, #tpu.memory_space<semaphore_mem>>, %arg8: memref<!tpu.dma_semaphore, #tpu.memory_space<semaphore_mem>>, %arg9: memref<!tpu.dma_semaphore, #tpu.memory_space<semaphore_mem>>) attributes {dimension_semantics = [#tpu.dimension_semantics<core_parallel>, #tpu.dimension_semantics<subcore_parallel>], iteration_bounds = array<i64: 2, 16>, scalar_prefetch = 0 : i64, scratch_operands = 6 : i64, tpu.core_type = #tpu.core_type<sc_vector_subcore>, window_params = [{transform_indices = #map}, {transform_indices = #map}]} {
    %mul3A = arith.constant 2 : i32
    %mul3A_0 = arith.muli %arg1, %mul3A : i32
    %add3A = arith.addi %mul3A_0, %arg0 : i32
    %mul3A_1 = arith.constant 128 : i32
    %mul3A_2 = arith.muli %add3A, %mul3A_1 : i32
    %dma_start3A = arith.constant 0 : i32
    %dma_start3A_3 = tpu.memref_slice %arg2[%mul3A_2, %dma_start3A] : memref<4096x8192xf32, #tpu.memory_space<hbm>> -> memref<2x8192xf32, #tpu.memory_space<hbm>>
    %dma_start3A_4 = arith.constant 0 : i32
    %dma_start3A_5 = tpu.memref_slice %arg2[%mul3A_2, %dma_start3A_4] : memref<4096x8192xf32, #tpu.memory_space<hbm>> -> memref<2x8192xf32, #tpu.memory_space<hbm>>
    tpu.enqueue_dma source(%dma_start3A_5 : memref<2x8192xf32, #tpu.memory_space<hbm>>) target(%arg4 : memref<2x8192xf32, #tpu.memory_space<vmem>>) target_semaphore(%arg7 : memref<!tpu.dma_semaphore, #tpu.memory_space<semaphore_mem>>)
    %scan3A = arith.constant 0 : i32
    %scan3A_6 = arith.constant 0 : i32
    %scan3A_7 = arith.constant 32 : i32
    %scan3A_8 = arith.addi %scan3A_6, %scan3A_7 : i32
    %scan3A_9 = arith.constant 1 : i32
    %scan3A_10 = scf.for %scan3A_15 = %scan3A_6 to %scan3A_8 step %scan3A_9 iter_args(%scan3A_16 = %scan3A) -> (i32)  : i32 {
      %mul3A_17 = arith.constant 2 : i32
      %mul3A_18 = arith.muli %mul3A_17, %scan3A_15 : i32
      %mul3A_19 = arith.constant 2 : i32
      %mul3A_20 = arith.muli %mul3A_18, %mul3A_19 : i32
      %add3A_21 = arith.addi %mul3A_2, %mul3A_20 : i32
      %add3A_22 = arith.constant 2 : i32
      %add3A_23 = arith.addi %add3A_21, %add3A_22 : i32
      %dma_start3A_24 = arith.constant 0 : i32
      %dma_start3A_25 = tpu.memref_slice %arg2[%add3A_23, %dma_start3A_24] : memref<4096x8192xf32, #tpu.memory_space<hbm>> -> memref<2x8192xf32, #tpu.memory_space<hbm>>
      %dma_start3A_26 = arith.constant 0 : i32
      %dma_start3A_27 = tpu.memref_slice %arg2[%add3A_23, %dma_start3A_26] : memref<4096x8192xf32, #tpu.memory_space<hbm>> -> memref<2x8192xf32, #tpu.memory_space<hbm>>
      tpu.enqueue_dma source(%dma_start3A_27 : memref<2x8192xf32, #tpu.memory_space<hbm>>) target(%arg5 : memref<2x8192xf32, #tpu.memory_space<vmem>>) target_semaphore(%arg8 : memref<!tpu.dma_semaphore, #tpu.memory_space<semaphore_mem>>)
      %dma_wait3A_28 = arith.constant 0 : i32
      %dma_wait3A_29 = tpu.memref_slice %arg2[%add3A_21, %dma_wait3A_28] : memref<4096x8192xf32, #tpu.memory_space<hbm>> -> memref<2x8192xf32, #tpu.memory_space<hbm>>
      %dma_wait3A_30 = arith.constant 0 : i32
      %dma_wait3A_31 = tpu.memref_slice %arg2[%add3A_21, %dma_wait3A_30] : memref<4096x8192xf32, #tpu.memory_space<hbm>> -> memref<2x8192xf32, #tpu.memory_space<hbm>>
      tpu.wait_dma2 semaphore(%arg7 : memref<!tpu.dma_semaphore, #tpu.memory_space<semaphore_mem>>) src(%dma_wait3A_31 : memref<2x8192xf32, #tpu.memory_space<hbm>>) dst(%arg4 : memref<2x8192xf32, #tpu.memory_space<vmem>>)
      %broadcast_in_dim3A = arith.constant -1.000000e+00 : f32
      %broadcast_in_dim3A_32 = vector.broadcast %broadcast_in_dim3A : f32 to vector<16xf32>
      %parallel_loop3A = arith.constant 0 : i32
      %parallel_loop3A_33 = arith.constant 512 : i32
      %parallel_loop3A_34 = arith.constant 4 : i32
      %parallel_loop3A_35:12 = scf.for %parallel_loop3A_825 = %parallel_loop3A to %parallel_loop3A_33 step %parallel_loop3A_34 iter_args(%parallel_loop3A_826 = %broadcast_in_dim3A_32, %parallel_loop3A_827 = %broadcast_in_dim3A_32, %parallel_loop3A_828 = %broadcast_in_dim3A_32, %parallel_loop3A_829 = %broadcast_in_dim3A_32, %parallel_loop3A_830 = %broadcast_in_dim3A_32, %parallel_loop3A_831 = %broadcast_in_dim3A_32, %parallel_loop3A_832 = %broadcast_in_dim3A_32, %parallel_loop3A_833 = %broadcast_in_dim3A_32, %parallel_loop3A_834 = %broadcast_in_dim3A_32, %parallel_loop3A_835 = %broadcast_in_dim3A_32, %parallel_loop3A_836 = %broadcast_in_dim3A_32, %parallel_loop3A_837 = %broadcast_in_dim3A_32) -> (vector<16xf32>, vector<16xf32>, vector<16xf32>, vector<16xf32>, vector<16xf32>, vector<16xf32>, vector<16xf32>, vector<16xf32>, vector<16xf32>, vector<16xf32>, vector<16xf32>, vector<16xf32>)  : i32 {
        %parallel_loop3A_838 = arith.constant 0 : i32
        %parallel_loop3A_839 = arith.addi %parallel_loop3A_825, %parallel_loop3A_838 : i32
        %parallel_loop3A_840 = arith.constant 16 : i32
        %parallel_loop3A_841 = arith.muli %parallel_loop3A_839, %parallel_loop3A_840 : i32
        %parallel_loop3A_842 = arith.constant 0 : i32
        %parallel_loop3A_843 = arith.index_cast %parallel_loop3A_842 : i32 to index
        %parallel_loop3A_844 = arith.index_cast %parallel_loop3A_841 : i32 to index
        %parallel_loop3A_845 = tpu.vector_load %arg4[%parallel_loop3A_843, %parallel_loop3A_844] {strides = array<i32>} : memref<2x8192xf32, #tpu.memory_space<vmem>>, vector<16xf32>,
        %parallel_loop3A_846 = arith.maximumf %parallel_loop3A_826, %parallel_loop3A_845 : vector<16xf32>
        %parallel_loop3A_847 = arith.minimumf %parallel_loop3A_826, %parallel_loop3A_845 : vector<16xf32>
        %parallel_loop3A_848 = arith.maximumf %parallel_loop3A_827, %parallel_loop3A_847 : vector<16xf32>
        %parallel_loop3A_849 = arith.minimumf %parallel_loop3A_827, %parallel_loop3A_847 : vector<16xf32>
        %parallel_loop3A_850 = arith.maximumf %parallel_loop3A_828, %parallel_loop3A_849 : vector<16xf32>
        %parallel_loop3A_851 = arith.constant 1 : i32
        %parallel_loop3A_852 = arith.addi %parallel_loop3A_825, %parallel_loop3A_851 : i32
        %parallel_loop3A_853 = arith.constant 16 : i32
        %parallel_loop3A_854 = arith.muli %parallel_loop3A_852, %parallel_loop3A_853 : i32
        %parallel_loop3A_855 = arith.constant 0 : i32
        %parallel_loop3A_856 = arith.index_cast %parallel_loop3A_855 : i32 to index
        %parallel_loop3A_857 = arith.index_cast %parallel_loop3A_854 : i32 to index
        %parallel_loop3A_858 = tpu.vector_load %arg4[%parallel_loop3A_856, %parallel_loop3A_857] {strides = array<i32>} : memref<2x8192xf32, #tpu.memory_space<vmem>>, vector<16xf32>,
        %parallel_loop3A_859 = arith.maximumf %parallel_loop3A_829, %parallel_loop3A_858 : vector<16xf32>
        %parallel_loop3A_860 = arith.minimumf %parallel_loop3A_829, %parallel_loop3A_858 : vector<16xf32>
        %parallel_loop3A_861 = arith.maximumf %parallel_loop3A_830, %parallel_loop3A_860 : vector<16xf32>
        %parallel_loop3A_862 = arith.minimumf %parallel_loop3A_830, %parallel_loop3A_860 : vector<16xf32>
        %parallel_loop3A_863 = arith.maximumf %parallel_loop3A_831, %parallel_loop3A_862 : vector<16xf32>
        %parallel_loop3A_864 = arith.constant 2 : i32
        %parallel_loop3A_865 = arith.addi %parallel_loop3A_825, %parallel_loop3A_864 : i32
        %parallel_loop3A_866 = arith.constant 16 : i32
        %parallel_loop3A_867 = arith.muli %parallel_loop3A_865, %parallel_loop3A_866 : i32
        %parallel_loop3A_868 = arith.constant 0 : i32
        %parallel_loop3A_869 = arith.index_cast %parallel_loop3A_868 : i32 to index
        %parallel_loop3A_870 = arith.index_cast %parallel_loop3A_867 : i32 to index
        %parallel_loop3A_871 = tpu.vector_load %arg4[%parallel_loop3A_869, %parallel_loop3A_870] {strides = array<i32>} : memref<2x8192xf32, #tpu.memory_space<vmem>>, vector<16xf32>,
        %parallel_loop3A_872 = arith.maximumf %parallel_loop3A_832, %parallel_loop3A_871 : vector<16xf32>
        %parallel_loop3A_873 = arith.minimumf %parallel_loop3A_832, %parallel_loop3A_871 : vector<16xf32>
        %parallel_loop3A_874 = arith.maximumf %parallel_loop3A_833, %parallel_loop3A_873 : vector<16xf32>
        %parallel_loop3A_875 = arith.minimumf %parallel_loop3A_833, %parallel_loop3A_873 : vector<16xf32>
        %parallel_loop3A_876 = arith.maximumf %parallel_loop3A_834, %parallel_loop3A_875 : vector<16xf32>
        %parallel_loop3A_877 = arith.constant 3 : i32
        %parallel_loop3A_878 = arith.addi %parallel_loop3A_825, %parallel_loop3A_877 : i32
        %parallel_loop3A_879 = arith.constant 16 : i32
        %parallel_loop3A_880 = arith.muli %parallel_loop3A_878, %parallel_loop3A_879 : i32
        %parallel_loop3A_881 = arith.constant 0 : i32
        %parallel_loop3A_882 = arith.index_cast %parallel_loop3A_881 : i32 to index
        %parallel_loop3A_883 = arith.index_cast %parallel_loop3A_880 : i32 to index
        %parallel_loop3A_884 = tpu.vector_load %arg4[%parallel_loop3A_882, %parallel_loop3A_883] {strides = array<i32>} : memref<2x8192xf32, #tpu.memory_space<vmem>>, vector<16xf32>,
        %parallel_loop3A_885 = arith.maximumf %parallel_loop3A_835, %parallel_loop3A_884 : vector<16xf32>
        %parallel_loop3A_886 = arith.minimumf %parallel_loop3A_835, %parallel_loop3A_884 : vector<16xf32>
        %parallel_loop3A_887 = arith.maximumf %parallel_loop3A_836, %parallel_loop3A_886 : vector<16xf32>
        %parallel_loop3A_888 = arith.minimumf %parallel_loop3A_836, %parallel_loop3A_886 : vector<16xf32>
        %parallel_loop3A_889 = arith.maximumf %parallel_loop3A_837, %parallel_loop3A_888 : vector<16xf32>
        scf.yield %parallel_loop3A_846, %parallel_loop3A_848, %parallel_loop3A_850, %parallel_loop3A_859, %parallel_loop3A_861, %parallel_loop3A_863, %parallel_loop3A_872, %parallel_loop3A_874, %parallel_loop3A_876, %parallel_loop3A_885, %parallel_loop3A_887, %parallel_loop3A_889 : vector<16xf32>, vector<16xf32>, vector<16xf32>, vector<16xf32>, vector<16xf32>, vector<16xf32>, vector<16xf32>, vector<16xf32>, vector<16xf32>, vector<16xf32>, vector<16xf32>, vector<16xf32>
      } {sc.loop_unroll_factor = 4 : i64, sc.parallel_access}
      %max3A = arith.maximumf %parallel_loop3A_35#0, %parallel_loop3A_35#3 : vector<16xf32>
      %max3A_36 = arith.maximumf %parallel_loop3A_35#1, %parallel_loop3A_35#4 : vector<16xf32>
      %min3A = arith.minimumf %parallel_loop3A_35#0, %parallel_loop3A_35#3 : vector<16xf32>
      %max3A_37 = arith.maximumf %max3A_36, %min3A : vector<16xf32>
      %max3A_38 = arith.maximumf %parallel_loop3A_35#2, %parallel_loop3A_35#5 : vector<16xf32>
      %min3A_39 = arith.minimumf %parallel_loop3A_35#1, %parallel_loop3A_35#3 : vector<16xf32>
      %min3A_40 = arith.minimumf %parallel_loop3A_35#0, %parallel_loop3A_35#4 : vector<16xf32>
      %max3A_41 = arith.maximumf %min3A_39, %min3A_40 : vector<16xf32>
      %max3A_42 = arith.maximumf %max3A_38, %max3A_41 : vector<16xf32>
      %max3A_43 = arith.maximumf %max3A, %parallel_loop3A_35#6 : vector<16xf32>
      %max3A_44 = arith.maximumf %max3A_37, %parallel_loop3A_35#7 : vector<16xf32>
      %min3A_45 = arith.minimumf %max3A, %parallel_loop3A_35#6 : vector<16xf32>
      %max3A_46 = arith.maximumf %max3A_44, %min3A_45 : vector<16xf32>
      %max3A_47 = arith.maximumf %max3A_42, %parallel_loop3A_35#8 : vector<16xf32>
      %min3A_48 = arith.minimumf %max3A_37, %parallel_loop3A_35#6 : vector<16xf32>
      %min3A_49 = arith.minimumf %max3A, %parallel_loop3A_35#7 : vector<16xf32>
      %max3A_50 = arith.maximumf %min3A_48, %min3A_49 : vector<16xf32>
      %max3A_51 = arith.maximumf %max3A_47, %max3A_50 : vector<16xf32>
      %max3A_52 = arith.maximumf %max3A_43, %parallel_loop3A_35#9 : vector<16xf32>
      %max3A_53 = arith.maximumf %max3A_46, %parallel_loop3A_35#10 : vector<16xf32>
      %min3A_54 = arith.minimumf %max3A_43, %parallel_loop3A_35#9 : vector<16xf32>
      %max3A_55 = arith.maximumf %max3A_53, %min3A_54 : vector<16xf32>
      %max3A_56 = arith.maximumf %max3A_51, %parallel_loop3A_35#11 : vector<16xf32>
      %min3A_57 = arith.minimumf %max3A_46, %parallel_loop3A_35#9 : vector<16xf32>
      %min3A_58 = arith.minimumf %max3A_43, %parallel_loop3A_35#10 : vector<16xf32>
      %max3A_59 = arith.maximumf %min3A_57, %min3A_58 : vector<16xf32>
      %max3A_60 = arith.maximumf %max3A_56, %max3A_59 : vector<16xf32>
      %broadcast_in_dim3A_61 = arith.constant 1.000000e+00 : f32
      %broadcast_in_dim3A_62 = vector.broadcast %broadcast_in_dim3A_61 : f32 to vector<16xf32>
      %broadcast_in_dim3A_63 = arith.constant 0.000000e+00 : f32
      %broadcast_in_dim3A_64 = vector.broadcast %broadcast_in_dim3A_63 : f32 to vector<16xf32>
      %broadcast_in_dim3A_65 = arith.constant -1.000000e+00 : f32
      %broadcast_in_dim3A_66 = vector.broadcast %broadcast_in_dim3A_65 : f32 to vector<16xf32>
      %broadcast_in_dim3A_67 = arith.constant 3.000000e+00 : f32
      %broadcast_in_dim3A_68 = vector.broadcast %broadcast_in_dim3A_67 : f32 to vector<16xf32>
      %reduce_max3A = arith.constant true
      %reduce_max3A_69 = vector.broadcast %reduce_max3A : i1 to vector<16xi1>
      %reduce_max3A_70 = tpu.scan <max>, %max3A_52 masked %reduce_max3A_69 : vector<16xf32>, vector<16xi1> -> vector<16xf32>
      %reduce_max3A_71 = vector.extract %reduce_max3A_70[15] : f32 from vector<16xf32>
      %broadcast_in_dim3A_72 = vector.broadcast %reduce_max3A_71 : f32 to vector<16xf32>
      %eq3A = arith.cmpf oeq, %max3A_52, %broadcast_in_dim3A_72 : vector<16xf32>
      %select_n3A = arith.select %eq3A, %broadcast_in_dim3A_62, %broadcast_in_dim3A_64 : vector<16xi1>, vector<16xf32>
      %eq3A_73 = arith.cmpf oeq, %max3A_55, %broadcast_in_dim3A_72 : vector<16xf32>
      %select_n3A_74 = arith.select %eq3A_73, %broadcast_in_dim3A_62, %broadcast_in_dim3A_64 : vector<16xi1>, vector<16xf32>
      %add3A_75 = arith.addf %select_n3A, %select_n3A_74 : vector<16xf32>
      %eq3A_76 = arith.cmpf oeq, %max3A_60, %broadcast_in_dim3A_72 : vector<16xf32>
      %select_n3A_77 = arith.select %eq3A_76, %broadcast_in_dim3A_62, %broadcast_in_dim3A_64 : vector<16xi1>, vector<16xf32>
      %add3A_78 = arith.addf %add3A_75, %select_n3A_77 : vector<16xf32>
      %reduce_sum3A = arith.constant true
      %reduce_sum3A_79 = vector.broadcast %reduce_sum3A : i1 to vector<16xi1>
      %reduce_sum3A_80 = tpu.scan <sum>, %add3A_78 masked %reduce_sum3A_79 : vector<16xf32>, vector<16xi1> -> vector<16xf32>
      %reduce_sum3A_81 = vector.extract %reduce_sum3A_80[15] : f32 from vector<16xf32>
      %broadcast_in_dim3A_82 = vector.broadcast %reduce_sum3A_81 : f32 to vector<16xf32>
      %lt3A = arith.cmpf olt, %max3A_52, %broadcast_in_dim3A_72 : vector<16xf32>
      %select_n3A_83 = arith.select %lt3A, %max3A_52, %broadcast_in_dim3A_66 : vector<16xi1>, vector<16xf32>
      %lt3A_84 = arith.cmpf olt, %max3A_55, %broadcast_in_dim3A_72 : vector<16xf32>
      %select_n3A_85 = arith.select %lt3A_84, %max3A_55, %broadcast_in_dim3A_66 : vector<16xi1>, vector<16xf32>
      %lt3A_86 = arith.cmpf olt, %max3A_60, %broadcast_in_dim3A_72 : vector<16xf32>
      %select_n3A_87 = arith.select %lt3A_86, %max3A_60, %broadcast_in_dim3A_66 : vector<16xi1>, vector<16xf32>
      %max3A_88 = arith.maximumf %select_n3A_83, %select_n3A_85 : vector<16xf32>
      %max3A_89 = arith.maximumf %max3A_88, %select_n3A_87 : vector<16xf32>
      %reduce_max3A_90 = arith.constant true
      %reduce_max3A_91 = vector.broadcast %reduce_max3A_90 : i1 to vector<16xi1>
      %reduce_max3A_92 = tpu.scan <max>, %max3A_89 masked %reduce_max3A_91 : vector<16xf32>, vector<16xi1> -> vector<16xf32>
      %reduce_max3A_93 = vector.extract %reduce_max3A_92[15] : f32 from vector<16xf32>
      %broadcast_in_dim3A_94 = vector.broadcast %reduce_max3A_93 : f32 to vector<16xf32>
      %eq3A_95 = arith.cmpf oeq, %select_n3A_83, %broadcast_in_dim3A_94 : vector<16xf32>
      %select_n3A_96 = arith.select %eq3A_95, %broadcast_in_dim3A_62, %broadcast_in_dim3A_64 : vector<16xi1>, vector<16xf32>
      %eq3A_97 = arith.cmpf oeq, %select_n3A_85, %broadcast_in_dim3A_94 : vector<16xf32>
      %select_n3A_98 = arith.select %eq3A_97, %broadcast_in_dim3A_62, %broadcast_in_dim3A_64 : vector<16xi1>, vector<16xf32>
      %add3A_99 = arith.addf %select_n3A_96, %select_n3A_98 : vector<16xf32>
      %eq3A_100 = arith.cmpf oeq, %select_n3A_87, %broadcast_in_dim3A_94 : vector<16xf32>
      %select_n3A_101 = arith.select %eq3A_100, %broadcast_in_dim3A_62, %broadcast_in_dim3A_64 : vector<16xi1>, vector<16xf32>
      %add3A_102 = arith.addf %add3A_99, %select_n3A_101 : vector<16xf32>
      %reduce_sum3A_103 = arith.constant true
      %reduce_sum3A_104 = vector.broadcast %reduce_sum3A_103 : i1 to vector<16xi1>
      %reduce_sum3A_105 = tpu.scan <sum>, %add3A_102 masked %reduce_sum3A_104 : vector<16xf32>, vector<16xi1> -> vector<16xf32>
      %reduce_sum3A_106 = vector.extract %reduce_sum3A_105[15] : f32 from vector<16xf32>
      %broadcast_in_dim3A_107 = vector.broadcast %reduce_sum3A_106 : f32 to vector<16xf32>
      %lt3A_108 = arith.cmpf olt, %select_n3A_83, %broadcast_in_dim3A_94 : vector<16xf32>
      %select_n3A_109 = arith.select %lt3A_108, %select_n3A_83, %broadcast_in_dim3A_66 : vector<16xi1>, vector<16xf32>
      %lt3A_110 = arith.cmpf olt, %select_n3A_85, %broadcast_in_dim3A_94 : vector<16xf32>
      %select_n3A_111 = arith.select %lt3A_110, %select_n3A_85, %broadcast_in_dim3A_66 : vector<16xi1>, vector<16xf32>
      %lt3A_112 = arith.cmpf olt, %select_n3A_87, %broadcast_in_dim3A_94 : vector<16xf32>
      %select_n3A_113 = arith.select %lt3A_112, %select_n3A_87, %broadcast_in_dim3A_66 : vector<16xi1>, vector<16xf32>
      %max3A_114 = arith.maximumf %select_n3A_109, %select_n3A_111 : vector<16xf32>
      %max3A_115 = arith.maximumf %max3A_114, %select_n3A_113 : vector<16xf32>
      %reduce_max3A_116 = arith.constant true
      %reduce_max3A_117 = vector.broadcast %reduce_max3A_116 : i1 to vector<16xi1>
      %reduce_max3A_118 = tpu.scan <max>, %max3A_115 masked %reduce_max3A_117 : vector<16xf32>, vector<16xi1> -> vector<16xf32>
      %reduce_max3A_119 = vector.extract %reduce_max3A_118[15] : f32 from vector<16xf32>
      %broadcast_in_dim3A_120 = vector.broadcast %reduce_max3A_119 : f32 to vector<16xf32>
      %ge3A = arith.cmpf oge, %broadcast_in_dim3A_82, %broadcast_in_dim3A_68 : vector<16xf32>
      %add3A_121 = arith.addf %broadcast_in_dim3A_82, %broadcast_in_dim3A_107 : vector<16xf32>
      %ge3A_122 = arith.cmpf oge, %add3A_121, %broadcast_in_dim3A_68 : vector<16xf32>
      %select_n3A_123 = arith.select %ge3A_122, %broadcast_in_dim3A_94, %broadcast_in_dim3A_120 : vector<16xi1>, vector<16xf32>
      %select_n3A_124 = arith.select %ge3A, %broadcast_in_dim3A_72, %select_n3A_123 : vector<16xi1>, vector<16xf32>
      %min3A_125 = arith.minimumf %broadcast_in_dim3A_82, %broadcast_in_dim3A_68 : vector<16xf32>
      %sub3A = arith.subf %broadcast_in_dim3A_68, %min3A_125 : vector<16xf32>
      %min3A_126 = arith.minimumf %broadcast_in_dim3A_107, %sub3A : vector<16xf32>
      %jit3A = arith.constant 0.000000e+00 : f32
      %jit3A_127 = arith.constant 3.000000e+00 : f32
      %max3A_128 = vector.broadcast %jit3A : f32 to vector<16xf32>
      %max3A_129 = arith.maximumf %max3A_128, %min3A_126 : vector<16xf32>
      %min3A_130 = vector.broadcast %jit3A_127 : f32 to vector<16xf32>
      %min3A_131 = arith.minimumf %min3A_130, %max3A_129 : vector<16xf32>
      %sub3A_132 = arith.subf %broadcast_in_dim3A_68, %min3A_125 : vector<16xf32>
      %sub3A_133 = arith.subf %sub3A_132, %min3A_131 : vector<16xf32>
      %mul3A_134 = arith.mulf %min3A_125, %broadcast_in_dim3A_72 : vector<16xf32>
      %mul3A_135 = arith.mulf %min3A_131, %broadcast_in_dim3A_94 : vector<16xf32>
      %add3A_136 = arith.addf %mul3A_134, %mul3A_135 : vector<16xf32>
      %mul3A_137 = arith.mulf %sub3A_133, %broadcast_in_dim3A_120 : vector<16xf32>
      %add3A_138 = arith.addf %add3A_136, %mul3A_137 : vector<16xf32>
      %broadcast_in_dim3A_139 = arith.constant 0 : i32
      %broadcast_in_dim3A_140 = vector.broadcast %broadcast_in_dim3A_139 : i32 to vector<16xi32>
      %broadcast_in_dim3A_141 = arith.constant 1 : i32
      %broadcast_in_dim3A_142 = vector.broadcast %broadcast_in_dim3A_141 : i32 to vector<16xi32>
      %ge3A_143 = arith.cmpf oge, %parallel_loop3A_35#0, %select_n3A_124 : vector<16xf32>
      %select_n3A_144 = arith.select %ge3A_143, %broadcast_in_dim3A_142, %broadcast_in_dim3A_140 : vector<16xi1>, vector<16xi32>
      %add3A_145 = arith.addi %broadcast_in_dim3A_140, %select_n3A_144 : vector<16xi32>
      %ge3A_146 = arith.cmpf oge, %parallel_loop3A_35#1, %select_n3A_124 : vector<16xf32>
      %select_n3A_147 = arith.select %ge3A_146, %broadcast_in_dim3A_142, %broadcast_in_dim3A_140 : vector<16xi1>, vector<16xi32>
      %add3A_148 = arith.addi %add3A_145, %select_n3A_147 : vector<16xi32>
      %ge3A_149 = arith.cmpf oge, %parallel_loop3A_35#2, %select_n3A_124 : vector<16xf32>
      %select_n3A_150 = arith.select %ge3A_149, %broadcast_in_dim3A_142, %broadcast_in_dim3A_140 : vector<16xi1>, vector<16xi32>
      %add3A_151 = arith.addi %add3A_148, %select_n3A_150 : vector<16xi32>
      %ge3A_152 = arith.cmpf oge, %parallel_loop3A_35#2, %select_n3A_124 : vector<16xf32>
      %select_n3A_153 = arith.select %ge3A_152, %broadcast_in_dim3A_142, %broadcast_in_dim3A_140 : vector<16xi1>, vector<16xi32>
      %add3A_154 = arith.addi %broadcast_in_dim3A_140, %select_n3A_153 : vector<16xi32>
      %ge3A_155 = arith.cmpf oge, %parallel_loop3A_35#3, %select_n3A_124 : vector<16xf32>
      %select_n3A_156 = arith.select %ge3A_155, %broadcast_in_dim3A_142, %broadcast_in_dim3A_140 : vector<16xi1>, vector<16xi32>
      %add3A_157 = arith.addi %add3A_151, %select_n3A_156 : vector<16xi32>
      %ge3A_158 = arith.cmpf oge, %parallel_loop3A_35#4, %select_n3A_124 : vector<16xf32>
      %select_n3A_159 = arith.select %ge3A_158, %broadcast_in_dim3A_142, %broadcast_in_dim3A_140 : vector<16xi1>, vector<16xi32>
      %add3A_160 = arith.addi %add3A_157, %select_n3A_159 : vector<16xi32>
      %ge3A_161 = arith.cmpf oge, %parallel_loop3A_35#5, %select_n3A_124 : vector<16xf32>
      %select_n3A_162 = arith.select %ge3A_161, %broadcast_in_dim3A_142, %broadcast_in_dim3A_140 : vector<16xi1>, vector<16xi32>
      %add3A_163 = arith.addi %add3A_160, %select_n3A_162 : vector<16xi32>
      %ge3A_164 = arith.cmpf oge, %parallel_loop3A_35#5, %select_n3A_124 : vector<16xf32>
      %select_n3A_165 = arith.select %ge3A_164, %broadcast_in_dim3A_142, %broadcast_in_dim3A_140 : vector<16xi1>, vector<16xi32>
      %add3A_166 = arith.addi %add3A_154, %select_n3A_165 : vector<16xi32>
      %ge3A_167 = arith.cmpf oge, %parallel_loop3A_35#6, %select_n3A_124 : vector<16xf32>
      %select_n3A_168 = arith.select %ge3A_167, %broadcast_in_dim3A_142, %broadcast_in_dim3A_140 : vector<16xi1>, vector<16xi32>
      %add3A_169 = arith.addi %add3A_163, %select_n3A_168 : vector<16xi32>
      %ge3A_170 = arith.cmpf oge, %parallel_loop3A_35#7, %select_n3A_124 : vector<16xf32>
      %select_n3A_171 = arith.select %ge3A_170, %broadcast_in_dim3A_142, %broadcast_in_dim3A_140 : vector<16xi1>, vector<16xi32>
      %add3A_172 = arith.addi %add3A_169, %select_n3A_171 : vector<16xi32>
      %ge3A_173 = arith.cmpf oge, %parallel_loop3A_35#8, %select_n3A_124 : vector<16xf32>
      %select_n3A_174 = arith.select %ge3A_173, %broadcast_in_dim3A_142, %broadcast_in_dim3A_140 : vector<16xi1>, vector<16xi32>
      %add3A_175 = arith.addi %add3A_172, %select_n3A_174 : vector<16xi32>
      %ge3A_176 = arith.cmpf oge, %parallel_loop3A_35#8, %select_n3A_124 : vector<16xf32>
      %select_n3A_177 = arith.select %ge3A_176, %broadcast_in_dim3A_142, %broadcast_in_dim3A_140 : vector<16xi1>, vector<16xi32>
      %add3A_178 = arith.addi %add3A_166, %select_n3A_177 : vector<16xi32>
      %ge3A_179 = arith.cmpf oge, %parallel_loop3A_35#9, %select_n3A_124 : vector<16xf32>
      %select_n3A_180 = arith.select %ge3A_179, %broadcast_in_dim3A_142, %broadcast_in_dim3A_140 : vector<16xi1>, vector<16xi32>
      %add3A_181 = arith.addi %add3A_175, %select_n3A_180 : vector<16xi32>
      %ge3A_182 = arith.cmpf oge, %parallel_loop3A_35#10, %select_n3A_124 : vector<16xf32>
      %select_n3A_183 = arith.select %ge3A_182, %broadcast_in_dim3A_142, %broadcast_in_dim3A_140 : vector<16xi1>, vector<16xi32>
      %add3A_184 = arith.addi %add3A_181, %select_n3A_183 : vector<16xi32>
      %ge3A_185 = arith.cmpf oge, %parallel_loop3A_35#11, %select_n3A_124 : vector<16xf32>
      %select_n3A_186 = arith.select %ge3A_185, %broadcast_in_dim3A_142, %broadcast_in_dim3A_140 : vector<16xi1>, vector<16xi32>
      %add3A_187 = arith.addi %add3A_184, %select_n3A_186 : vector<16xi32>
      %ge3A_188 = arith.cmpf oge, %parallel_loop3A_35#11, %select_n3A_124 : vector<16xf32>
      %select_n3A_189 = arith.select %ge3A_188, %broadcast_in_dim3A_142, %broadcast_in_dim3A_140 : vector<16xi1>, vector<16xi32>
      %add3A_190 = arith.addi %add3A_178, %select_n3A_189 : vector<16xi32>
      %reduce_sum3A_191 = arith.constant true
      %reduce_sum3A_192 = vector.broadcast %reduce_sum3A_191 : i1 to vector<16xi1>
      %reduce_sum3A_193 = tpu.scan <sum>, %add3A_187 masked %reduce_sum3A_192 : vector<16xi32>, vector<16xi1> -> vector<16xi32>
      %reduce_sum3A_194 = vector.extract %reduce_sum3A_193[15] : i32 from vector<16xi32>
      %reduce_sum3A_195 = arith.constant true
      %reduce_sum3A_196 = vector.broadcast %reduce_sum3A_195 : i1 to vector<16xi1>
      %reduce_sum3A_197 = tpu.scan <sum>, %add3A_190 masked %reduce_sum3A_196 : vector<16xi32>, vector<16xi1> -> vector<16xi32>
      %reduce_sum3A_198 = vector.extract %reduce_sum3A_197[15] : i32 from vector<16xi32>
      %ne3A = arith.constant 3 : i32
      %ne3A_199 = arith.cmpi ne, %reduce_sum3A_194, %ne3A : i32
      %gt3A = arith.constant 0 : i32
      %gt3A_200 = arith.cmpi sgt, %reduce_sum3A_198, %gt3A : i32
      %or3A = arith.ori %ne3A_199, %gt3A_200 : i1
      %convert_element_type3A = arith.extui %or3A : i1 to i32
      %cond3A = arith.constant 0 : i32
      %cond3A_201 = arith.cmpi ne, %convert_element_type3A, %cond3A : i32
      %cond3A_202 = scf.if %cond3A_201 -> (vector<16xf32>) {
        %parallel_loop3A_825 = arith.constant 0 : i32
        %parallel_loop3A_826 = arith.constant 512 : i32
        %parallel_loop3A_827 = arith.constant 4 : i32
        %parallel_loop3A_828:4 = scf.for %parallel_loop3A_837 = %parallel_loop3A_825 to %parallel_loop3A_826 step %parallel_loop3A_827 iter_args(%parallel_loop3A_838 = %broadcast_in_dim3A_64, %parallel_loop3A_839 = %broadcast_in_dim3A_64, %parallel_loop3A_840 = %broadcast_in_dim3A_64, %parallel_loop3A_841 = %broadcast_in_dim3A_64) -> (vector<16xf32>, vector<16xf32>, vector<16xf32>, vector<16xf32>)  : i32 {
          %parallel_loop3A_842 = arith.constant 0 : i32
          %parallel_loop3A_843 = arith.addi %parallel_loop3A_837, %parallel_loop3A_842 : i32
          %parallel_loop3A_844 = arith.constant 16 : i32
          %parallel_loop3A_845 = arith.muli %parallel_loop3A_843, %parallel_loop3A_844 : i32
          %parallel_loop3A_846 = arith.constant 0 : i32
          %parallel_loop3A_847 = arith.index_cast %parallel_loop3A_846 : i32 to index
          %parallel_loop3A_848 = arith.index_cast %parallel_loop3A_845 : i32 to index
          %parallel_loop3A_849 = tpu.vector_load %arg4[%parallel_loop3A_847, %parallel_loop3A_848] {strides = array<i32>} : memref<2x8192xf32, #tpu.memory_space<vmem>>, vector<16xf32>,
          %parallel_loop3A_850 = arith.cmpf oge, %parallel_loop3A_849, %select_n3A_124 : vector<16xf32>
          %parallel_loop3A_851 = arith.constant 0.000000e+00 : f32
          %parallel_loop3A_852 = vector.broadcast %parallel_loop3A_851 : f32 to vector<16xf32>
          %parallel_loop3A_853 = arith.select %parallel_loop3A_850, %parallel_loop3A_849, %parallel_loop3A_852 : vector<16xi1>, vector<16xf32>
          %parallel_loop3A_854 = arith.addf %parallel_loop3A_838, %parallel_loop3A_853 : vector<16xf32>
          %parallel_loop3A_855 = arith.constant 1 : i32
          %parallel_loop3A_856 = arith.addi %parallel_loop3A_837, %parallel_loop3A_855 : i32
          %parallel_loop3A_857 = arith.constant 16 : i32
          %parallel_loop3A_858 = arith.muli %parallel_loop3A_856, %parallel_loop3A_857 : i32
          %parallel_loop3A_859 = arith.constant 0 : i32
          %parallel_loop3A_860 = arith.index_cast %parallel_loop3A_859 : i32 to index
          %parallel_loop3A_861 = arith.index_cast %parallel_loop3A_858 : i32 to index
          %parallel_loop3A_862 = tpu.vector_load %arg4[%parallel_loop3A_860, %parallel_loop3A_861] {strides = array<i32>} : memref<2x8192xf32, #tpu.memory_space<vmem>>, vector<16xf32>,
          %parallel_loop3A_863 = arith.cmpf oge, %parallel_loop3A_862, %select_n3A_124 : vector<16xf32>
          %parallel_loop3A_864 = arith.constant 0.000000e+00 : f32
          %parallel_loop3A_865 = vector.broadcast %parallel_loop3A_864 : f32 to vector<16xf32>
          %parallel_loop3A_866 = arith.select %parallel_loop3A_863, %parallel_loop3A_862, %parallel_loop3A_865 : vector<16xi1>, vector<16xf32>
          %parallel_loop3A_867 = arith.addf %parallel_loop3A_839, %parallel_loop3A_866 : vector<16xf32>
          %parallel_loop3A_868 = arith.constant 2 : i32
          %parallel_loop3A_869 = arith.addi %parallel_loop3A_837, %parallel_loop3A_868 : i32
          %parallel_loop3A_870 = arith.constant 16 : i32
          %parallel_loop3A_871 = arith.muli %parallel_loop3A_869, %parallel_loop3A_870 : i32
          %parallel_loop3A_872 = arith.constant 0 : i32
          %parallel_loop3A_873 = arith.index_cast %parallel_loop3A_872 : i32 to index
          %parallel_loop3A_874 = arith.index_cast %parallel_loop3A_871 : i32 to index
          %parallel_loop3A_875 = tpu.vector_load %arg4[%parallel_loop3A_873, %parallel_loop3A_874] {strides = array<i32>} : memref<2x8192xf32, #tpu.memory_space<vmem>>, vector<16xf32>,
          %parallel_loop3A_876 = arith.cmpf oge, %parallel_loop3A_875, %select_n3A_124 : vector<16xf32>
          %parallel_loop3A_877 = arith.constant 0.000000e+00 : f32
          %parallel_loop3A_878 = vector.broadcast %parallel_loop3A_877 : f32 to vector<16xf32>
          %parallel_loop3A_879 = arith.select %parallel_loop3A_876, %parallel_loop3A_875, %parallel_loop3A_878 : vector<16xi1>, vector<16xf32>
          %parallel_loop3A_880 = arith.addf %parallel_loop3A_840, %parallel_loop3A_879 : vector<16xf32>
          %parallel_loop3A_881 = arith.constant 3 : i32
          %parallel_loop3A_882 = arith.addi %parallel_loop3A_837, %parallel_loop3A_881 : i32
          %parallel_loop3A_883 = arith.constant 16 : i32
          %parallel_loop3A_884 = arith.muli %parallel_loop3A_882, %parallel_loop3A_883 : i32
          %parallel_loop3A_885 = arith.constant 0 : i32
          %parallel_loop3A_886 = arith.index_cast %parallel_loop3A_885 : i32 to index
          %parallel_loop3A_887 = arith.index_cast %parallel_loop3A_884 : i32 to index
          %parallel_loop3A_888 = tpu.vector_load %arg4[%parallel_loop3A_886, %parallel_loop3A_887] {strides = array<i32>} : memref<2x8192xf32, #tpu.memory_space<vmem>>, vector<16xf32>,
          %parallel_loop3A_889 = arith.cmpf oge, %parallel_loop3A_888, %select_n3A_124 : vector<16xf32>
          %parallel_loop3A_890 = arith.constant 0.000000e+00 : f32
          %parallel_loop3A_891 = vector.broadcast %parallel_loop3A_890 : f32 to vector<16xf32>
          %parallel_loop3A_892 = arith.select %parallel_loop3A_889, %parallel_loop3A_888, %parallel_loop3A_891 : vector<16xi1>, vector<16xf32>
          %parallel_loop3A_893 = arith.addf %parallel_loop3A_841, %parallel_loop3A_892 : vector<16xf32>
          scf.yield %parallel_loop3A_854, %parallel_loop3A_867, %parallel_loop3A_880, %parallel_loop3A_893 : vector<16xf32>, vector<16xf32>, vector<16xf32>, vector<16xf32>
        } {sc.loop_unroll_factor = 4 : i64, sc.parallel_access}
        %add3A_829 = arith.addf %parallel_loop3A_828#0, %parallel_loop3A_828#1 : vector<16xf32>
        %add3A_830 = arith.addf %add3A_829, %parallel_loop3A_828#2 : vector<16xf32>
        %add3A_831 = arith.addf %add3A_830, %parallel_loop3A_828#3 : vector<16xf32>
        %reduce_sum3A_832 = arith.constant true
        %reduce_sum3A_833 = vector.broadcast %reduce_sum3A_832 : i1 to vector<16xi1>
        %reduce_sum3A_834 = tpu.scan <sum>, %add3A_831 masked %reduce_sum3A_833 : vector<16xf32>, vector<16xi1> -> vector<16xf32>
        %reduce_sum3A_835 = vector.extract %reduce_sum3A_834[15] : f32 from vector<16xf32>
        %broadcast_in_dim3A_836 = vector.broadcast %reduce_sum3A_835 : f32 to vector<16xf32>
        scf.yield %broadcast_in_dim3A_836 : vector<16xf32>
      } else {
        scf.yield %add3A_138 : vector<16xf32>
      }
      %div3A = arith.constant 1.000000e+00 : f32
      %div3A_203 = vector.broadcast %div3A : f32 to vector<16xf32>
      %div3A_204 = arith.divf %div3A_203, %cond3A_202 : vector<16xf32>
      %broadcast_in_dim3A_205 = arith.constant -1.000000e+00 : f32
      %broadcast_in_dim3A_206 = vector.broadcast %broadcast_in_dim3A_205 : f32 to vector<16xf32>
      %parallel_loop3A_207 = arith.constant 0 : i32
      %parallel_loop3A_208 = arith.constant 512 : i32
      %parallel_loop3A_209 = arith.constant 4 : i32
      %parallel_loop3A_210:12 = scf.for %parallel_loop3A_825 = %parallel_loop3A_207 to %parallel_loop3A_208 step %parallel_loop3A_209 iter_args(%parallel_loop3A_826 = %broadcast_in_dim3A_206, %parallel_loop3A_827 = %broadcast_in_dim3A_206, %parallel_loop3A_828 = %broadcast_in_dim3A_206, %parallel_loop3A_829 = %broadcast_in_dim3A_206, %parallel_loop3A_830 = %broadcast_in_dim3A_206, %parallel_loop3A_831 = %broadcast_in_dim3A_206, %parallel_loop3A_832 = %broadcast_in_dim3A_206, %parallel_loop3A_833 = %broadcast_in_dim3A_206, %parallel_loop3A_834 = %broadcast_in_dim3A_206, %parallel_loop3A_835 = %broadcast_in_dim3A_206, %parallel_loop3A_836 = %broadcast_in_dim3A_206, %parallel_loop3A_837 = %broadcast_in_dim3A_206) -> (vector<16xf32>, vector<16xf32>, vector<16xf32>, vector<16xf32>, vector<16xf32>, vector<16xf32>, vector<16xf32>, vector<16xf32>, vector<16xf32>, vector<16xf32>, vector<16xf32>, vector<16xf32>)  : i32 {
        %parallel_loop3A_838 = arith.constant 0 : i32
        %parallel_loop3A_839 = arith.addi %parallel_loop3A_825, %parallel_loop3A_838 : i32
        %parallel_loop3A_840 = arith.constant 16 : i32
        %parallel_loop3A_841 = arith.muli %parallel_loop3A_839, %parallel_loop3A_840 : i32
        %parallel_loop3A_842 = arith.constant 1 : i32
        %parallel_loop3A_843 = arith.index_cast %parallel_loop3A_842 : i32 to index
        %parallel_loop3A_844 = arith.index_cast %parallel_loop3A_841 : i32 to index
        %parallel_loop3A_845 = tpu.vector_load %arg4[%parallel_loop3A_843, %parallel_loop3A_844] {strides = array<i32>} : memref<2x8192xf32, #tpu.memory_space<vmem>>, vector<16xf32>,
        %parallel_loop3A_846 = arith.maximumf %parallel_loop3A_826, %parallel_loop3A_845 : vector<16xf32>
        %parallel_loop3A_847 = arith.minimumf %parallel_loop3A_826, %parallel_loop3A_845 : vector<16xf32>
        %parallel_loop3A_848 = arith.maximumf %parallel_loop3A_827, %parallel_loop3A_847 : vector<16xf32>
        %parallel_loop3A_849 = arith.minimumf %parallel_loop3A_827, %parallel_loop3A_847 : vector<16xf32>
        %parallel_loop3A_850 = arith.maximumf %parallel_loop3A_828, %parallel_loop3A_849 : vector<16xf32>
        %parallel_loop3A_851 = arith.constant 1 : i32
        %parallel_loop3A_852 = arith.addi %parallel_loop3A_825, %parallel_loop3A_851 : i32
        %parallel_loop3A_853 = arith.constant 16 : i32
        %parallel_loop3A_854 = arith.muli %parallel_loop3A_852, %parallel_loop3A_853 : i32
        %parallel_loop3A_855 = arith.constant 1 : i32
        %parallel_loop3A_856 = arith.index_cast %parallel_loop3A_855 : i32 to index
        %parallel_loop3A_857 = arith.index_cast %parallel_loop3A_854 : i32 to index
        %parallel_loop3A_858 = tpu.vector_load %arg4[%parallel_loop3A_856, %parallel_loop3A_857] {strides = array<i32>} : memref<2x8192xf32, #tpu.memory_space<vmem>>, vector<16xf32>,
        %parallel_loop3A_859 = arith.maximumf %parallel_loop3A_829, %parallel_loop3A_858 : vector<16xf32>
        %parallel_loop3A_860 = arith.minimumf %parallel_loop3A_829, %parallel_loop3A_858 : vector<16xf32>
        %parallel_loop3A_861 = arith.maximumf %parallel_loop3A_830, %parallel_loop3A_860 : vector<16xf32>
        %parallel_loop3A_862 = arith.minimumf %parallel_loop3A_830, %parallel_loop3A_860 : vector<16xf32>
        %parallel_loop3A_863 = arith.maximumf %parallel_loop3A_831, %parallel_loop3A_862 : vector<16xf32>
        %parallel_loop3A_864 = arith.constant 2 : i32
        %parallel_loop3A_865 = arith.addi %parallel_loop3A_825, %parallel_loop3A_864 : i32
        %parallel_loop3A_866 = arith.constant 16 : i32
        %parallel_loop3A_867 = arith.muli %parallel_loop3A_865, %parallel_loop3A_866 : i32
        %parallel_loop3A_868 = arith.constant 1 : i32
        %parallel_loop3A_869 = arith.index_cast %parallel_loop3A_868 : i32 to index
        %parallel_loop3A_870 = arith.index_cast %parallel_loop3A_867 : i32 to index
        %parallel_loop3A_871 = tpu.vector_load %arg4[%parallel_loop3A_869, %parallel_loop3A_870] {strides = array<i32>} : memref<2x8192xf32, #tpu.memory_space<vmem>>, vector<16xf32>,
        %parallel_loop3A_872 = arith.maximumf %parallel_loop3A_832, %parallel_loop3A_871 : vector<16xf32>
        %parallel_loop3A_873 = arith.minimumf %parallel_loop3A_832, %parallel_loop3A_871 : vector<16xf32>
        %parallel_loop3A_874 = arith.maximumf %parallel_loop3A_833, %parallel_loop3A_873 : vector<16xf32>
        %parallel_loop3A_875 = arith.minimumf %parallel_loop3A_833, %parallel_loop3A_873 : vector<16xf32>
        %parallel_loop3A_876 = arith.maximumf %parallel_loop3A_834, %parallel_loop3A_875 : vector<16xf32>
        %parallel_loop3A_877 = arith.constant 3 : i32
        %parallel_loop3A_878 = arith.addi %parallel_loop3A_825, %parallel_loop3A_877 : i32
        %parallel_loop3A_879 = arith.constant 16 : i32
        %parallel_loop3A_880 = arith.muli %parallel_loop3A_878, %parallel_loop3A_879 : i32
        %parallel_loop3A_881 = arith.constant 1 : i32
        %parallel_loop3A_882 = arith.index_cast %parallel_loop3A_881 : i32 to index
        %parallel_loop3A_883 = arith.index_cast %parallel_loop3A_880 : i32 to index
        %parallel_loop3A_884 = tpu.vector_load %arg4[%parallel_loop3A_882, %parallel_loop3A_883] {strides = array<i32>} : memref<2x8192xf32, #tpu.memory_space<vmem>>, vector<16xf32>,
        %parallel_loop3A_885 = arith.maximumf %parallel_loop3A_835, %parallel_loop3A_884 : vector<16xf32>
        %parallel_loop3A_886 = arith.minimumf %parallel_loop3A_835, %parallel_loop3A_884 : vector<16xf32>
        %parallel_loop3A_887 = arith.maximumf %parallel_loop3A_836, %parallel_loop3A_886 : vector<16xf32>
        %parallel_loop3A_888 = arith.minimumf %parallel_loop3A_836, %parallel_loop3A_886 : vector<16xf32>
        %parallel_loop3A_889 = arith.maximumf %parallel_loop3A_837, %parallel_loop3A_888 : vector<16xf32>
        scf.yield %parallel_loop3A_846, %parallel_loop3A_848, %parallel_loop3A_850, %parallel_loop3A_859, %parallel_loop3A_861, %parallel_loop3A_863, %parallel_loop3A_872, %parallel_loop3A_874, %parallel_loop3A_876, %parallel_loop3A_885, %parallel_loop3A_887, %parallel_loop3A_889 : vector<16xf32>, vector<16xf32>, vector<16xf32>, vector<16xf32>, vector<16xf32>, vector<16xf32>, vector<16xf32>, vector<16xf32>, vector<16xf32>, vector<16xf32>, vector<16xf32>, vector<16xf32>
      } {sc.loop_unroll_factor = 4 : i64, sc.parallel_access}
      %max3A_211 = arith.maximumf %parallel_loop3A_210#0, %parallel_loop3A_210#3 : vector<16xf32>
      %max3A_212 = arith.maximumf %parallel_loop3A_210#1, %parallel_loop3A_210#4 : vector<16xf32>
      %min3A_213 = arith.minimumf %parallel_loop3A_210#0, %parallel_loop3A_210#3 : vector<16xf32>
      %max3A_214 = arith.maximumf %max3A_212, %min3A_213 : vector<16xf32>
      %max3A_215 = arith.maximumf %parallel_loop3A_210#2, %parallel_loop3A_210#5 : vector<16xf32>
      %min3A_216 = arith.minimumf %parallel_loop3A_210#1, %parallel_loop3A_210#3 : vector<16xf32>
      %min3A_217 = arith.minimumf %parallel_loop3A_210#0, %parallel_loop3A_210#4 : vector<16xf32>
      %max3A_218 = arith.maximumf %min3A_216, %min3A_217 : vector<16xf32>
      %max3A_219 = arith.maximumf %max3A_215, %max3A_218 : vector<16xf32>
      %max3A_220 = arith.maximumf %max3A_211, %parallel_loop3A_210#6 : vector<16xf32>
      %max3A_221 = arith.maximumf %max3A_214, %parallel_loop3A_210#7 : vector<16xf32>
      %min3A_222 = arith.minimumf %max3A_211, %parallel_loop3A_210#6 : vector<16xf32>
      %max3A_223 = arith.maximumf %max3A_221, %min3A_222 : vector<16xf32>
      %max3A_224 = arith.maximumf %max3A_219, %parallel_loop3A_210#8 : vector<16xf32>
      %min3A_225 = arith.minimumf %max3A_214, %parallel_loop3A_210#6 : vector<16xf32>
      %min3A_226 = arith.minimumf %max3A_211, %parallel_loop3A_210#7 : vector<16xf32>
      %max3A_227 = arith.maximumf %min3A_225, %min3A_226 : vector<16xf32>
      %max3A_228 = arith.maximumf %max3A_224, %max3A_227 : vector<16xf32>
      %max3A_229 = arith.maximumf %max3A_220, %parallel_loop3A_210#9 : vector<16xf32>
      %max3A_230 = arith.maximumf %max3A_223, %parallel_loop3A_210#10 : vector<16xf32>
      %min3A_231 = arith.minimumf %max3A_220, %parallel_loop3A_210#9 : vector<16xf32>
      %max3A_232 = arith.maximumf %max3A_230, %min3A_231 : vector<16xf32>
      %max3A_233 = arith.maximumf %max3A_228, %parallel_loop3A_210#11 : vector<16xf32>
      %min3A_234 = arith.minimumf %max3A_223, %parallel_loop3A_210#9 : vector<16xf32>
      %min3A_235 = arith.minimumf %max3A_220, %parallel_loop3A_210#10 : vector<16xf32>
      %max3A_236 = arith.maximumf %min3A_234, %min3A_235 : vector<16xf32>
      %max3A_237 = arith.maximumf %max3A_233, %max3A_236 : vector<16xf32>
      %broadcast_in_dim3A_238 = arith.constant 1.000000e+00 : f32
      %broadcast_in_dim3A_239 = vector.broadcast %broadcast_in_dim3A_238 : f32 to vector<16xf32>
      %broadcast_in_dim3A_240 = arith.constant 0.000000e+00 : f32
      %broadcast_in_dim3A_241 = vector.broadcast %broadcast_in_dim3A_240 : f32 to vector<16xf32>
      %broadcast_in_dim3A_242 = arith.constant -1.000000e+00 : f32
      %broadcast_in_dim3A_243 = vector.broadcast %broadcast_in_dim3A_242 : f32 to vector<16xf32>
      %broadcast_in_dim3A_244 = arith.constant 3.000000e+00 : f32
      %broadcast_in_dim3A_245 = vector.broadcast %broadcast_in_dim3A_244 : f32 to vector<16xf32>
      %reduce_max3A_246 = arith.constant true
      %reduce_max3A_247 = vector.broadcast %reduce_max3A_246 : i1 to vector<16xi1>
      %reduce_max3A_248 = tpu.scan <max>, %max3A_229 masked %reduce_max3A_247 : vector<16xf32>, vector<16xi1> -> vector<16xf32>
      %reduce_max3A_249 = vector.extract %reduce_max3A_248[15] : f32 from vector<16xf32>
      %broadcast_in_dim3A_250 = vector.broadcast %reduce_max3A_249 : f32 to vector<16xf32>
      %eq3A_251 = arith.cmpf oeq, %max3A_229, %broadcast_in_dim3A_250 : vector<16xf32>
      %select_n3A_252 = arith.select %eq3A_251, %broadcast_in_dim3A_239, %broadcast_in_dim3A_241 : vector<16xi1>, vector<16xf32>
      %eq3A_253 = arith.cmpf oeq, %max3A_232, %broadcast_in_dim3A_250 : vector<16xf32>
      %select_n3A_254 = arith.select %eq3A_253, %broadcast_in_dim3A_239, %broadcast_in_dim3A_241 : vector<16xi1>, vector<16xf32>
      %add3A_255 = arith.addf %select_n3A_252, %select_n3A_254 : vector<16xf32>
      %eq3A_256 = arith.cmpf oeq, %max3A_237, %broadcast_in_dim3A_250 : vector<16xf32>
      %select_n3A_257 = arith.select %eq3A_256, %broadcast_in_dim3A_239, %broadcast_in_dim3A_241 : vector<16xi1>, vector<16xf32>
      %add3A_258 = arith.addf %add3A_255, %select_n3A_257 : vector<16xf32>
      %reduce_sum3A_259 = arith.constant true
      %reduce_sum3A_260 = vector.broadcast %reduce_sum3A_259 : i1 to vector<16xi1>
      %reduce_sum3A_261 = tpu.scan <sum>, %add3A_258 masked %reduce_sum3A_260 : vector<16xf32>, vector<16xi1> -> vector<16xf32>
      %reduce_sum3A_262 = vector.extract %reduce_sum3A_261[15] : f32 from vector<16xf32>
      %broadcast_in_dim3A_263 = vector.broadcast %reduce_sum3A_262 : f32 to vector<16xf32>
      %lt3A_264 = arith.cmpf olt, %max3A_229, %broadcast_in_dim3A_250 : vector<16xf32>
      %select_n3A_265 = arith.select %lt3A_264, %max3A_229, %broadcast_in_dim3A_243 : vector<16xi1>, vector<16xf32>
      %lt3A_266 = arith.cmpf olt, %max3A_232, %broadcast_in_dim3A_250 : vector<16xf32>
      %select_n3A_267 = arith.select %lt3A_266, %max3A_232, %broadcast_in_dim3A_243 : vector<16xi1>, vector<16xf32>
      %lt3A_268 = arith.cmpf olt, %max3A_237, %broadcast_in_dim3A_250 : vector<16xf32>
      %select_n3A_269 = arith.select %lt3A_268, %max3A_237, %broadcast_in_dim3A_243 : vector<16xi1>, vector<16xf32>
      %max3A_270 = arith.maximumf %select_n3A_265, %select_n3A_267 : vector<16xf32>
      %max3A_271 = arith.maximumf %max3A_270, %select_n3A_269 : vector<16xf32>
      %reduce_max3A_272 = arith.constant true
      %reduce_max3A_273 = vector.broadcast %reduce_max3A_272 : i1 to vector<16xi1>
      %reduce_max3A_274 = tpu.scan <max>, %max3A_271 masked %reduce_max3A_273 : vector<16xf32>, vector<16xi1> -> vector<16xf32>
      %reduce_max3A_275 = vector.extract %reduce_max3A_274[15] : f32 from vector<16xf32>
      %broadcast_in_dim3A_276 = vector.broadcast %reduce_max3A_275 : f32 to vector<16xf32>
      %eq3A_277 = arith.cmpf oeq, %select_n3A_265, %broadcast_in_dim3A_276 : vector<16xf32>
      %select_n3A_278 = arith.select %eq3A_277, %broadcast_in_dim3A_239, %broadcast_in_dim3A_241 : vector<16xi1>, vector<16xf32>
      %eq3A_279 = arith.cmpf oeq, %select_n3A_267, %broadcast_in_dim3A_276 : vector<16xf32>
      %select_n3A_280 = arith.select %eq3A_279, %broadcast_in_dim3A_239, %broadcast_in_dim3A_241 : vector<16xi1>, vector<16xf32>
      %add3A_281 = arith.addf %select_n3A_278, %select_n3A_280 : vector<16xf32>
      %eq3A_282 = arith.cmpf oeq, %select_n3A_269, %broadcast_in_dim3A_276 : vector<16xf32>
      %select_n3A_283 = arith.select %eq3A_282, %broadcast_in_dim3A_239, %broadcast_in_dim3A_241 : vector<16xi1>, vector<16xf32>
      %add3A_284 = arith.addf %add3A_281, %select_n3A_283 : vector<16xf32>
      %reduce_sum3A_285 = arith.constant true
      %reduce_sum3A_286 = vector.broadcast %reduce_sum3A_285 : i1 to vector<16xi1>
      %reduce_sum3A_287 = tpu.scan <sum>, %add3A_284 masked %reduce_sum3A_286 : vector<16xf32>, vector<16xi1> -> vector<16xf32>
      %reduce_sum3A_288 = vector.extract %reduce_sum3A_287[15] : f32 from vector<16xf32>
      %broadcast_in_dim3A_289 = vector.broadcast %reduce_sum3A_288 : f32 to vector<16xf32>
      %lt3A_290 = arith.cmpf olt, %select_n3A_265, %broadcast_in_dim3A_276 : vector<16xf32>
      %select_n3A_291 = arith.select %lt3A_290, %select_n3A_265, %broadcast_in_dim3A_243 : vector<16xi1>, vector<16xf32>
      %lt3A_292 = arith.cmpf olt, %select_n3A_267, %broadcast_in_dim3A_276 : vector<16xf32>
      %select_n3A_293 = arith.select %lt3A_292, %select_n3A_267, %broadcast_in_dim3A_243 : vector<16xi1>, vector<16xf32>
      %lt3A_294 = arith.cmpf olt, %select_n3A_269, %broadcast_in_dim3A_276 : vector<16xf32>
      %select_n3A_295 = arith.select %lt3A_294, %select_n3A_269, %broadcast_in_dim3A_243 : vector<16xi1>, vector<16xf32>
      %max3A_296 = arith.maximumf %select_n3A_291, %select_n3A_293 : vector<16xf32>
      %max3A_297 = arith.maximumf %max3A_296, %select_n3A_295 : vector<16xf32>
      %reduce_max3A_298 = arith.constant true
      %reduce_max3A_299 = vector.broadcast %reduce_max3A_298 : i1 to vector<16xi1>
      %reduce_max3A_300 = tpu.scan <max>, %max3A_297 masked %reduce_max3A_299 : vector<16xf32>, vector<16xi1> -> vector<16xf32>
      %reduce_max3A_301 = vector.extract %reduce_max3A_300[15] : f32 from vector<16xf32>
      %broadcast_in_dim3A_302 = vector.broadcast %reduce_max3A_301 : f32 to vector<16xf32>
      %ge3A_303 = arith.cmpf oge, %broadcast_in_dim3A_263, %broadcast_in_dim3A_245 : vector<16xf32>
      %add3A_304 = arith.addf %broadcast_in_dim3A_263, %broadcast_in_dim3A_289 : vector<16xf32>
      %ge3A_305 = arith.cmpf oge, %add3A_304, %broadcast_in_dim3A_245 : vector<16xf32>
      %select_n3A_306 = arith.select %ge3A_305, %broadcast_in_dim3A_276, %broadcast_in_dim3A_302 : vector<16xi1>, vector<16xf32>
      %select_n3A_307 = arith.select %ge3A_303, %broadcast_in_dim3A_250, %select_n3A_306 : vector<16xi1>, vector<16xf32>
      %min3A_308 = arith.minimumf %broadcast_in_dim3A_263, %broadcast_in_dim3A_245 : vector<16xf32>
      %sub3A_309 = arith.subf %broadcast_in_dim3A_245, %min3A_308 : vector<16xf32>
      %min3A_310 = arith.minimumf %broadcast_in_dim3A_289, %sub3A_309 : vector<16xf32>
      %jit3A_311 = arith.constant 0.000000e+00 : f32
      %jit3A_312 = arith.constant 3.000000e+00 : f32
      %max3A_313 = vector.broadcast %jit3A_311 : f32 to vector<16xf32>
      %max3A_314 = arith.maximumf %max3A_313, %min3A_310 : vector<16xf32>
      %min3A_315 = vector.broadcast %jit3A_312 : f32 to vector<16xf32>
      %min3A_316 = arith.minimumf %min3A_315, %max3A_314 : vector<16xf32>
      %sub3A_317 = arith.subf %broadcast_in_dim3A_245, %min3A_308 : vector<16xf32>
      %sub3A_318 = arith.subf %sub3A_317, %min3A_316 : vector<16xf32>
      %mul3A_319 = arith.mulf %min3A_308, %broadcast_in_dim3A_250 : vector<16xf32>
      %mul3A_320 = arith.mulf %min3A_316, %broadcast_in_dim3A_276 : vector<16xf32>
      %add3A_321 = arith.addf %mul3A_319, %mul3A_320 : vector<16xf32>
      %mul3A_322 = arith.mulf %sub3A_318, %broadcast_in_dim3A_302 : vector<16xf32>
      %add3A_323 = arith.addf %add3A_321, %mul3A_322 : vector<16xf32>
      %broadcast_in_dim3A_324 = arith.constant 0 : i32
      %broadcast_in_dim3A_325 = vector.broadcast %broadcast_in_dim3A_324 : i32 to vector<16xi32>
      %broadcast_in_dim3A_326 = arith.constant 1 : i32
      %broadcast_in_dim3A_327 = vector.broadcast %broadcast_in_dim3A_326 : i32 to vector<16xi32>
      %ge3A_328 = arith.cmpf oge, %parallel_loop3A_210#0, %select_n3A_307 : vector<16xf32>
      %select_n3A_329 = arith.select %ge3A_328, %broadcast_in_dim3A_327, %broadcast_in_dim3A_325 : vector<16xi1>, vector<16xi32>
      %add3A_330 = arith.addi %broadcast_in_dim3A_325, %select_n3A_329 : vector<16xi32>
      %ge3A_331 = arith.cmpf oge, %parallel_loop3A_210#1, %select_n3A_307 : vector<16xf32>
      %select_n3A_332 = arith.select %ge3A_331, %broadcast_in_dim3A_327, %broadcast_in_dim3A_325 : vector<16xi1>, vector<16xi32>
      %add3A_333 = arith.addi %add3A_330, %select_n3A_332 : vector<16xi32>
      %ge3A_334 = arith.cmpf oge, %parallel_loop3A_210#2, %select_n3A_307 : vector<16xf32>
      %select_n3A_335 = arith.select %ge3A_334, %broadcast_in_dim3A_327, %broadcast_in_dim3A_325 : vector<16xi1>, vector<16xi32>
      %add3A_336 = arith.addi %add3A_333, %select_n3A_335 : vector<16xi32>
      %ge3A_337 = arith.cmpf oge, %parallel_loop3A_210#2, %select_n3A_307 : vector<16xf32>
      %select_n3A_338 = arith.select %ge3A_337, %broadcast_in_dim3A_327, %broadcast_in_dim3A_325 : vector<16xi1>, vector<16xi32>
      %add3A_339 = arith.addi %broadcast_in_dim3A_325, %select_n3A_338 : vector<16xi32>
      %ge3A_340 = arith.cmpf oge, %parallel_loop3A_210#3, %select_n3A_307 : vector<16xf32>
      %select_n3A_341 = arith.select %ge3A_340, %broadcast_in_dim3A_327, %broadcast_in_dim3A_325 : vector<16xi1>, vector<16xi32>
      %add3A_342 = arith.addi %add3A_336, %select_n3A_341 : vector<16xi32>
      %ge3A_343 = arith.cmpf oge, %parallel_loop3A_210#4, %select_n3A_307 : vector<16xf32>
      %select_n3A_344 = arith.select %ge3A_343, %broadcast_in_dim3A_327, %broadcast_in_dim3A_325 : vector<16xi1>, vector<16xi32>
      %add3A_345 = arith.addi %add3A_342, %select_n3A_344 : vector<16xi32>
      %ge3A_346 = arith.cmpf oge, %parallel_loop3A_210#5, %select_n3A_307 : vector<16xf32>
      %select_n3A_347 = arith.select %ge3A_346, %broadcast_in_dim3A_327, %broadcast_in_dim3A_325 : vector<16xi1>, vector<16xi32>
      %add3A_348 = arith.addi %add3A_345, %select_n3A_347 : vector<16xi32>
      %ge3A_349 = arith.cmpf oge, %parallel_loop3A_210#5, %select_n3A_307 : vector<16xf32>
      %select_n3A_350 = arith.select %ge3A_349, %broadcast_in_dim3A_327, %broadcast_in_dim3A_325 : vector<16xi1>, vector<16xi32>
      %add3A_351 = arith.addi %add3A_339, %select_n3A_350 : vector<16xi32>
      %ge3A_352 = arith.cmpf oge, %parallel_loop3A_210#6, %select_n3A_307 : vector<16xf32>
      %select_n3A_353 = arith.select %ge3A_352, %broadcast_in_dim3A_327, %broadcast_in_dim3A_325 : vector<16xi1>, vector<16xi32>
      %add3A_354 = arith.addi %add3A_348, %select_n3A_353 : vector<16xi32>
      %ge3A_355 = arith.cmpf oge, %parallel_loop3A_210#7, %select_n3A_307 : vector<16xf32>
      %select_n3A_356 = arith.select %ge3A_355, %broadcast_in_dim3A_327, %broadcast_in_dim3A_325 : vector<16xi1>, vector<16xi32>
      %add3A_357 = arith.addi %add3A_354, %select_n3A_356 : vector<16xi32>
      %ge3A_358 = arith.cmpf oge, %parallel_loop3A_210#8, %select_n3A_307 : vector<16xf32>
      %select_n3A_359 = arith.select %ge3A_358, %broadcast_in_dim3A_327, %broadcast_in_dim3A_325 : vector<16xi1>, vector<16xi32>
      %add3A_360 = arith.addi %add3A_357, %select_n3A_359 : vector<16xi32>
      %ge3A_361 = arith.cmpf oge, %parallel_loop3A_210#8, %select_n3A_307 : vector<16xf32>
      %select_n3A_362 = arith.select %ge3A_361, %broadcast_in_dim3A_327, %broadcast_in_dim3A_325 : vector<16xi1>, vector<16xi32>
      %add3A_363 = arith.addi %add3A_351, %select_n3A_362 : vector<16xi32>
      %ge3A_364 = arith.cmpf oge, %parallel_loop3A_210#9, %select_n3A_307 : vector<16xf32>
      %select_n3A_365 = arith.select %ge3A_364, %broadcast_in_dim3A_327, %broadcast_in_dim3A_325 : vector<16xi1>, vector<16xi32>
      %add3A_366 = arith.addi %add3A_360, %select_n3A_365 : vector<16xi32>
      %ge3A_367 = arith.cmpf oge, %parallel_loop3A_210#10, %select_n3A_307 : vector<16xf32>
      %select_n3A_368 = arith.select %ge3A_367, %broadcast_in_dim3A_327, %broadcast_in_dim3A_325 : vector<16xi1>, vector<16xi32>
      %add3A_369 = arith.addi %add3A_366, %select_n3A_368 : vector<16xi32>
      %ge3A_370 = arith.cmpf oge, %parallel_loop3A_210#11, %select_n3A_307 : vector<16xf32>
      %select_n3A_371 = arith.select %ge3A_370, %broadcast_in_dim3A_327, %broadcast_in_dim3A_325 : vector<16xi1>, vector<16xi32>
      %add3A_372 = arith.addi %add3A_369, %select_n3A_371 : vector<16xi32>
      %ge3A_373 = arith.cmpf oge, %parallel_loop3A_210#11, %select_n3A_307 : vector<16xf32>
      %select_n3A_374 = arith.select %ge3A_373, %broadcast_in_dim3A_327, %broadcast_in_dim3A_325 : vector<16xi1>, vector<16xi32>
      %add3A_375 = arith.addi %add3A_363, %select_n3A_374 : vector<16xi32>
      %reduce_sum3A_376 = arith.constant true
      %reduce_sum3A_377 = vector.broadcast %reduce_sum3A_376 : i1 to vector<16xi1>
      %reduce_sum3A_378 = tpu.scan <sum>, %add3A_372 masked %reduce_sum3A_377 : vector<16xi32>, vector<16xi1> -> vector<16xi32>
      %reduce_sum3A_379 = vector.extract %reduce_sum3A_378[15] : i32 from vector<16xi32>
      %reduce_sum3A_380 = arith.constant true
      %reduce_sum3A_381 = vector.broadcast %reduce_sum3A_380 : i1 to vector<16xi1>
      %reduce_sum3A_382 = tpu.scan <sum>, %add3A_375 masked %reduce_sum3A_381 : vector<16xi32>, vector<16xi1> -> vector<16xi32>
      %reduce_sum3A_383 = vector.extract %reduce_sum3A_382[15] : i32 from vector<16xi32>
      %ne3A_384 = arith.constant 3 : i32
      %ne3A_385 = arith.cmpi ne, %reduce_sum3A_379, %ne3A_384 : i32
      %gt3A_386 = arith.constant 0 : i32
      %gt3A_387 = arith.cmpi sgt, %reduce_sum3A_383, %gt3A_386 : i32
      %or3A_388 = arith.ori %ne3A_385, %gt3A_387 : i1
      %convert_element_type3A_389 = arith.extui %or3A_388 : i1 to i32
      %cond3A_390 = arith.constant 0 : i32
      %cond3A_391 = arith.cmpi ne, %convert_element_type3A_389, %cond3A_390 : i32
      %cond3A_392 = scf.if %cond3A_391 -> (vector<16xf32>) {
        %parallel_loop3A_825 = arith.constant 0 : i32
        %parallel_loop3A_826 = arith.constant 512 : i32
        %parallel_loop3A_827 = arith.constant 4 : i32
        %parallel_loop3A_828:4 = scf.for %parallel_loop3A_837 = %parallel_loop3A_825 to %parallel_loop3A_826 step %parallel_loop3A_827 iter_args(%parallel_loop3A_838 = %broadcast_in_dim3A_241, %parallel_loop3A_839 = %broadcast_in_dim3A_241, %parallel_loop3A_840 = %broadcast_in_dim3A_241, %parallel_loop3A_841 = %broadcast_in_dim3A_241) -> (vector<16xf32>, vector<16xf32>, vector<16xf32>, vector<16xf32>)  : i32 {
          %parallel_loop3A_842 = arith.constant 0 : i32
          %parallel_loop3A_843 = arith.addi %parallel_loop3A_837, %parallel_loop3A_842 : i32
          %parallel_loop3A_844 = arith.constant 16 : i32
          %parallel_loop3A_845 = arith.muli %parallel_loop3A_843, %parallel_loop3A_844 : i32
          %parallel_loop3A_846 = arith.constant 1 : i32
          %parallel_loop3A_847 = arith.index_cast %parallel_loop3A_846 : i32 to index
          %parallel_loop3A_848 = arith.index_cast %parallel_loop3A_845 : i32 to index
          %parallel_loop3A_849 = tpu.vector_load %arg4[%parallel_loop3A_847, %parallel_loop3A_848] {strides = array<i32>} : memref<2x8192xf32, #tpu.memory_space<vmem>>, vector<16xf32>,
          %parallel_loop3A_850 = arith.cmpf oge, %parallel_loop3A_849, %select_n3A_307 : vector<16xf32>
          %parallel_loop3A_851 = arith.constant 0.000000e+00 : f32
          %parallel_loop3A_852 = vector.broadcast %parallel_loop3A_851 : f32 to vector<16xf32>
          %parallel_loop3A_853 = arith.select %parallel_loop3A_850, %parallel_loop3A_849, %parallel_loop3A_852 : vector<16xi1>, vector<16xf32>
          %parallel_loop3A_854 = arith.addf %parallel_loop3A_838, %parallel_loop3A_853 : vector<16xf32>
          %parallel_loop3A_855 = arith.constant 1 : i32
          %parallel_loop3A_856 = arith.addi %parallel_loop3A_837, %parallel_loop3A_855 : i32
          %parallel_loop3A_857 = arith.constant 16 : i32
          %parallel_loop3A_858 = arith.muli %parallel_loop3A_856, %parallel_loop3A_857 : i32
          %parallel_loop3A_859 = arith.constant 1 : i32
          %parallel_loop3A_860 = arith.index_cast %parallel_loop3A_859 : i32 to index
          %parallel_loop3A_861 = arith.index_cast %parallel_loop3A_858 : i32 to index
          %parallel_loop3A_862 = tpu.vector_load %arg4[%parallel_loop3A_860, %parallel_loop3A_861] {strides = array<i32>} : memref<2x8192xf32, #tpu.memory_space<vmem>>, vector<16xf32>,
          %parallel_loop3A_863 = arith.cmpf oge, %parallel_loop3A_862, %select_n3A_307 : vector<16xf32>
          %parallel_loop3A_864 = arith.constant 0.000000e+00 : f32
          %parallel_loop3A_865 = vector.broadcast %parallel_loop3A_864 : f32 to vector<16xf32>
          %parallel_loop3A_866 = arith.select %parallel_loop3A_863, %parallel_loop3A_862, %parallel_loop3A_865 : vector<16xi1>, vector<16xf32>
          %parallel_loop3A_867 = arith.addf %parallel_loop3A_839, %parallel_loop3A_866 : vector<16xf32>
          %parallel_loop3A_868 = arith.constant 2 : i32
          %parallel_loop3A_869 = arith.addi %parallel_loop3A_837, %parallel_loop3A_868 : i32
          %parallel_loop3A_870 = arith.constant 16 : i32
          %parallel_loop3A_871 = arith.muli %parallel_loop3A_869, %parallel_loop3A_870 : i32
          %parallel_loop3A_872 = arith.constant 1 : i32
          %parallel_loop3A_873 = arith.index_cast %parallel_loop3A_872 : i32 to index
          %parallel_loop3A_874 = arith.index_cast %parallel_loop3A_871 : i32 to index
          %parallel_loop3A_875 = tpu.vector_load %arg4[%parallel_loop3A_873, %parallel_loop3A_874] {strides = array<i32>} : memref<2x8192xf32, #tpu.memory_space<vmem>>, vector<16xf32>,
          %parallel_loop3A_876 = arith.cmpf oge, %parallel_loop3A_875, %select_n3A_307 : vector<16xf32>
          %parallel_loop3A_877 = arith.constant 0.000000e+00 : f32
          %parallel_loop3A_878 = vector.broadcast %parallel_loop3A_877 : f32 to vector<16xf32>
          %parallel_loop3A_879 = arith.select %parallel_loop3A_876, %parallel_loop3A_875, %parallel_loop3A_878 : vector<16xi1>, vector<16xf32>
          %parallel_loop3A_880 = arith.addf %parallel_loop3A_840, %parallel_loop3A_879 : vector<16xf32>
          %parallel_loop3A_881 = arith.constant 3 : i32
          %parallel_loop3A_882 = arith.addi %parallel_loop3A_837, %parallel_loop3A_881 : i32
          %parallel_loop3A_883 = arith.constant 16 : i32
          %parallel_loop3A_884 = arith.muli %parallel_loop3A_882, %parallel_loop3A_883 : i32
          %parallel_loop3A_885 = arith.constant 1 : i32
          %parallel_loop3A_886 = arith.index_cast %parallel_loop3A_885 : i32 to index
          %parallel_loop3A_887 = arith.index_cast %parallel_loop3A_884 : i32 to index
          %parallel_loop3A_888 = tpu.vector_load %arg4[%parallel_loop3A_886, %parallel_loop3A_887] {strides = array<i32>} : memref<2x8192xf32, #tpu.memory_space<vmem>>, vector<16xf32>,
          %parallel_loop3A_889 = arith.cmpf oge, %parallel_loop3A_888, %select_n3A_307 : vector<16xf32>
          %parallel_loop3A_890 = arith.constant 0.000000e+00 : f32
          %parallel_loop3A_891 = vector.broadcast %parallel_loop3A_890 : f32 to vector<16xf32>
          %parallel_loop3A_892 = arith.select %parallel_loop3A_889, %parallel_loop3A_888, %parallel_loop3A_891 : vector<16xi1>, vector<16xf32>
          %parallel_loop3A_893 = arith.addf %parallel_loop3A_841, %parallel_loop3A_892 : vector<16xf32>
          scf.yield %parallel_loop3A_854, %parallel_loop3A_867, %parallel_loop3A_880, %parallel_loop3A_893 : vector<16xf32>, vector<16xf32>, vector<16xf32>, vector<16xf32>
        } {sc.loop_unroll_factor = 4 : i64, sc.parallel_access}
        %add3A_829 = arith.addf %parallel_loop3A_828#0, %parallel_loop3A_828#1 : vector<16xf32>
        %add3A_830 = arith.addf %add3A_829, %parallel_loop3A_828#2 : vector<16xf32>
        %add3A_831 = arith.addf %add3A_830, %parallel_loop3A_828#3 : vector<16xf32>
        %reduce_sum3A_832 = arith.constant true
        %reduce_sum3A_833 = vector.broadcast %reduce_sum3A_832 : i1 to vector<16xi1>
        %reduce_sum3A_834 = tpu.scan <sum>, %add3A_831 masked %reduce_sum3A_833 : vector<16xf32>, vector<16xi1> -> vector<16xf32>
        %reduce_sum3A_835 = vector.extract %reduce_sum3A_834[15] : f32 from vector<16xf32>
        %broadcast_in_dim3A_836 = vector.broadcast %reduce_sum3A_835 : f32 to vector<16xf32>
        scf.yield %broadcast_in_dim3A_836 : vector<16xf32>
      } else {
        scf.yield %add3A_323 : vector<16xf32>
      }
      %div3A_393 = arith.constant 1.000000e+00 : f32
      %div3A_394 = vector.broadcast %div3A_393 : f32 to vector<16xf32>
      %div3A_395 = arith.divf %div3A_394, %cond3A_392 : vector<16xf32>
      %gt3A_396 = arith.constant 0 : i32
      %gt3A_397 = arith.cmpi sgt, %scan3A_15, %gt3A_396 : i32
      %convert_element_type3A_398 = arith.extui %gt3A_397 : i1 to i32
      %cond3A_399 = arith.constant 0 : i32
      %cond3A_400 = arith.cmpi ne, %convert_element_type3A_398, %cond3A_399 : i32
      scf.if %cond3A_400 {
        %dma_wait3A_825 = arith.constant 0 : i32
        %dma_wait3A_826 = tpu.memref_slice %arg3[%add3A_21, %dma_wait3A_825] : memref<4096x8192xf32, #tpu.memory_space<hbm>> -> memref<2x8192xf32, #tpu.memory_space<hbm>>
        %dma_wait3A_827 = arith.constant 0 : i32
        %dma_wait3A_828 = tpu.memref_slice %arg3[%add3A_21, %dma_wait3A_827] : memref<4096x8192xf32, #tpu.memory_space<hbm>> -> memref<2x8192xf32, #tpu.memory_space<hbm>>
        tpu.wait_dma2 semaphore(%arg9 : memref<!tpu.dma_semaphore, #tpu.memory_space<semaphore_mem>>) src(%arg6 : memref<2x8192xf32, #tpu.memory_space<vmem>>) dst(%dma_wait3A_828 : memref<2x8192xf32, #tpu.memory_space<hbm>>)
      } else {
      }
      %broadcast_in_dim3A_401 = arith.constant 0.000000e+00 : f32
      %broadcast_in_dim3A_402 = vector.broadcast %broadcast_in_dim3A_401 : f32 to vector<16xf32>
      %parallel_loop3A_403 = arith.constant 0 : i32
      %parallel_loop3A_404 = arith.constant 512 : i32
      %parallel_loop3A_405 = arith.constant 4 : i32
      scf.for %parallel_loop3A_825 = %parallel_loop3A_403 to %parallel_loop3A_404 step %parallel_loop3A_405  : i32 {
        %parallel_loop3A_826 = arith.constant 0 : i32
        %parallel_loop3A_827 = arith.addi %parallel_loop3A_825, %parallel_loop3A_826 : i32
        %parallel_loop3A_828 = arith.constant 16 : i32
        %parallel_loop3A_829 = arith.muli %parallel_loop3A_827, %parallel_loop3A_828 : i32
        %parallel_loop3A_830 = arith.constant 0 : i32
        %parallel_loop3A_831 = arith.index_cast %parallel_loop3A_830 : i32 to index
        %parallel_loop3A_832 = arith.index_cast %parallel_loop3A_829 : i32 to index
        %parallel_loop3A_833 = tpu.vector_load %arg4[%parallel_loop3A_831, %parallel_loop3A_832] {strides = array<i32>} : memref<2x8192xf32, #tpu.memory_space<vmem>>, vector<16xf32>,
        %parallel_loop3A_834 = arith.cmpf oge, %parallel_loop3A_833, %select_n3A_124 : vector<16xf32>
        %parallel_loop3A_835 = arith.mulf %parallel_loop3A_833, %div3A_204 : vector<16xf32>
        %parallel_loop3A_836 = arith.select %parallel_loop3A_834, %parallel_loop3A_835, %broadcast_in_dim3A_402 : vector<16xi1>, vector<16xf32>
        %parallel_loop3A_837 = arith.constant 0 : i32
        %parallel_loop3A_838 = arith.index_cast %parallel_loop3A_837 : i32 to index
        %parallel_loop3A_839 = arith.index_cast %parallel_loop3A_829 : i32 to index
        %parallel_loop3A_840 = tpu.vector_load %arg6[%parallel_loop3A_838, %parallel_loop3A_839] {strides = array<i32>} : memref<2x8192xf32, #tpu.memory_space<vmem>>, vector<16xf32>,
        tpu.vector_store %arg6[%parallel_loop3A_838, %parallel_loop3A_839], %parallel_loop3A_836 {strides = array<i32>} : memref<2x8192xf32, #tpu.memory_space<vmem>>, vector<16xf32>,
        %parallel_loop3A_841 = arith.constant 1 : i32
        %parallel_loop3A_842 = arith.addi %parallel_loop3A_825, %parallel_loop3A_841 : i32
        %parallel_loop3A_843 = arith.constant 16 : i32
        %parallel_loop3A_844 = arith.muli %parallel_loop3A_842, %parallel_loop3A_843 : i32
        %parallel_loop3A_845 = arith.constant 0 : i32
        %parallel_loop3A_846 = arith.index_cast %parallel_loop3A_845 : i32 to index
        %parallel_loop3A_847 = arith.index_cast %parallel_loop3A_844 : i32 to index
        %parallel_loop3A_848 = tpu.vector_load %arg4[%parallel_loop3A_846, %parallel_loop3A_847] {strides = array<i32>} : memref<2x8192xf32, #tpu.memory_space<vmem>>, vector<16xf32>,
        %parallel_loop3A_849 = arith.cmpf oge, %parallel_loop3A_848, %select_n3A_124 : vector<16xf32>
        %parallel_loop3A_850 = arith.mulf %parallel_loop3A_848, %div3A_204 : vector<16xf32>
        %parallel_loop3A_851 = arith.select %parallel_loop3A_849, %parallel_loop3A_850, %broadcast_in_dim3A_402 : vector<16xi1>, vector<16xf32>
        %parallel_loop3A_852 = arith.constant 0 : i32
        %parallel_loop3A_853 = arith.index_cast %parallel_loop3A_852 : i32 to index
        %parallel_loop3A_854 = arith.index_cast %parallel_loop3A_844 : i32 to index
        %parallel_loop3A_855 = tpu.vector_load %arg6[%parallel_loop3A_853, %parallel_loop3A_854] {strides = array<i32>} : memref<2x8192xf32, #tpu.memory_space<vmem>>, vector<16xf32>,
        tpu.vector_store %arg6[%parallel_loop3A_853, %parallel_loop3A_854], %parallel_loop3A_851 {strides = array<i32>} : memref<2x8192xf32, #tpu.memory_space<vmem>>, vector<16xf32>,
        %parallel_loop3A_856 = arith.constant 2 : i32
        %parallel_loop3A_857 = arith.addi %parallel_loop3A_825, %parallel_loop3A_856 : i32
        %parallel_loop3A_858 = arith.constant 16 : i32
        %parallel_loop3A_859 = arith.muli %parallel_loop3A_857, %parallel_loop3A_858 : i32
        %parallel_loop3A_860 = arith.constant 0 : i32
        %parallel_loop3A_861 = arith.index_cast %parallel_loop3A_860 : i32 to index
        %parallel_loop3A_862 = arith.index_cast %parallel_loop3A_859 : i32 to index
        %parallel_loop3A_863 = tpu.vector_load %arg4[%parallel_loop3A_861, %parallel_loop3A_862] {strides = array<i32>} : memref<2x8192xf32, #tpu.memory_space<vmem>>, vector<16xf32>,
        %parallel_loop3A_864 = arith.cmpf oge, %parallel_loop3A_863, %select_n3A_124 : vector<16xf32>
        %parallel_loop3A_865 = arith.mulf %parallel_loop3A_863, %div3A_204 : vector<16xf32>
        %parallel_loop3A_866 = arith.select %parallel_loop3A_864, %parallel_loop3A_865, %broadcast_in_dim3A_402 : vector<16xi1>, vector<16xf32>
        %parallel_loop3A_867 = arith.constant 0 : i32
        %parallel_loop3A_868 = arith.index_cast %parallel_loop3A_867 : i32 to index
        %parallel_loop3A_869 = arith.index_cast %parallel_loop3A_859 : i32 to index
        %parallel_loop3A_870 = tpu.vector_load %arg6[%parallel_loop3A_868, %parallel_loop3A_869] {strides = array<i32>} : memref<2x8192xf32, #tpu.memory_space<vmem>>, vector<16xf32>,
        tpu.vector_store %arg6[%parallel_loop3A_868, %parallel_loop3A_869], %parallel_loop3A_866 {strides = array<i32>} : memref<2x8192xf32, #tpu.memory_space<vmem>>, vector<16xf32>,
        %parallel_loop3A_871 = arith.constant 3 : i32
        %parallel_loop3A_872 = arith.addi %parallel_loop3A_825, %parallel_loop3A_871 : i32
        %parallel_loop3A_873 = arith.constant 16 : i32
        %parallel_loop3A_874 = arith.muli %parallel_loop3A_872, %parallel_loop3A_873 : i32
        %parallel_loop3A_875 = arith.constant 0 : i32
        %parallel_loop3A_876 = arith.index_cast %parallel_loop3A_875 : i32 to index
        %parallel_loop3A_877 = arith.index_cast %parallel_loop3A_874 : i32 to index
        %parallel_loop3A_878 = tpu.vector_load %arg4[%parallel_loop3A_876, %parallel_loop3A_877] {strides = array<i32>} : memref<2x8192xf32, #tpu.memory_space<vmem>>, vector<16xf32>,
        %parallel_loop3A_879 = arith.cmpf oge, %parallel_loop3A_878, %select_n3A_124 : vector<16xf32>
        %parallel_loop3A_880 = arith.mulf %parallel_loop3A_878, %div3A_204 : vector<16xf32>
        %parallel_loop3A_881 = arith.select %parallel_loop3A_879, %parallel_loop3A_880, %broadcast_in_dim3A_402 : vector<16xi1>, vector<16xf32>
        %parallel_loop3A_882 = arith.constant 0 : i32
        %parallel_loop3A_883 = arith.index_cast %parallel_loop3A_882 : i32 to index
        %parallel_loop3A_884 = arith.index_cast %parallel_loop3A_874 : i32 to index
        %parallel_loop3A_885 = tpu.vector_load %arg6[%parallel_loop3A_883, %parallel_loop3A_884] {strides = array<i32>} : memref<2x8192xf32, #tpu.memory_space<vmem>>, vector<16xf32>,
        tpu.vector_store %arg6[%parallel_loop3A_883, %parallel_loop3A_884], %parallel_loop3A_881 {strides = array<i32>} : memref<2x8192xf32, #tpu.memory_space<vmem>>, vector<16xf32>,
      } {sc.loop_unroll_factor = 4 : i64, sc.parallel_access}
      %broadcast_in_dim3A_406 = arith.constant 0.000000e+00 : f32
      %broadcast_in_dim3A_407 = vector.broadcast %broadcast_in_dim3A_406 : f32 to vector<16xf32>
      %parallel_loop3A_408 = arith.constant 0 : i32
      %parallel_loop3A_409 = arith.constant 512 : i32
      %parallel_loop3A_410 = arith.constant 4 : i32
      scf.for %parallel_loop3A_825 = %parallel_loop3A_408 to %parallel_loop3A_409 step %parallel_loop3A_410  : i32 {
        %parallel_loop3A_826 = arith.constant 0 : i32
        %parallel_loop3A_827 = arith.addi %parallel_loop3A_825, %parallel_loop3A_826 : i32
        %parallel_loop3A_828 = arith.constant 16 : i32
        %parallel_loop3A_829 = arith.muli %parallel_loop3A_827, %parallel_loop3A_828 : i32
        %parallel_loop3A_830 = arith.constant 1 : i32
        %parallel_loop3A_831 = arith.index_cast %parallel_loop3A_830 : i32 to index
        %parallel_loop3A_832 = arith.index_cast %parallel_loop3A_829 : i32 to index
        %parallel_loop3A_833 = tpu.vector_load %arg4[%parallel_loop3A_831, %parallel_loop3A_832] {strides = array<i32>} : memref<2x8192xf32, #tpu.memory_space<vmem>>, vector<16xf32>,
        %parallel_loop3A_834 = arith.cmpf oge, %parallel_loop3A_833, %select_n3A_307 : vector<16xf32>
        %parallel_loop3A_835 = arith.mulf %parallel_loop3A_833, %div3A_395 : vector<16xf32>
        %parallel_loop3A_836 = arith.select %parallel_loop3A_834, %parallel_loop3A_835, %broadcast_in_dim3A_407 : vector<16xi1>, vector<16xf32>
        %parallel_loop3A_837 = arith.constant 1 : i32
        %parallel_loop3A_838 = arith.index_cast %parallel_loop3A_837 : i32 to index
        %parallel_loop3A_839 = arith.index_cast %parallel_loop3A_829 : i32 to index
        %parallel_loop3A_840 = tpu.vector_load %arg6[%parallel_loop3A_838, %parallel_loop3A_839] {strides = array<i32>} : memref<2x8192xf32, #tpu.memory_space<vmem>>, vector<16xf32>,
        tpu.vector_store %arg6[%parallel_loop3A_838, %parallel_loop3A_839], %parallel_loop3A_836 {strides = array<i32>} : memref<2x8192xf32, #tpu.memory_space<vmem>>, vector<16xf32>,
        %parallel_loop3A_841 = arith.constant 1 : i32
        %parallel_loop3A_842 = arith.addi %parallel_loop3A_825, %parallel_loop3A_841 : i32
        %parallel_loop3A_843 = arith.constant 16 : i32
        %parallel_loop3A_844 = arith.muli %parallel_loop3A_842, %parallel_loop3A_843 : i32
        %parallel_loop3A_845 = arith.constant 1 : i32
        %parallel_loop3A_846 = arith.index_cast %parallel_loop3A_845 : i32 to index
        %parallel_loop3A_847 = arith.index_cast %parallel_loop3A_844 : i32 to index
        %parallel_loop3A_848 = tpu.vector_load %arg4[%parallel_loop3A_846, %parallel_loop3A_847] {strides = array<i32>} : memref<2x8192xf32, #tpu.memory_space<vmem>>, vector<16xf32>,
        %parallel_loop3A_849 = arith.cmpf oge, %parallel_loop3A_848, %select_n3A_307 : vector<16xf32>
        %parallel_loop3A_850 = arith.mulf %parallel_loop3A_848, %div3A_395 : vector<16xf32>
        %parallel_loop3A_851 = arith.select %parallel_loop3A_849, %parallel_loop3A_850, %broadcast_in_dim3A_407 : vector<16xi1>, vector<16xf32>
        %parallel_loop3A_852 = arith.constant 1 : i32
        %parallel_loop3A_853 = arith.index_cast %parallel_loop3A_852 : i32 to index
        %parallel_loop3A_854 = arith.index_cast %parallel_loop3A_844 : i32 to index
        %parallel_loop3A_855 = tpu.vector_load %arg6[%parallel_loop3A_853, %parallel_loop3A_854] {strides = array<i32>} : memref<2x8192xf32, #tpu.memory_space<vmem>>, vector<16xf32>,
        tpu.vector_store %arg6[%parallel_loop3A_853, %parallel_loop3A_854], %parallel_loop3A_851 {strides = array<i32>} : memref<2x8192xf32, #tpu.memory_space<vmem>>, vector<16xf32>,
        %parallel_loop3A_856 = arith.constant 2 : i32
        %parallel_loop3A_857 = arith.addi %parallel_loop3A_825, %parallel_loop3A_856 : i32
        %parallel_loop3A_858 = arith.constant 16 : i32
        %parallel_loop3A_859 = arith.muli %parallel_loop3A_857, %parallel_loop3A_858 : i32
        %parallel_loop3A_860 = arith.constant 1 : i32
        %parallel_loop3A_861 = arith.index_cast %parallel_loop3A_860 : i32 to index
        %parallel_loop3A_862 = arith.index_cast %parallel_loop3A_859 : i32 to index
        %parallel_loop3A_863 = tpu.vector_load %arg4[%parallel_loop3A_861, %parallel_loop3A_862] {strides = array<i32>} : memref<2x8192xf32, #tpu.memory_space<vmem>>, vector<16xf32>,
        %parallel_loop3A_864 = arith.cmpf oge, %parallel_loop3A_863, %select_n3A_307 : vector<16xf32>
        %parallel_loop3A_865 = arith.mulf %parallel_loop3A_863, %div3A_395 : vector<16xf32>
        %parallel_loop3A_866 = arith.select %parallel_loop3A_864, %parallel_loop3A_865, %broadcast_in_dim3A_407 : vector<16xi1>, vector<16xf32>
        %parallel_loop3A_867 = arith.constant 1 : i32
        %parallel_loop3A_868 = arith.index_cast %parallel_loop3A_867 : i32 to index
        %parallel_loop3A_869 = arith.index_cast %parallel_loop3A_859 : i32 to index
        %parallel_loop3A_870 = tpu.vector_load %arg6[%parallel_loop3A_868, %parallel_loop3A_869] {strides = array<i32>} : memref<2x8192xf32, #tpu.memory_space<vmem>>, vector<16xf32>,
        tpu.vector_store %arg6[%parallel_loop3A_868, %parallel_loop3A_869], %parallel_loop3A_866 {strides = array<i32>} : memref<2x8192xf32, #tpu.memory_space<vmem>>, vector<16xf32>,
        %parallel_loop3A_871 = arith.constant 3 : i32
        %parallel_loop3A_872 = arith.addi %parallel_loop3A_825, %parallel_loop3A_871 : i32
        %parallel_loop3A_873 = arith.constant 16 : i32
        %parallel_loop3A_874 = arith.muli %parallel_loop3A_872, %parallel_loop3A_873 : i32
        %parallel_loop3A_875 = arith.constant 1 : i32
        %parallel_loop3A_876 = arith.index_cast %parallel_loop3A_875 : i32 to index
        %parallel_loop3A_877 = arith.index_cast %parallel_loop3A_874 : i32 to index
        %parallel_loop3A_878 = tpu.vector_load %arg4[%parallel_loop3A_876, %parallel_loop3A_877] {strides = array<i32>} : memref<2x8192xf32, #tpu.memory_space<vmem>>, vector<16xf32>,
        %parallel_loop3A_879 = arith.cmpf oge, %parallel_loop3A_878, %select_n3A_307 : vector<16xf32>
        %parallel_loop3A_880 = arith.mulf %parallel_loop3A_878, %div3A_395 : vector<16xf32>
        %parallel_loop3A_881 = arith.select %parallel_loop3A_879, %parallel_loop3A_880, %broadcast_in_dim3A_407 : vector<16xi1>, vector<16xf32>
        %parallel_loop3A_882 = arith.constant 1 : i32
        %parallel_loop3A_883 = arith.index_cast %parallel_loop3A_882 : i32 to index
        %parallel_loop3A_884 = arith.index_cast %parallel_loop3A_874 : i32 to index
        %parallel_loop3A_885 = tpu.vector_load %arg6[%parallel_loop3A_883, %parallel_loop3A_884] {strides = array<i32>} : memref<2x8192xf32, #tpu.memory_space<vmem>>, vector<16xf32>,
        tpu.vector_store %arg6[%parallel_loop3A_883, %parallel_loop3A_884], %parallel_loop3A_881 {strides = array<i32>} : memref<2x8192xf32, #tpu.memory_space<vmem>>, vector<16xf32>,
      } {sc.loop_unroll_factor = 4 : i64, sc.parallel_access}
      %dma_start3A_411 = arith.constant 0 : i32
      %dma_start3A_412 = tpu.memref_slice %arg3[%add3A_21, %dma_start3A_411] : memref<4096x8192xf32, #tpu.memory_space<hbm>> -> memref<2x8192xf32, #tpu.memory_space<hbm>>
      %dma_start3A_413 = arith.constant 0 : i32
      %dma_start3A_414 = tpu.memref_slice %arg3[%add3A_21, %dma_start3A_413] : memref<4096x8192xf32, #tpu.memory_space<hbm>> -> memref<2x8192xf32, #tpu.memory_space<hbm>>
      tpu.enqueue_dma source(%arg6 : memref<2x8192xf32, #tpu.memory_space<vmem>>) target(%dma_start3A_414 : memref<2x8192xf32, #tpu.memory_space<hbm>>) target_semaphore(%arg9 : memref<!tpu.dma_semaphore, #tpu.memory_space<semaphore_mem>>)
      %lt3A_415 = arith.constant 31 : i32
      %lt3A_416 = arith.cmpi slt, %scan3A_15, %lt3A_415 : i32
      %convert_element_type3A_417 = arith.extui %lt3A_416 : i1 to i32
      %cond3A_418 = arith.constant 0 : i32
      %cond3A_419 = arith.cmpi ne, %convert_element_type3A_417, %cond3A_418 : i32
      scf.if %cond3A_419 {
        %add3A_825 = arith.constant 2 : i32
        %add3A_826 = arith.addi %add3A_23, %add3A_825 : i32
        %dma_start3A_827 = arith.constant 0 : i32
        %dma_start3A_828 = tpu.memref_slice %arg2[%add3A_826, %dma_start3A_827] : memref<4096x8192xf32, #tpu.memory_space<hbm>> -> memref<2x8192xf32, #tpu.memory_space<hbm>>
        %dma_start3A_829 = arith.constant 0 : i32
        %dma_start3A_830 = tpu.memref_slice %arg2[%add3A_826, %dma_start3A_829] : memref<4096x8192xf32, #tpu.memory_space<hbm>> -> memref<2x8192xf32, #tpu.memory_space<hbm>>
        tpu.enqueue_dma source(%dma_start3A_830 : memref<2x8192xf32, #tpu.memory_space<hbm>>) target(%arg4 : memref<2x8192xf32, #tpu.memory_space<vmem>>) target_semaphore(%arg7 : memref<!tpu.dma_semaphore, #tpu.memory_space<semaphore_mem>>)
      } else {
      }
      %dma_wait3A_420 = arith.constant 0 : i32
      %dma_wait3A_421 = tpu.memref_slice %arg2[%add3A_23, %dma_wait3A_420] : memref<4096x8192xf32, #tpu.memory_space<hbm>> -> memref<2x8192xf32, #tpu.memory_space<hbm>>
      %dma_wait3A_422 = arith.constant 0 : i32
      %dma_wait3A_423 = tpu.memref_slice %arg2[%add3A_23, %dma_wait3A_422] : memref<4096x8192xf32, #tpu.memory_space<hbm>> -> memref<2x8192xf32, #tpu.memory_space<hbm>>
      tpu.wait_dma2 semaphore(%arg8 : memref<!tpu.dma_semaphore, #tpu.memory_space<semaphore_mem>>) src(%dma_wait3A_423 : memref<2x8192xf32, #tpu.memory_space<hbm>>) dst(%arg5 : memref<2x8192xf32, #tpu.memory_space<vmem>>)
      %broadcast_in_dim3A_424 = arith.constant -1.000000e+00 : f32
      %broadcast_in_dim3A_425 = vector.broadcast %broadcast_in_dim3A_424 : f32 to vector<16xf32>
      %parallel_loop3A_426 = arith.constant 0 : i32
      %parallel_loop3A_427 = arith.constant 512 : i32
      %parallel_loop3A_428 = arith.constant 4 : i32
      %parallel_loop3A_429:12 = scf.for %parallel_loop3A_825 = %parallel_loop3A_426 to %parallel_loop3A_427 step %parallel_loop3A_428 iter_args(%parallel_loop3A_826 = %broadcast_in_dim3A_425, %parallel_loop3A_827 = %broadcast_in_dim3A_425, %parallel_loop3A_828 = %broadcast_in_dim3A_425, %parallel_loop3A_829 = %broadcast_in_dim3A_425, %parallel_loop3A_830 = %broadcast_in_dim3A_425, %parallel_loop3A_831 = %broadcast_in_dim3A_425, %parallel_loop3A_832 = %broadcast_in_dim3A_425, %parallel_loop3A_833 = %broadcast_in_dim3A_425, %parallel_loop3A_834 = %broadcast_in_dim3A_425, %parallel_loop3A_835 = %broadcast_in_dim3A_425, %parallel_loop3A_836 = %broadcast_in_dim3A_425, %parallel_loop3A_837 = %broadcast_in_dim3A_425) -> (vector<16xf32>, vector<16xf32>, vector<16xf32>, vector<16xf32>, vector<16xf32>, vector<16xf32>, vector<16xf32>, vector<16xf32>, vector<16xf32>, vector<16xf32>, vector<16xf32>, vector<16xf32>)  : i32 {
        %parallel_loop3A_838 = arith.constant 0 : i32
        %parallel_loop3A_839 = arith.addi %parallel_loop3A_825, %parallel_loop3A_838 : i32
        %parallel_loop3A_840 = arith.constant 16 : i32
        %parallel_loop3A_841 = arith.muli %parallel_loop3A_839, %parallel_loop3A_840 : i32
        %parallel_loop3A_842 = arith.constant 0 : i32
        %parallel_loop3A_843 = arith.index_cast %parallel_loop3A_842 : i32 to index
        %parallel_loop3A_844 = arith.index_cast %parallel_loop3A_841 : i32 to index
        %parallel_loop3A_845 = tpu.vector_load %arg5[%parallel_loop3A_843, %parallel_loop3A_844] {strides = array<i32>} : memref<2x8192xf32, #tpu.memory_space<vmem>>, vector<16xf32>,
        %parallel_loop3A_846 = arith.maximumf %parallel_loop3A_826, %parallel_loop3A_845 : vector<16xf32>
        %parallel_loop3A_847 = arith.minimumf %parallel_loop3A_826, %parallel_loop3A_845 : vector<16xf32>
        %parallel_loop3A_848 = arith.maximumf %parallel_loop3A_827, %parallel_loop3A_847 : vector<16xf32>
        %parallel_loop3A_849 = arith.minimumf %parallel_loop3A_827, %parallel_loop3A_847 : vector<16xf32>
        %parallel_loop3A_850 = arith.maximumf %parallel_loop3A_828, %parallel_loop3A_849 : vector<16xf32>
        %parallel_loop3A_851 = arith.constant 1 : i32
        %parallel_loop3A_852 = arith.addi %parallel_loop3A_825, %parallel_loop3A_851 : i32
        %parallel_loop3A_853 = arith.constant 16 : i32
        %parallel_loop3A_854 = arith.muli %parallel_loop3A_852, %parallel_loop3A_853 : i32
        %parallel_loop3A_855 = arith.constant 0 : i32
        %parallel_loop3A_856 = arith.index_cast %parallel_loop3A_855 : i32 to index
        %parallel_loop3A_857 = arith.index_cast %parallel_loop3A_854 : i32 to index
        %parallel_loop3A_858 = tpu.vector_load %arg5[%parallel_loop3A_856, %parallel_loop3A_857] {strides = array<i32>} : memref<2x8192xf32, #tpu.memory_space<vmem>>, vector<16xf32>,
        %parallel_loop3A_859 = arith.maximumf %parallel_loop3A_829, %parallel_loop3A_858 : vector<16xf32>
        %parallel_loop3A_860 = arith.minimumf %parallel_loop3A_829, %parallel_loop3A_858 : vector<16xf32>
        %parallel_loop3A_861 = arith.maximumf %parallel_loop3A_830, %parallel_loop3A_860 : vector<16xf32>
        %parallel_loop3A_862 = arith.minimumf %parallel_loop3A_830, %parallel_loop3A_860 : vector<16xf32>
        %parallel_loop3A_863 = arith.maximumf %parallel_loop3A_831, %parallel_loop3A_862 : vector<16xf32>
        %parallel_loop3A_864 = arith.constant 2 : i32
        %parallel_loop3A_865 = arith.addi %parallel_loop3A_825, %parallel_loop3A_864 : i32
        %parallel_loop3A_866 = arith.constant 16 : i32
        %parallel_loop3A_867 = arith.muli %parallel_loop3A_865, %parallel_loop3A_866 : i32
        %parallel_loop3A_868 = arith.constant 0 : i32
        %parallel_loop3A_869 = arith.index_cast %parallel_loop3A_868 : i32 to index
        %parallel_loop3A_870 = arith.index_cast %parallel_loop3A_867 : i32 to index
        %parallel_loop3A_871 = tpu.vector_load %arg5[%parallel_loop3A_869, %parallel_loop3A_870] {strides = array<i32>} : memref<2x8192xf32, #tpu.memory_space<vmem>>, vector<16xf32>,
        %parallel_loop3A_872 = arith.maximumf %parallel_loop3A_832, %parallel_loop3A_871 : vector<16xf32>
        %parallel_loop3A_873 = arith.minimumf %parallel_loop3A_832, %parallel_loop3A_871 : vector<16xf32>
        %parallel_loop3A_874 = arith.maximumf %parallel_loop3A_833, %parallel_loop3A_873 : vector<16xf32>
        %parallel_loop3A_875 = arith.minimumf %parallel_loop3A_833, %parallel_loop3A_873 : vector<16xf32>
        %parallel_loop3A_876 = arith.maximumf %parallel_loop3A_834, %parallel_loop3A_875 : vector<16xf32>
        %parallel_loop3A_877 = arith.constant 3 : i32
        %parallel_loop3A_878 = arith.addi %parallel_loop3A_825, %parallel_loop3A_877 : i32
        %parallel_loop3A_879 = arith.constant 16 : i32
        %parallel_loop3A_880 = arith.muli %parallel_loop3A_878, %parallel_loop3A_879 : i32
        %parallel_loop3A_881 = arith.constant 0 : i32
        %parallel_loop3A_882 = arith.index_cast %parallel_loop3A_881 : i32 to index
        %parallel_loop3A_883 = arith.index_cast %parallel_loop3A_880 : i32 to index
        %parallel_loop3A_884 = tpu.vector_load %arg5[%parallel_loop3A_882, %parallel_loop3A_883] {strides = array<i32>} : memref<2x8192xf32, #tpu.memory_space<vmem>>, vector<16xf32>,
        %parallel_loop3A_885 = arith.maximumf %parallel_loop3A_835, %parallel_loop3A_884 : vector<16xf32>
        %parallel_loop3A_886 = arith.minimumf %parallel_loop3A_835, %parallel_loop3A_884 : vector<16xf32>
        %parallel_loop3A_887 = arith.maximumf %parallel_loop3A_836, %parallel_loop3A_886 : vector<16xf32>
        %parallel_loop3A_888 = arith.minimumf %parallel_loop3A_836, %parallel_loop3A_886 : vector<16xf32>
        %parallel_loop3A_889 = arith.maximumf %parallel_loop3A_837, %parallel_loop3A_888 : vector<16xf32>
        scf.yield %parallel_loop3A_846, %parallel_loop3A_848, %parallel_loop3A_850, %parallel_loop3A_859, %parallel_loop3A_861, %parallel_loop3A_863, %parallel_loop3A_872, %parallel_loop3A_874, %parallel_loop3A_876, %parallel_loop3A_885, %parallel_loop3A_887, %parallel_loop3A_889 : vector<16xf32>, vector<16xf32>, vector<16xf32>, vector<16xf32>, vector<16xf32>, vector<16xf32>, vector<16xf32>, vector<16xf32>, vector<16xf32>, vector<16xf32>, vector<16xf32>, vector<16xf32>
      } {sc.loop_unroll_factor = 4 : i64, sc.parallel_access}
      %max3A_430 = arith.maximumf %parallel_loop3A_429#0, %parallel_loop3A_429#3 : vector<16xf32>
      %max3A_431 = arith.maximumf %parallel_loop3A_429#1, %parallel_loop3A_429#4 : vector<16xf32>
      %min3A_432 = arith.minimumf %parallel_loop3A_429#0, %parallel_loop3A_429#3 : vector<16xf32>
      %max3A_433 = arith.maximumf %max3A_431, %min3A_432 : vector<16xf32>
      %max3A_434 = arith.maximumf %parallel_loop3A_429#2, %parallel_loop3A_429#5 : vector<16xf32>
      %min3A_435 = arith.minimumf %parallel_loop3A_429#1, %parallel_loop3A_429#3 : vector<16xf32>
      %min3A_436 = arith.minimumf %parallel_loop3A_429#0, %parallel_loop3A_429#4 : vector<16xf32>
      %max3A_437 = arith.maximumf %min3A_435, %min3A_436 : vector<16xf32>
      %max3A_438 = arith.maximumf %max3A_434, %max3A_437 : vector<16xf32>
      %max3A_439 = arith.maximumf %max3A_430, %parallel_loop3A_429#6 : vector<16xf32>
      %max3A_440 = arith.maximumf %max3A_433, %parallel_loop3A_429#7 : vector<16xf32>
      %min3A_441 = arith.minimumf %max3A_430, %parallel_loop3A_429#6 : vector<16xf32>
      %max3A_442 = arith.maximumf %max3A_440, %min3A_441 : vector<16xf32>
      %max3A_443 = arith.maximumf %max3A_438, %parallel_loop3A_429#8 : vector<16xf32>
      %min3A_444 = arith.minimumf %max3A_433, %parallel_loop3A_429#6 : vector<16xf32>
      %min3A_445 = arith.minimumf %max3A_430, %parallel_loop3A_429#7 : vector<16xf32>
      %max3A_446 = arith.maximumf %min3A_444, %min3A_445 : vector<16xf32>
      %max3A_447 = arith.maximumf %max3A_443, %max3A_446 : vector<16xf32>
      %max3A_448 = arith.maximumf %max3A_439, %parallel_loop3A_429#9 : vector<16xf32>
      %max3A_449 = arith.maximumf %max3A_442, %parallel_loop3A_429#10 : vector<16xf32>
      %min3A_450 = arith.minimumf %max3A_439, %parallel_loop3A_429#9 : vector<16xf32>
      %max3A_451 = arith.maximumf %max3A_449, %min3A_450 : vector<16xf32>
      %max3A_452 = arith.maximumf %max3A_447, %parallel_loop3A_429#11 : vector<16xf32>
      %min3A_453 = arith.minimumf %max3A_442, %parallel_loop3A_429#9 : vector<16xf32>
      %min3A_454 = arith.minimumf %max3A_439, %parallel_loop3A_429#10 : vector<16xf32>
      %max3A_455 = arith.maximumf %min3A_453, %min3A_454 : vector<16xf32>
      %max3A_456 = arith.maximumf %max3A_452, %max3A_455 : vector<16xf32>
      %broadcast_in_dim3A_457 = arith.constant 1.000000e+00 : f32
      %broadcast_in_dim3A_458 = vector.broadcast %broadcast_in_dim3A_457 : f32 to vector<16xf32>
      %broadcast_in_dim3A_459 = arith.constant 0.000000e+00 : f32
      %broadcast_in_dim3A_460 = vector.broadcast %broadcast_in_dim3A_459 : f32 to vector<16xf32>
      %broadcast_in_dim3A_461 = arith.constant -1.000000e+00 : f32
      %broadcast_in_dim3A_462 = vector.broadcast %broadcast_in_dim3A_461 : f32 to vector<16xf32>
      %broadcast_in_dim3A_463 = arith.constant 3.000000e+00 : f32
      %broadcast_in_dim3A_464 = vector.broadcast %broadcast_in_dim3A_463 : f32 to vector<16xf32>
      %reduce_max3A_465 = arith.constant true
      %reduce_max3A_466 = vector.broadcast %reduce_max3A_465 : i1 to vector<16xi1>
      %reduce_max3A_467 = tpu.scan <max>, %max3A_448 masked %reduce_max3A_466 : vector<16xf32>, vector<16xi1> -> vector<16xf32>
      %reduce_max3A_468 = vector.extract %reduce_max3A_467[15] : f32 from vector<16xf32>
      %broadcast_in_dim3A_469 = vector.broadcast %reduce_max3A_468 : f32 to vector<16xf32>
      %eq3A_470 = arith.cmpf oeq, %max3A_448, %broadcast_in_dim3A_469 : vector<16xf32>
      %select_n3A_471 = arith.select %eq3A_470, %broadcast_in_dim3A_458, %broadcast_in_dim3A_460 : vector<16xi1>, vector<16xf32>
      %eq3A_472 = arith.cmpf oeq, %max3A_451, %broadcast_in_dim3A_469 : vector<16xf32>
      %select_n3A_473 = arith.select %eq3A_472, %broadcast_in_dim3A_458, %broadcast_in_dim3A_460 : vector<16xi1>, vector<16xf32>
      %add3A_474 = arith.addf %select_n3A_471, %select_n3A_473 : vector<16xf32>
      %eq3A_475 = arith.cmpf oeq, %max3A_456, %broadcast_in_dim3A_469 : vector<16xf32>
      %select_n3A_476 = arith.select %eq3A_475, %broadcast_in_dim3A_458, %broadcast_in_dim3A_460 : vector<16xi1>, vector<16xf32>
      %add3A_477 = arith.addf %add3A_474, %select_n3A_476 : vector<16xf32>
      %reduce_sum3A_478 = arith.constant true
      %reduce_sum3A_479 = vector.broadcast %reduce_sum3A_478 : i1 to vector<16xi1>
      %reduce_sum3A_480 = tpu.scan <sum>, %add3A_477 masked %reduce_sum3A_479 : vector<16xf32>, vector<16xi1> -> vector<16xf32>
      %reduce_sum3A_481 = vector.extract %reduce_sum3A_480[15] : f32 from vector<16xf32>
      %broadcast_in_dim3A_482 = vector.broadcast %reduce_sum3A_481 : f32 to vector<16xf32>
      %lt3A_483 = arith.cmpf olt, %max3A_448, %broadcast_in_dim3A_469 : vector<16xf32>
      %select_n3A_484 = arith.select %lt3A_483, %max3A_448, %broadcast_in_dim3A_462 : vector<16xi1>, vector<16xf32>
      %lt3A_485 = arith.cmpf olt, %max3A_451, %broadcast_in_dim3A_469 : vector<16xf32>
      %select_n3A_486 = arith.select %lt3A_485, %max3A_451, %broadcast_in_dim3A_462 : vector<16xi1>, vector<16xf32>
      %lt3A_487 = arith.cmpf olt, %max3A_456, %broadcast_in_dim3A_469 : vector<16xf32>
      %select_n3A_488 = arith.select %lt3A_487, %max3A_456, %broadcast_in_dim3A_462 : vector<16xi1>, vector<16xf32>
      %max3A_489 = arith.maximumf %select_n3A_484, %select_n3A_486 : vector<16xf32>
      %max3A_490 = arith.maximumf %max3A_489, %select_n3A_488 : vector<16xf32>
      %reduce_max3A_491 = arith.constant true
      %reduce_max3A_492 = vector.broadcast %reduce_max3A_491 : i1 to vector<16xi1>
      %reduce_max3A_493 = tpu.scan <max>, %max3A_490 masked %reduce_max3A_492 : vector<16xf32>, vector<16xi1> -> vector<16xf32>
      %reduce_max3A_494 = vector.extract %reduce_max3A_493[15] : f32 from vector<16xf32>
      %broadcast_in_dim3A_495 = vector.broadcast %reduce_max3A_494 : f32 to vector<16xf32>
      %eq3A_496 = arith.cmpf oeq, %select_n3A_484, %broadcast_in_dim3A_495 : vector<16xf32>
      %select_n3A_497 = arith.select %eq3A_496, %broadcast_in_dim3A_458, %broadcast_in_dim3A_460 : vector<16xi1>, vector<16xf32>
      %eq3A_498 = arith.cmpf oeq, %select_n3A_486, %broadcast_in_dim3A_495 : vector<16xf32>
      %select_n3A_499 = arith.select %eq3A_498, %broadcast_in_dim3A_458, %broadcast_in_dim3A_460 : vector<16xi1>, vector<16xf32>
      %add3A_500 = arith.addf %select_n3A_497, %select_n3A_499 : vector<16xf32>
      %eq3A_501 = arith.cmpf oeq, %select_n3A_488, %broadcast_in_dim3A_495 : vector<16xf32>
      %select_n3A_502 = arith.select %eq3A_501, %broadcast_in_dim3A_458, %broadcast_in_dim3A_460 : vector<16xi1>, vector<16xf32>
      %add3A_503 = arith.addf %add3A_500, %select_n3A_502 : vector<16xf32>
      %reduce_sum3A_504 = arith.constant true
      %reduce_sum3A_505 = vector.broadcast %reduce_sum3A_504 : i1 to vector<16xi1>
      %reduce_sum3A_506 = tpu.scan <sum>, %add3A_503 masked %reduce_sum3A_505 : vector<16xf32>, vector<16xi1> -> vector<16xf32>
      %reduce_sum3A_507 = vector.extract %reduce_sum3A_506[15] : f32 from vector<16xf32>
      %broadcast_in_dim3A_508 = vector.broadcast %reduce_sum3A_507 : f32 to vector<16xf32>
      %lt3A_509 = arith.cmpf olt, %select_n3A_484, %broadcast_in_dim3A_495 : vector<16xf32>
      %select_n3A_510 = arith.select %lt3A_509, %select_n3A_484, %broadcast_in_dim3A_462 : vector<16xi1>, vector<16xf32>
      %lt3A_511 = arith.cmpf olt, %select_n3A_486, %broadcast_in_dim3A_495 : vector<16xf32>
      %select_n3A_512 = arith.select %lt3A_511, %select_n3A_486, %broadcast_in_dim3A_462 : vector<16xi1>, vector<16xf32>
      %lt3A_513 = arith.cmpf olt, %select_n3A_488, %broadcast_in_dim3A_495 : vector<16xf32>
      %select_n3A_514 = arith.select %lt3A_513, %select_n3A_488, %broadcast_in_dim3A_462 : vector<16xi1>, vector<16xf32>
      %max3A_515 = arith.maximumf %select_n3A_510, %select_n3A_512 : vector<16xf32>
      %max3A_516 = arith.maximumf %max3A_515, %select_n3A_514 : vector<16xf32>
      %reduce_max3A_517 = arith.constant true
      %reduce_max3A_518 = vector.broadcast %reduce_max3A_517 : i1 to vector<16xi1>
      %reduce_max3A_519 = tpu.scan <max>, %max3A_516 masked %reduce_max3A_518 : vector<16xf32>, vector<16xi1> -> vector<16xf32>
      %reduce_max3A_520 = vector.extract %reduce_max3A_519[15] : f32 from vector<16xf32>
      %broadcast_in_dim3A_521 = vector.broadcast %reduce_max3A_520 : f32 to vector<16xf32>
      %ge3A_522 = arith.cmpf oge, %broadcast_in_dim3A_482, %broadcast_in_dim3A_464 : vector<16xf32>
      %add3A_523 = arith.addf %broadcast_in_dim3A_482, %broadcast_in_dim3A_508 : vector<16xf32>
      %ge3A_524 = arith.cmpf oge, %add3A_523, %broadcast_in_dim3A_464 : vector<16xf32>
      %select_n3A_525 = arith.select %ge3A_524, %broadcast_in_dim3A_495, %broadcast_in_dim3A_521 : vector<16xi1>, vector<16xf32>
      %select_n3A_526 = arith.select %ge3A_522, %broadcast_in_dim3A_469, %select_n3A_525 : vector<16xi1>, vector<16xf32>
      %min3A_527 = arith.minimumf %broadcast_in_dim3A_482, %broadcast_in_dim3A_464 : vector<16xf32>
      %sub3A_528 = arith.subf %broadcast_in_dim3A_464, %min3A_527 : vector<16xf32>
      %min3A_529 = arith.minimumf %broadcast_in_dim3A_508, %sub3A_528 : vector<16xf32>
      %jit3A_530 = arith.constant 0.000000e+00 : f32
      %jit3A_531 = arith.constant 3.000000e+00 : f32
      %max3A_532 = vector.broadcast %jit3A_530 : f32 to vector<16xf32>
      %max3A_533 = arith.maximumf %max3A_532, %min3A_529 : vector<16xf32>
      %min3A_534 = vector.broadcast %jit3A_531 : f32 to vector<16xf32>
      %min3A_535 = arith.minimumf %min3A_534, %max3A_533 : vector<16xf32>
      %sub3A_536 = arith.subf %broadcast_in_dim3A_464, %min3A_527 : vector<16xf32>
      %sub3A_537 = arith.subf %sub3A_536, %min3A_535 : vector<16xf32>
      %mul3A_538 = arith.mulf %min3A_527, %broadcast_in_dim3A_469 : vector<16xf32>
      %mul3A_539 = arith.mulf %min3A_535, %broadcast_in_dim3A_495 : vector<16xf32>
      %add3A_540 = arith.addf %mul3A_538, %mul3A_539 : vector<16xf32>
      %mul3A_541 = arith.mulf %sub3A_537, %broadcast_in_dim3A_521 : vector<16xf32>
      %add3A_542 = arith.addf %add3A_540, %mul3A_541 : vector<16xf32>
      %broadcast_in_dim3A_543 = arith.constant 0 : i32
      %broadcast_in_dim3A_544 = vector.broadcast %broadcast_in_dim3A_543 : i32 to vector<16xi32>
      %broadcast_in_dim3A_545 = arith.constant 1 : i32
      %broadcast_in_dim3A_546 = vector.broadcast %broadcast_in_dim3A_545 : i32 to vector<16xi32>
      %ge3A_547 = arith.cmpf oge, %parallel_loop3A_429#0, %select_n3A_526 : vector<16xf32>
      %select_n3A_548 = arith.select %ge3A_547, %broadcast_in_dim3A_546, %broadcast_in_dim3A_544 : vector<16xi1>, vector<16xi32>
      %add3A_549 = arith.addi %broadcast_in_dim3A_544, %select_n3A_548 : vector<16xi32>
      %ge3A_550 = arith.cmpf oge, %parallel_loop3A_429#1, %select_n3A_526 : vector<16xf32>
      %select_n3A_551 = arith.select %ge3A_550, %broadcast_in_dim3A_546, %broadcast_in_dim3A_544 : vector<16xi1>, vector<16xi32>
      %add3A_552 = arith.addi %add3A_549, %select_n3A_551 : vector<16xi32>
      %ge3A_553 = arith.cmpf oge, %parallel_loop3A_429#2, %select_n3A_526 : vector<16xf32>
      %select_n3A_554 = arith.select %ge3A_553, %broadcast_in_dim3A_546, %broadcast_in_dim3A_544 : vector<16xi1>, vector<16xi32>
      %add3A_555 = arith.addi %add3A_552, %select_n3A_554 : vector<16xi32>
      %ge3A_556 = arith.cmpf oge, %parallel_loop3A_429#2, %select_n3A_526 : vector<16xf32>
      %select_n3A_557 = arith.select %ge3A_556, %broadcast_in_dim3A_546, %broadcast_in_dim3A_544 : vector<16xi1>, vector<16xi32>
      %add3A_558 = arith.addi %broadcast_in_dim3A_544, %select_n3A_557 : vector<16xi32>
      %ge3A_559 = arith.cmpf oge, %parallel_loop3A_429#3, %select_n3A_526 : vector<16xf32>
      %select_n3A_560 = arith.select %ge3A_559, %broadcast_in_dim3A_546, %broadcast_in_dim3A_544 : vector<16xi1>, vector<16xi32>
      %add3A_561 = arith.addi %add3A_555, %select_n3A_560 : vector<16xi32>
      %ge3A_562 = arith.cmpf oge, %parallel_loop3A_429#4, %select_n3A_526 : vector<16xf32>
      %select_n3A_563 = arith.select %ge3A_562, %broadcast_in_dim3A_546, %broadcast_in_dim3A_544 : vector<16xi1>, vector<16xi32>
      %add3A_564 = arith.addi %add3A_561, %select_n3A_563 : vector<16xi32>
      %ge3A_565 = arith.cmpf oge, %parallel_loop3A_429#5, %select_n3A_526 : vector<16xf32>
      %select_n3A_566 = arith.select %ge3A_565, %broadcast_in_dim3A_546, %broadcast_in_dim3A_544 : vector<16xi1>, vector<16xi32>
      %add3A_567 = arith.addi %add3A_564, %select_n3A_566 : vector<16xi32>
      %ge3A_568 = arith.cmpf oge, %parallel_loop3A_429#5, %select_n3A_526 : vector<16xf32>
      %select_n3A_569 = arith.select %ge3A_568, %broadcast_in_dim3A_546, %broadcast_in_dim3A_544 : vector<16xi1>, vector<16xi32>
      %add3A_570 = arith.addi %add3A_558, %select_n3A_569 : vector<16xi32>
      %ge3A_571 = arith.cmpf oge, %parallel_loop3A_429#6, %select_n3A_526 : vector<16xf32>
      %select_n3A_572 = arith.select %ge3A_571, %broadcast_in_dim3A_546, %broadcast_in_dim3A_544 : vector<16xi1>, vector<16xi32>
      %add3A_573 = arith.addi %add3A_567, %select_n3A_572 : vector<16xi32>
      %ge3A_574 = arith.cmpf oge, %parallel_loop3A_429#7, %select_n3A_526 : vector<16xf32>
      %select_n3A_575 = arith.select %ge3A_574, %broadcast_in_dim3A_546, %broadcast_in_dim3A_544 : vector<16xi1>, vector<16xi32>
      %add3A_576 = arith.addi %add3A_573, %select_n3A_575 : vector<16xi32>
      %ge3A_577 = arith.cmpf oge, %parallel_loop3A_429#8, %select_n3A_526 : vector<16xf32>
      %select_n3A_578 = arith.select %ge3A_577, %broadcast_in_dim3A_546, %broadcast_in_dim3A_544 : vector<16xi1>, vector<16xi32>
      %add3A_579 = arith.addi %add3A_576, %select_n3A_578 : vector<16xi32>
      %ge3A_580 = arith.cmpf oge, %parallel_loop3A_429#8, %select_n3A_526 : vector<16xf32>
      %select_n3A_581 = arith.select %ge3A_580, %broadcast_in_dim3A_546, %broadcast_in_dim3A_544 : vector<16xi1>, vector<16xi32>
      %add3A_582 = arith.addi %add3A_570, %select_n3A_581 : vector<16xi32>
      %ge3A_583 = arith.cmpf oge, %parallel_loop3A_429#9, %select_n3A_526 : vector<16xf32>
      %select_n3A_584 = arith.select %ge3A_583, %broadcast_in_dim3A_546, %broadcast_in_dim3A_544 : vector<16xi1>, vector<16xi32>
      %add3A_585 = arith.addi %add3A_579, %select_n3A_584 : vector<16xi32>
      %ge3A_586 = arith.cmpf oge, %parallel_loop3A_429#10, %select_n3A_526 : vector<16xf32>
      %select_n3A_587 = arith.select %ge3A_586, %broadcast_in_dim3A_546, %broadcast_in_dim3A_544 : vector<16xi1>, vector<16xi32>
      %add3A_588 = arith.addi %add3A_585, %select_n3A_587 : vector<16xi32>
      %ge3A_589 = arith.cmpf oge, %parallel_loop3A_429#11, %select_n3A_526 : vector<16xf32>
      %select_n3A_590 = arith.select %ge3A_589, %broadcast_in_dim3A_546, %broadcast_in_dim3A_544 : vector<16xi1>, vector<16xi32>
      %add3A_591 = arith.addi %add3A_588, %select_n3A_590 : vector<16xi32>
      %ge3A_592 = arith.cmpf oge, %parallel_loop3A_429#11, %select_n3A_526 : vector<16xf32>
      %select_n3A_593 = arith.select %ge3A_592, %broadcast_in_dim3A_546, %broadcast_in_dim3A_544 : vector<16xi1>, vector<16xi32>
      %add3A_594 = arith.addi %add3A_582, %select_n3A_593 : vector<16xi32>
      %reduce_sum3A_595 = arith.constant true
      %reduce_sum3A_596 = vector.broadcast %reduce_sum3A_595 : i1 to vector<16xi1>
      %reduce_sum3A_597 = tpu.scan <sum>, %add3A_591 masked %reduce_sum3A_596 : vector<16xi32>, vector<16xi1> -> vector<16xi32>
      %reduce_sum3A_598 = vector.extract %reduce_sum3A_597[15] : i32 from vector<16xi32>
      %reduce_sum3A_599 = arith.constant true
      %reduce_sum3A_600 = vector.broadcast %reduce_sum3A_599 : i1 to vector<16xi1>
      %reduce_sum3A_601 = tpu.scan <sum>, %add3A_594 masked %reduce_sum3A_600 : vector<16xi32>, vector<16xi1> -> vector<16xi32>
      %reduce_sum3A_602 = vector.extract %reduce_sum3A_601[15] : i32 from vector<16xi32>
      %ne3A_603 = arith.constant 3 : i32
      %ne3A_604 = arith.cmpi ne, %reduce_sum3A_598, %ne3A_603 : i32
      %gt3A_605 = arith.constant 0 : i32
      %gt3A_606 = arith.cmpi sgt, %reduce_sum3A_602, %gt3A_605 : i32
      %or3A_607 = arith.ori %ne3A_604, %gt3A_606 : i1
      %convert_element_type3A_608 = arith.extui %or3A_607 : i1 to i32
      %cond3A_609 = arith.constant 0 : i32
      %cond3A_610 = arith.cmpi ne, %convert_element_type3A_608, %cond3A_609 : i32
      %cond3A_611 = scf.if %cond3A_610 -> (vector<16xf32>) {
        %parallel_loop3A_825 = arith.constant 0 : i32
        %parallel_loop3A_826 = arith.constant 512 : i32
        %parallel_loop3A_827 = arith.constant 4 : i32
        %parallel_loop3A_828:4 = scf.for %parallel_loop3A_837 = %parallel_loop3A_825 to %parallel_loop3A_826 step %parallel_loop3A_827 iter_args(%parallel_loop3A_838 = %broadcast_in_dim3A_460, %parallel_loop3A_839 = %broadcast_in_dim3A_460, %parallel_loop3A_840 = %broadcast_in_dim3A_460, %parallel_loop3A_841 = %broadcast_in_dim3A_460) -> (vector<16xf32>, vector<16xf32>, vector<16xf32>, vector<16xf32>)  : i32 {
          %parallel_loop3A_842 = arith.constant 0 : i32
          %parallel_loop3A_843 = arith.addi %parallel_loop3A_837, %parallel_loop3A_842 : i32
          %parallel_loop3A_844 = arith.constant 16 : i32
          %parallel_loop3A_845 = arith.muli %parallel_loop3A_843, %parallel_loop3A_844 : i32
          %parallel_loop3A_846 = arith.constant 0 : i32
          %parallel_loop3A_847 = arith.index_cast %parallel_loop3A_846 : i32 to index
          %parallel_loop3A_848 = arith.index_cast %parallel_loop3A_845 : i32 to index
          %parallel_loop3A_849 = tpu.vector_load %arg5[%parallel_loop3A_847, %parallel_loop3A_848] {strides = array<i32>} : memref<2x8192xf32, #tpu.memory_space<vmem>>, vector<16xf32>,
          %parallel_loop3A_850 = arith.cmpf oge, %parallel_loop3A_849, %select_n3A_526 : vector<16xf32>
          %parallel_loop3A_851 = arith.constant 0.000000e+00 : f32
          %parallel_loop3A_852 = vector.broadcast %parallel_loop3A_851 : f32 to vector<16xf32>
          %parallel_loop3A_853 = arith.select %parallel_loop3A_850, %parallel_loop3A_849, %parallel_loop3A_852 : vector<16xi1>, vector<16xf32>
          %parallel_loop3A_854 = arith.addf %parallel_loop3A_838, %parallel_loop3A_853 : vector<16xf32>
          %parallel_loop3A_855 = arith.constant 1 : i32
          %parallel_loop3A_856 = arith.addi %parallel_loop3A_837, %parallel_loop3A_855 : i32
          %parallel_loop3A_857 = arith.constant 16 : i32
          %parallel_loop3A_858 = arith.muli %parallel_loop3A_856, %parallel_loop3A_857 : i32
          %parallel_loop3A_859 = arith.constant 0 : i32
          %parallel_loop3A_860 = arith.index_cast %parallel_loop3A_859 : i32 to index
          %parallel_loop3A_861 = arith.index_cast %parallel_loop3A_858 : i32 to index
          %parallel_loop3A_862 = tpu.vector_load %arg5[%parallel_loop3A_860, %parallel_loop3A_861] {strides = array<i32>} : memref<2x8192xf32, #tpu.memory_space<vmem>>, vector<16xf32>,
          %parallel_loop3A_863 = arith.cmpf oge, %parallel_loop3A_862, %select_n3A_526 : vector<16xf32>
          %parallel_loop3A_864 = arith.constant 0.000000e+00 : f32
          %parallel_loop3A_865 = vector.broadcast %parallel_loop3A_864 : f32 to vector<16xf32>
          %parallel_loop3A_866 = arith.select %parallel_loop3A_863, %parallel_loop3A_862, %parallel_loop3A_865 : vector<16xi1>, vector<16xf32>
          %parallel_loop3A_867 = arith.addf %parallel_loop3A_839, %parallel_loop3A_866 : vector<16xf32>
          %parallel_loop3A_868 = arith.constant 2 : i32
          %parallel_loop3A_869 = arith.addi %parallel_loop3A_837, %parallel_loop3A_868 : i32
          %parallel_loop3A_870 = arith.constant 16 : i32
          %parallel_loop3A_871 = arith.muli %parallel_loop3A_869, %parallel_loop3A_870 : i32
          %parallel_loop3A_872 = arith.constant 0 : i32
          %parallel_loop3A_873 = arith.index_cast %parallel_loop3A_872 : i32 to index
          %parallel_loop3A_874 = arith.index_cast %parallel_loop3A_871 : i32 to index
          %parallel_loop3A_875 = tpu.vector_load %arg5[%parallel_loop3A_873, %parallel_loop3A_874] {strides = array<i32>} : memref<2x8192xf32, #tpu.memory_space<vmem>>, vector<16xf32>,
          %parallel_loop3A_876 = arith.cmpf oge, %parallel_loop3A_875, %select_n3A_526 : vector<16xf32>
          %parallel_loop3A_877 = arith.constant 0.000000e+00 : f32
          %parallel_loop3A_878 = vector.broadcast %parallel_loop3A_877 : f32 to vector<16xf32>
          %parallel_loop3A_879 = arith.select %parallel_loop3A_876, %parallel_loop3A_875, %parallel_loop3A_878 : vector<16xi1>, vector<16xf32>
          %parallel_loop3A_880 = arith.addf %parallel_loop3A_840, %parallel_loop3A_879 : vector<16xf32>
          %parallel_loop3A_881 = arith.constant 3 : i32
          %parallel_loop3A_882 = arith.addi %parallel_loop3A_837, %parallel_loop3A_881 : i32
          %parallel_loop3A_883 = arith.constant 16 : i32
          %parallel_loop3A_884 = arith.muli %parallel_loop3A_882, %parallel_loop3A_883 : i32
          %parallel_loop3A_885 = arith.constant 0 : i32
          %parallel_loop3A_886 = arith.index_cast %parallel_loop3A_885 : i32 to index
          %parallel_loop3A_887 = arith.index_cast %parallel_loop3A_884 : i32 to index
          %parallel_loop3A_888 = tpu.vector_load %arg5[%parallel_loop3A_886, %parallel_loop3A_887] {strides = array<i32>} : memref<2x8192xf32, #tpu.memory_space<vmem>>, vector<16xf32>,
          %parallel_loop3A_889 = arith.cmpf oge, %parallel_loop3A_888, %select_n3A_526 : vector<16xf32>
          %parallel_loop3A_890 = arith.constant 0.000000e+00 : f32
          %parallel_loop3A_891 = vector.broadcast %parallel_loop3A_890 : f32 to vector<16xf32>
          %parallel_loop3A_892 = arith.select %parallel_loop3A_889, %parallel_loop3A_888, %parallel_loop3A_891 : vector<16xi1>, vector<16xf32>
          %parallel_loop3A_893 = arith.addf %parallel_loop3A_841, %parallel_loop3A_892 : vector<16xf32>
          scf.yield %parallel_loop3A_854, %parallel_loop3A_867, %parallel_loop3A_880, %parallel_loop3A_893 : vector<16xf32>, vector<16xf32>, vector<16xf32>, vector<16xf32>
        } {sc.loop_unroll_factor = 4 : i64, sc.parallel_access}
        %add3A_829 = arith.addf %parallel_loop3A_828#0, %parallel_loop3A_828#1 : vector<16xf32>
        %add3A_830 = arith.addf %add3A_829, %parallel_loop3A_828#2 : vector<16xf32>
        %add3A_831 = arith.addf %add3A_830, %parallel_loop3A_828#3 : vector<16xf32>
        %reduce_sum3A_832 = arith.constant true
        %reduce_sum3A_833 = vector.broadcast %reduce_sum3A_832 : i1 to vector<16xi1>
        %reduce_sum3A_834 = tpu.scan <sum>, %add3A_831 masked %reduce_sum3A_833 : vector<16xf32>, vector<16xi1> -> vector<16xf32>
        %reduce_sum3A_835 = vector.extract %reduce_sum3A_834[15] : f32 from vector<16xf32>
        %broadcast_in_dim3A_836 = vector.broadcast %reduce_sum3A_835 : f32 to vector<16xf32>
        scf.yield %broadcast_in_dim3A_836 : vector<16xf32>
      } else {
        scf.yield %add3A_542 : vector<16xf32>
      }
      %div3A_612 = arith.constant 1.000000e+00 : f32
      %div3A_613 = vector.broadcast %div3A_612 : f32 to vector<16xf32>
      %div3A_614 = arith.divf %div3A_613, %cond3A_611 : vector<16xf32>
      %broadcast_in_dim3A_615 = arith.constant -1.000000e+00 : f32
      %broadcast_in_dim3A_616 = vector.broadcast %broadcast_in_dim3A_615 : f32 to vector<16xf32>
      %parallel_loop3A_617 = arith.constant 0 : i32
      %parallel_loop3A_618 = arith.constant 512 : i32
      %parallel_loop3A_619 = arith.constant 4 : i32
      %parallel_loop3A_620:12 = scf.for %parallel_loop3A_825 = %parallel_loop3A_617 to %parallel_loop3A_618 step %parallel_loop3A_619 iter_args(%parallel_loop3A_826 = %broadcast_in_dim3A_616, %parallel_loop3A_827 = %broadcast_in_dim3A_616, %parallel_loop3A_828 = %broadcast_in_dim3A_616, %parallel_loop3A_829 = %broadcast_in_dim3A_616, %parallel_loop3A_830 = %broadcast_in_dim3A_616, %parallel_loop3A_831 = %broadcast_in_dim3A_616, %parallel_loop3A_832 = %broadcast_in_dim3A_616, %parallel_loop3A_833 = %broadcast_in_dim3A_616, %parallel_loop3A_834 = %broadcast_in_dim3A_616, %parallel_loop3A_835 = %broadcast_in_dim3A_616, %parallel_loop3A_836 = %broadcast_in_dim3A_616, %parallel_loop3A_837 = %broadcast_in_dim3A_616) -> (vector<16xf32>, vector<16xf32>, vector<16xf32>, vector<16xf32>, vector<16xf32>, vector<16xf32>, vector<16xf32>, vector<16xf32>, vector<16xf32>, vector<16xf32>, vector<16xf32>, vector<16xf32>)  : i32 {
        %parallel_loop3A_838 = arith.constant 0 : i32
        %parallel_loop3A_839 = arith.addi %parallel_loop3A_825, %parallel_loop3A_838 : i32
        %parallel_loop3A_840 = arith.constant 16 : i32
        %parallel_loop3A_841 = arith.muli %parallel_loop3A_839, %parallel_loop3A_840 : i32
        %parallel_loop3A_842 = arith.constant 1 : i32
        %parallel_loop3A_843 = arith.index_cast %parallel_loop3A_842 : i32 to index
        %parallel_loop3A_844 = arith.index_cast %parallel_loop3A_841 : i32 to index
        %parallel_loop3A_845 = tpu.vector_load %arg5[%parallel_loop3A_843, %parallel_loop3A_844] {strides = array<i32>} : memref<2x8192xf32, #tpu.memory_space<vmem>>, vector<16xf32>,
        %parallel_loop3A_846 = arith.maximumf %parallel_loop3A_826, %parallel_loop3A_845 : vector<16xf32>
        %parallel_loop3A_847 = arith.minimumf %parallel_loop3A_826, %parallel_loop3A_845 : vector<16xf32>
        %parallel_loop3A_848 = arith.maximumf %parallel_loop3A_827, %parallel_loop3A_847 : vector<16xf32>
        %parallel_loop3A_849 = arith.minimumf %parallel_loop3A_827, %parallel_loop3A_847 : vector<16xf32>
        %parallel_loop3A_850 = arith.maximumf %parallel_loop3A_828, %parallel_loop3A_849 : vector<16xf32>
        %parallel_loop3A_851 = arith.constant 1 : i32
        %parallel_loop3A_852 = arith.addi %parallel_loop3A_825, %parallel_loop3A_851 : i32
        %parallel_loop3A_853 = arith.constant 16 : i32
        %parallel_loop3A_854 = arith.muli %parallel_loop3A_852, %parallel_loop3A_853 : i32
        %parallel_loop3A_855 = arith.constant 1 : i32
        %parallel_loop3A_856 = arith.index_cast %parallel_loop3A_855 : i32 to index
        %parallel_loop3A_857 = arith.index_cast %parallel_loop3A_854 : i32 to index
        %parallel_loop3A_858 = tpu.vector_load %arg5[%parallel_loop3A_856, %parallel_loop3A_857] {strides = array<i32>} : memref<2x8192xf32, #tpu.memory_space<vmem>>, vector<16xf32>,
        %parallel_loop3A_859 = arith.maximumf %parallel_loop3A_829, %parallel_loop3A_858 : vector<16xf32>
        %parallel_loop3A_860 = arith.minimumf %parallel_loop3A_829, %parallel_loop3A_858 : vector<16xf32>
        %parallel_loop3A_861 = arith.maximumf %parallel_loop3A_830, %parallel_loop3A_860 : vector<16xf32>
        %parallel_loop3A_862 = arith.minimumf %parallel_loop3A_830, %parallel_loop3A_860 : vector<16xf32>
        %parallel_loop3A_863 = arith.maximumf %parallel_loop3A_831, %parallel_loop3A_862 : vector<16xf32>
        %parallel_loop3A_864 = arith.constant 2 : i32
        %parallel_loop3A_865 = arith.addi %parallel_loop3A_825, %parallel_loop3A_864 : i32
        %parallel_loop3A_866 = arith.constant 16 : i32
        %parallel_loop3A_867 = arith.muli %parallel_loop3A_865, %parallel_loop3A_866 : i32
        %parallel_loop3A_868 = arith.constant 1 : i32
        %parallel_loop3A_869 = arith.index_cast %parallel_loop3A_868 : i32 to index
        %parallel_loop3A_870 = arith.index_cast %parallel_loop3A_867 : i32 to index
        %parallel_loop3A_871 = tpu.vector_load %arg5[%parallel_loop3A_869, %parallel_loop3A_870] {strides = array<i32>} : memref<2x8192xf32, #tpu.memory_space<vmem>>, vector<16xf32>,
        %parallel_loop3A_872 = arith.maximumf %parallel_loop3A_832, %parallel_loop3A_871 : vector<16xf32>
        %parallel_loop3A_873 = arith.minimumf %parallel_loop3A_832, %parallel_loop3A_871 : vector<16xf32>
        %parallel_loop3A_874 = arith.maximumf %parallel_loop3A_833, %parallel_loop3A_873 : vector<16xf32>
        %parallel_loop3A_875 = arith.minimumf %parallel_loop3A_833, %parallel_loop3A_873 : vector<16xf32>
        %parallel_loop3A_876 = arith.maximumf %parallel_loop3A_834, %parallel_loop3A_875 : vector<16xf32>
        %parallel_loop3A_877 = arith.constant 3 : i32
        %parallel_loop3A_878 = arith.addi %parallel_loop3A_825, %parallel_loop3A_877 : i32
        %parallel_loop3A_879 = arith.constant 16 : i32
        %parallel_loop3A_880 = arith.muli %parallel_loop3A_878, %parallel_loop3A_879 : i32
        %parallel_loop3A_881 = arith.constant 1 : i32
        %parallel_loop3A_882 = arith.index_cast %parallel_loop3A_881 : i32 to index
        %parallel_loop3A_883 = arith.index_cast %parallel_loop3A_880 : i32 to index
        %parallel_loop3A_884 = tpu.vector_load %arg5[%parallel_loop3A_882, %parallel_loop3A_883] {strides = array<i32>} : memref<2x8192xf32, #tpu.memory_space<vmem>>, vector<16xf32>,
        %parallel_loop3A_885 = arith.maximumf %parallel_loop3A_835, %parallel_loop3A_884 : vector<16xf32>
        %parallel_loop3A_886 = arith.minimumf %parallel_loop3A_835, %parallel_loop3A_884 : vector<16xf32>
        %parallel_loop3A_887 = arith.maximumf %parallel_loop3A_836, %parallel_loop3A_886 : vector<16xf32>
        %parallel_loop3A_888 = arith.minimumf %parallel_loop3A_836, %parallel_loop3A_886 : vector<16xf32>
        %parallel_loop3A_889 = arith.maximumf %parallel_loop3A_837, %parallel_loop3A_888 : vector<16xf32>
        scf.yield %parallel_loop3A_846, %parallel_loop3A_848, %parallel_loop3A_850, %parallel_loop3A_859, %parallel_loop3A_861, %parallel_loop3A_863, %parallel_loop3A_872, %parallel_loop3A_874, %parallel_loop3A_876, %parallel_loop3A_885, %parallel_loop3A_887, %parallel_loop3A_889 : vector<16xf32>, vector<16xf32>, vector<16xf32>, vector<16xf32>, vector<16xf32>, vector<16xf32>, vector<16xf32>, vector<16xf32>, vector<16xf32>, vector<16xf32>, vector<16xf32>, vector<16xf32>
      } {sc.loop_unroll_factor = 4 : i64, sc.parallel_access}
      %max3A_621 = arith.maximumf %parallel_loop3A_620#0, %parallel_loop3A_620#3 : vector<16xf32>
      %max3A_622 = arith.maximumf %parallel_loop3A_620#1, %parallel_loop3A_620#4 : vector<16xf32>
      %min3A_623 = arith.minimumf %parallel_loop3A_620#0, %parallel_loop3A_620#3 : vector<16xf32>
      %max3A_624 = arith.maximumf %max3A_622, %min3A_623 : vector<16xf32>
      %max3A_625 = arith.maximumf %parallel_loop3A_620#2, %parallel_loop3A_620#5 : vector<16xf32>
      %min3A_626 = arith.minimumf %parallel_loop3A_620#1, %parallel_loop3A_620#3 : vector<16xf32>
      %min3A_627 = arith.minimumf %parallel_loop3A_620#0, %parallel_loop3A_620#4 : vector<16xf32>
      %max3A_628 = arith.maximumf %min3A_626, %min3A_627 : vector<16xf32>
      %max3A_629 = arith.maximumf %max3A_625, %max3A_628 : vector<16xf32>
      %max3A_630 = arith.maximumf %max3A_621, %parallel_loop3A_620#6 : vector<16xf32>
      %max3A_631 = arith.maximumf %max3A_624, %parallel_loop3A_620#7 : vector<16xf32>
      %min3A_632 = arith.minimumf %max3A_621, %parallel_loop3A_620#6 : vector<16xf32>
      %max3A_633 = arith.maximumf %max3A_631, %min3A_632 : vector<16xf32>
      %max3A_634 = arith.maximumf %max3A_629, %parallel_loop3A_620#8 : vector<16xf32>
      %min3A_635 = arith.minimumf %max3A_624, %parallel_loop3A_620#6 : vector<16xf32>
      %min3A_636 = arith.minimumf %max3A_621, %parallel_loop3A_620#7 : vector<16xf32>
      %max3A_637 = arith.maximumf %min3A_635, %min3A_636 : vector<16xf32>
      %max3A_638 = arith.maximumf %max3A_634, %max3A_637 : vector<16xf32>
      %max3A_639 = arith.maximumf %max3A_630, %parallel_loop3A_620#9 : vector<16xf32>
      %max3A_640 = arith.maximumf %max3A_633, %parallel_loop3A_620#10 : vector<16xf32>
      %min3A_641 = arith.minimumf %max3A_630, %parallel_loop3A_620#9 : vector<16xf32>
      %max3A_642 = arith.maximumf %max3A_640, %min3A_641 : vector<16xf32>
      %max3A_643 = arith.maximumf %max3A_638, %parallel_loop3A_620#11 : vector<16xf32>
      %min3A_644 = arith.minimumf %max3A_633, %parallel_loop3A_620#9 : vector<16xf32>
      %min3A_645 = arith.minimumf %max3A_630, %parallel_loop3A_620#10 : vector<16xf32>
      %max3A_646 = arith.maximumf %min3A_644, %min3A_645 : vector<16xf32>
      %max3A_647 = arith.maximumf %max3A_643, %max3A_646 : vector<16xf32>
      %broadcast_in_dim3A_648 = arith.constant 1.000000e+00 : f32
      %broadcast_in_dim3A_649 = vector.broadcast %broadcast_in_dim3A_648 : f32 to vector<16xf32>
      %broadcast_in_dim3A_650 = arith.constant 0.000000e+00 : f32
      %broadcast_in_dim3A_651 = vector.broadcast %broadcast_in_dim3A_650 : f32 to vector<16xf32>
      %broadcast_in_dim3A_652 = arith.constant -1.000000e+00 : f32
      %broadcast_in_dim3A_653 = vector.broadcast %broadcast_in_dim3A_652 : f32 to vector<16xf32>
      %broadcast_in_dim3A_654 = arith.constant 3.000000e+00 : f32
      %broadcast_in_dim3A_655 = vector.broadcast %broadcast_in_dim3A_654 : f32 to vector<16xf32>
      %reduce_max3A_656 = arith.constant true
      %reduce_max3A_657 = vector.broadcast %reduce_max3A_656 : i1 to vector<16xi1>
      %reduce_max3A_658 = tpu.scan <max>, %max3A_639 masked %reduce_max3A_657 : vector<16xf32>, vector<16xi1> -> vector<16xf32>
      %reduce_max3A_659 = vector.extract %reduce_max3A_658[15] : f32 from vector<16xf32>
      %broadcast_in_dim3A_660 = vector.broadcast %reduce_max3A_659 : f32 to vector<16xf32>
      %eq3A_661 = arith.cmpf oeq, %max3A_639, %broadcast_in_dim3A_660 : vector<16xf32>
      %select_n3A_662 = arith.select %eq3A_661, %broadcast_in_dim3A_649, %broadcast_in_dim3A_651 : vector<16xi1>, vector<16xf32>
      %eq3A_663 = arith.cmpf oeq, %max3A_642, %broadcast_in_dim3A_660 : vector<16xf32>
      %select_n3A_664 = arith.select %eq3A_663, %broadcast_in_dim3A_649, %broadcast_in_dim3A_651 : vector<16xi1>, vector<16xf32>
      %add3A_665 = arith.addf %select_n3A_662, %select_n3A_664 : vector<16xf32>
      %eq3A_666 = arith.cmpf oeq, %max3A_647, %broadcast_in_dim3A_660 : vector<16xf32>
      %select_n3A_667 = arith.select %eq3A_666, %broadcast_in_dim3A_649, %broadcast_in_dim3A_651 : vector<16xi1>, vector<16xf32>
      %add3A_668 = arith.addf %add3A_665, %select_n3A_667 : vector<16xf32>
      %reduce_sum3A_669 = arith.constant true
      %reduce_sum3A_670 = vector.broadcast %reduce_sum3A_669 : i1 to vector<16xi1>
      %reduce_sum3A_671 = tpu.scan <sum>, %add3A_668 masked %reduce_sum3A_670 : vector<16xf32>, vector<16xi1> -> vector<16xf32>
      %reduce_sum3A_672 = vector.extract %reduce_sum3A_671[15] : f32 from vector<16xf32>
      %broadcast_in_dim3A_673 = vector.broadcast %reduce_sum3A_672 : f32 to vector<16xf32>
      %lt3A_674 = arith.cmpf olt, %max3A_639, %broadcast_in_dim3A_660 : vector<16xf32>
      %select_n3A_675 = arith.select %lt3A_674, %max3A_639, %broadcast_in_dim3A_653 : vector<16xi1>, vector<16xf32>
      %lt3A_676 = arith.cmpf olt, %max3A_642, %broadcast_in_dim3A_660 : vector<16xf32>
      %select_n3A_677 = arith.select %lt3A_676, %max3A_642, %broadcast_in_dim3A_653 : vector<16xi1>, vector<16xf32>
      %lt3A_678 = arith.cmpf olt, %max3A_647, %broadcast_in_dim3A_660 : vector<16xf32>
      %select_n3A_679 = arith.select %lt3A_678, %max3A_647, %broadcast_in_dim3A_653 : vector<16xi1>, vector<16xf32>
      %max3A_680 = arith.maximumf %select_n3A_675, %select_n3A_677 : vector<16xf32>
      %max3A_681 = arith.maximumf %max3A_680, %select_n3A_679 : vector<16xf32>
      %reduce_max3A_682 = arith.constant true
      %reduce_max3A_683 = vector.broadcast %reduce_max3A_682 : i1 to vector<16xi1>
      %reduce_max3A_684 = tpu.scan <max>, %max3A_681 masked %reduce_max3A_683 : vector<16xf32>, vector<16xi1> -> vector<16xf32>
      %reduce_max3A_685 = vector.extract %reduce_max3A_684[15] : f32 from vector<16xf32>
      %broadcast_in_dim3A_686 = vector.broadcast %reduce_max3A_685 : f32 to vector<16xf32>
      %eq3A_687 = arith.cmpf oeq, %select_n3A_675, %broadcast_in_dim3A_686 : vector<16xf32>
      %select_n3A_688 = arith.select %eq3A_687, %broadcast_in_dim3A_649, %broadcast_in_dim3A_651 : vector<16xi1>, vector<16xf32>
      %eq3A_689 = arith.cmpf oeq, %select_n3A_677, %broadcast_in_dim3A_686 : vector<16xf32>
      %select_n3A_690 = arith.select %eq3A_689, %broadcast_in_dim3A_649, %broadcast_in_dim3A_651 : vector<16xi1>, vector<16xf32>
      %add3A_691 = arith.addf %select_n3A_688, %select_n3A_690 : vector<16xf32>
      %eq3A_692 = arith.cmpf oeq, %select_n3A_679, %broadcast_in_dim3A_686 : vector<16xf32>
      %select_n3A_693 = arith.select %eq3A_692, %broadcast_in_dim3A_649, %broadcast_in_dim3A_651 : vector<16xi1>, vector<16xf32>
      %add3A_694 = arith.addf %add3A_691, %select_n3A_693 : vector<16xf32>
      %reduce_sum3A_695 = arith.constant true
      %reduce_sum3A_696 = vector.broadcast %reduce_sum3A_695 : i1 to vector<16xi1>
      %reduce_sum3A_697 = tpu.scan <sum>, %add3A_694 masked %reduce_sum3A_696 : vector<16xf32>, vector<16xi1> -> vector<16xf32>
      %reduce_sum3A_698 = vector.extract %reduce_sum3A_697[15] : f32 from vector<16xf32>
      %broadcast_in_dim3A_699 = vector.broadcast %reduce_sum3A_698 : f32 to vector<16xf32>
      %lt3A_700 = arith.cmpf olt, %select_n3A_675, %broadcast_in_dim3A_686 : vector<16xf32>
      %select_n3A_701 = arith.select %lt3A_700, %select_n3A_675, %broadcast_in_dim3A_653 : vector<16xi1>, vector<16xf32>
      %lt3A_702 = arith.cmpf olt, %select_n3A_677, %broadcast_in_dim3A_686 : vector<16xf32>
      %select_n3A_703 = arith.select %lt3A_702, %select_n3A_677, %broadcast_in_dim3A_653 : vector<16xi1>, vector<16xf32>
      %lt3A_704 = arith.cmpf olt, %select_n3A_679, %broadcast_in_dim3A_686 : vector<16xf32>
      %select_n3A_705 = arith.select %lt3A_704, %select_n3A_679, %broadcast_in_dim3A_653 : vector<16xi1>, vector<16xf32>
      %max3A_706 = arith.maximumf %select_n3A_701, %select_n3A_703 : vector<16xf32>
      %max3A_707 = arith.maximumf %max3A_706, %select_n3A_705 : vector<16xf32>
      %reduce_max3A_708 = arith.constant true
      %reduce_max3A_709 = vector.broadcast %reduce_max3A_708 : i1 to vector<16xi1>
      %reduce_max3A_710 = tpu.scan <max>, %max3A_707 masked %reduce_max3A_709 : vector<16xf32>, vector<16xi1> -> vector<16xf32>
      %reduce_max3A_711 = vector.extract %reduce_max3A_710[15] : f32 from vector<16xf32>
      %broadcast_in_dim3A_712 = vector.broadcast %reduce_max3A_711 : f32 to vector<16xf32>
      %ge3A_713 = arith.cmpf oge, %broadcast_in_dim3A_673, %broadcast_in_dim3A_655 : vector<16xf32>
      %add3A_714 = arith.addf %broadcast_in_dim3A_673, %broadcast_in_dim3A_699 : vector<16xf32>
      %ge3A_715 = arith.cmpf oge, %add3A_714, %broadcast_in_dim3A_655 : vector<16xf32>
      %select_n3A_716 = arith.select %ge3A_715, %broadcast_in_dim3A_686, %broadcast_in_dim3A_712 : vector<16xi1>, vector<16xf32>
      %select_n3A_717 = arith.select %ge3A_713, %broadcast_in_dim3A_660, %select_n3A_716 : vector<16xi1>, vector<16xf32>
      %min3A_718 = arith.minimumf %broadcast_in_dim3A_673, %broadcast_in_dim3A_655 : vector<16xf32>
      %sub3A_719 = arith.subf %broadcast_in_dim3A_655, %min3A_718 : vector<16xf32>
      %min3A_720 = arith.minimumf %broadcast_in_dim3A_699, %sub3A_719 : vector<16xf32>
      %jit3A_721 = arith.constant 0.000000e+00 : f32
      %jit3A_722 = arith.constant 3.000000e+00 : f32
      %max3A_723 = vector.broadcast %jit3A_721 : f32 to vector<16xf32>
      %max3A_724 = arith.maximumf %max3A_723, %min3A_720 : vector<16xf32>
      %min3A_725 = vector.broadcast %jit3A_722 : f32 to vector<16xf32>
      %min3A_726 = arith.minimumf %min3A_725, %max3A_724 : vector<16xf32>
      %sub3A_727 = arith.subf %broadcast_in_dim3A_655, %min3A_718 : vector<16xf32>
      %sub3A_728 = arith.subf %sub3A_727, %min3A_726 : vector<16xf32>
      %mul3A_729 = arith.mulf %min3A_718, %broadcast_in_dim3A_660 : vector<16xf32>
      %mul3A_730 = arith.mulf %min3A_726, %broadcast_in_dim3A_686 : vector<16xf32>
      %add3A_731 = arith.addf %mul3A_729, %mul3A_730 : vector<16xf32>
      %mul3A_732 = arith.mulf %sub3A_728, %broadcast_in_dim3A_712 : vector<16xf32>
      %add3A_733 = arith.addf %add3A_731, %mul3A_732 : vector<16xf32>
      %broadcast_in_dim3A_734 = arith.constant 0 : i32
      %broadcast_in_dim3A_735 = vector.broadcast %broadcast_in_dim3A_734 : i32 to vector<16xi32>
      %broadcast_in_dim3A_736 = arith.constant 1 : i32
      %broadcast_in_dim3A_737 = vector.broadcast %broadcast_in_dim3A_736 : i32 to vector<16xi32>
      %ge3A_738 = arith.cmpf oge, %parallel_loop3A_620#0, %select_n3A_717 : vector<16xf32>
      %select_n3A_739 = arith.select %ge3A_738, %broadcast_in_dim3A_737, %broadcast_in_dim3A_735 : vector<16xi1>, vector<16xi32>
      %add3A_740 = arith.addi %broadcast_in_dim3A_735, %select_n3A_739 : vector<16xi32>
      %ge3A_741 = arith.cmpf oge, %parallel_loop3A_620#1, %select_n3A_717 : vector<16xf32>
      %select_n3A_742 = arith.select %ge3A_741, %broadcast_in_dim3A_737, %broadcast_in_dim3A_735 : vector<16xi1>, vector<16xi32>
      %add3A_743 = arith.addi %add3A_740, %select_n3A_742 : vector<16xi32>
      %ge3A_744 = arith.cmpf oge, %parallel_loop3A_620#2, %select_n3A_717 : vector<16xf32>
      %select_n3A_745 = arith.select %ge3A_744, %broadcast_in_dim3A_737, %broadcast_in_dim3A_735 : vector<16xi1>, vector<16xi32>
      %add3A_746 = arith.addi %add3A_743, %select_n3A_745 : vector<16xi32>
      %ge3A_747 = arith.cmpf oge, %parallel_loop3A_620#2, %select_n3A_717 : vector<16xf32>
      %select_n3A_748 = arith.select %ge3A_747, %broadcast_in_dim3A_737, %broadcast_in_dim3A_735 : vector<16xi1>, vector<16xi32>
      %add3A_749 = arith.addi %broadcast_in_dim3A_735, %select_n3A_748 : vector<16xi32>
      %ge3A_750 = arith.cmpf oge, %parallel_loop3A_620#3, %select_n3A_717 : vector<16xf32>
      %select_n3A_751 = arith.select %ge3A_750, %broadcast_in_dim3A_737, %broadcast_in_dim3A_735 : vector<16xi1>, vector<16xi32>
      %add3A_752 = arith.addi %add3A_746, %select_n3A_751 : vector<16xi32>
      %ge3A_753 = arith.cmpf oge, %parallel_loop3A_620#4, %select_n3A_717 : vector<16xf32>
      %select_n3A_754 = arith.select %ge3A_753, %broadcast_in_dim3A_737, %broadcast_in_dim3A_735 : vector<16xi1>, vector<16xi32>
      %add3A_755 = arith.addi %add3A_752, %select_n3A_754 : vector<16xi32>
      %ge3A_756 = arith.cmpf oge, %parallel_loop3A_620#5, %select_n3A_717 : vector<16xf32>
      %select_n3A_757 = arith.select %ge3A_756, %broadcast_in_dim3A_737, %broadcast_in_dim3A_735 : vector<16xi1>, vector<16xi32>
      %add3A_758 = arith.addi %add3A_755, %select_n3A_757 : vector<16xi32>
      %ge3A_759 = arith.cmpf oge, %parallel_loop3A_620#5, %select_n3A_717 : vector<16xf32>
      %select_n3A_760 = arith.select %ge3A_759, %broadcast_in_dim3A_737, %broadcast_in_dim3A_735 : vector<16xi1>, vector<16xi32>
      %add3A_761 = arith.addi %add3A_749, %select_n3A_760 : vector<16xi32>
      %ge3A_762 = arith.cmpf oge, %parallel_loop3A_620#6, %select_n3A_717 : vector<16xf32>
      %select_n3A_763 = arith.select %ge3A_762, %broadcast_in_dim3A_737, %broadcast_in_dim3A_735 : vector<16xi1>, vector<16xi32>
      %add3A_764 = arith.addi %add3A_758, %select_n3A_763 : vector<16xi32>
      %ge3A_765 = arith.cmpf oge, %parallel_loop3A_620#7, %select_n3A_717 : vector<16xf32>
      %select_n3A_766 = arith.select %ge3A_765, %broadcast_in_dim3A_737, %broadcast_in_dim3A_735 : vector<16xi1>, vector<16xi32>
      %add3A_767 = arith.addi %add3A_764, %select_n3A_766 : vector<16xi32>
      %ge3A_768 = arith.cmpf oge, %parallel_loop3A_620#8, %select_n3A_717 : vector<16xf32>
      %select_n3A_769 = arith.select %ge3A_768, %broadcast_in_dim3A_737, %broadcast_in_dim3A_735 : vector<16xi1>, vector<16xi32>
      %add3A_770 = arith.addi %add3A_767, %select_n3A_769 : vector<16xi32>
      %ge3A_771 = arith.cmpf oge, %parallel_loop3A_620#8, %select_n3A_717 : vector<16xf32>
      %select_n3A_772 = arith.select %ge3A_771, %broadcast_in_dim3A_737, %broadcast_in_dim3A_735 : vector<16xi1>, vector<16xi32>
      %add3A_773 = arith.addi %add3A_761, %select_n3A_772 : vector<16xi32>
      %ge3A_774 = arith.cmpf oge, %parallel_loop3A_620#9, %select_n3A_717 : vector<16xf32>
      %select_n3A_775 = arith.select %ge3A_774, %broadcast_in_dim3A_737, %broadcast_in_dim3A_735 : vector<16xi1>, vector<16xi32>
      %add3A_776 = arith.addi %add3A_770, %select_n3A_775 : vector<16xi32>
      %ge3A_777 = arith.cmpf oge, %parallel_loop3A_620#10, %select_n3A_717 : vector<16xf32>
      %select_n3A_778 = arith.select %ge3A_777, %broadcast_in_dim3A_737, %broadcast_in_dim3A_735 : vector<16xi1>, vector<16xi32>
      %add3A_779 = arith.addi %add3A_776, %select_n3A_778 : vector<16xi32>
      %ge3A_780 = arith.cmpf oge, %parallel_loop3A_620#11, %select_n3A_717 : vector<16xf32>
      %select_n3A_781 = arith.select %ge3A_780, %broadcast_in_dim3A_737, %broadcast_in_dim3A_735 : vector<16xi1>, vector<16xi32>
      %add3A_782 = arith.addi %add3A_779, %select_n3A_781 : vector<16xi32>
      %ge3A_783 = arith.cmpf oge, %parallel_loop3A_620#11, %select_n3A_717 : vector<16xf32>
      %select_n3A_784 = arith.select %ge3A_783, %broadcast_in_dim3A_737, %broadcast_in_dim3A_735 : vector<16xi1>, vector<16xi32>
      %add3A_785 = arith.addi %add3A_773, %select_n3A_784 : vector<16xi32>
      %reduce_sum3A_786 = arith.constant true
      %reduce_sum3A_787 = vector.broadcast %reduce_sum3A_786 : i1 to vector<16xi1>
      %reduce_sum3A_788 = tpu.scan <sum>, %add3A_782 masked %reduce_sum3A_787 : vector<16xi32>, vector<16xi1> -> vector<16xi32>
      %reduce_sum3A_789 = vector.extract %reduce_sum3A_788[15] : i32 from vector<16xi32>
      %reduce_sum3A_790 = arith.constant true
      %reduce_sum3A_791 = vector.broadcast %reduce_sum3A_790 : i1 to vector<16xi1>
      %reduce_sum3A_792 = tpu.scan <sum>, %add3A_785 masked %reduce_sum3A_791 : vector<16xi32>, vector<16xi1> -> vector<16xi32>
      %reduce_sum3A_793 = vector.extract %reduce_sum3A_792[15] : i32 from vector<16xi32>
      %ne3A_794 = arith.constant 3 : i32
      %ne3A_795 = arith.cmpi ne, %reduce_sum3A_789, %ne3A_794 : i32
      %gt3A_796 = arith.constant 0 : i32
      %gt3A_797 = arith.cmpi sgt, %reduce_sum3A_793, %gt3A_796 : i32
      %or3A_798 = arith.ori %ne3A_795, %gt3A_797 : i1
      %convert_element_type3A_799 = arith.extui %or3A_798 : i1 to i32
      %cond3A_800 = arith.constant 0 : i32
      %cond3A_801 = arith.cmpi ne, %convert_element_type3A_799, %cond3A_800 : i32
      %cond3A_802 = scf.if %cond3A_801 -> (vector<16xf32>) {
        %parallel_loop3A_825 = arith.constant 0 : i32
        %parallel_loop3A_826 = arith.constant 512 : i32
        %parallel_loop3A_827 = arith.constant 4 : i32
        %parallel_loop3A_828:4 = scf.for %parallel_loop3A_837 = %parallel_loop3A_825 to %parallel_loop3A_826 step %parallel_loop3A_827 iter_args(%parallel_loop3A_838 = %broadcast_in_dim3A_651, %parallel_loop3A_839 = %broadcast_in_dim3A_651, %parallel_loop3A_840 = %broadcast_in_dim3A_651, %parallel_loop3A_841 = %broadcast_in_dim3A_651) -> (vector<16xf32>, vector<16xf32>, vector<16xf32>, vector<16xf32>)  : i32 {
          %parallel_loop3A_842 = arith.constant 0 : i32
          %parallel_loop3A_843 = arith.addi %parallel_loop3A_837, %parallel_loop3A_842 : i32
          %parallel_loop3A_844 = arith.constant 16 : i32
          %parallel_loop3A_845 = arith.muli %parallel_loop3A_843, %parallel_loop3A_844 : i32
          %parallel_loop3A_846 = arith.constant 1 : i32
          %parallel_loop3A_847 = arith.index_cast %parallel_loop3A_846 : i32 to index
          %parallel_loop3A_848 = arith.index_cast %parallel_loop3A_845 : i32 to index
          %parallel_loop3A_849 = tpu.vector_load %arg5[%parallel_loop3A_847, %parallel_loop3A_848] {strides = array<i32>} : memref<2x8192xf32, #tpu.memory_space<vmem>>, vector<16xf32>,
          %parallel_loop3A_850 = arith.cmpf oge, %parallel_loop3A_849, %select_n3A_717 : vector<16xf32>
          %parallel_loop3A_851 = arith.constant 0.000000e+00 : f32
          %parallel_loop3A_852 = vector.broadcast %parallel_loop3A_851 : f32 to vector<16xf32>
          %parallel_loop3A_853 = arith.select %parallel_loop3A_850, %parallel_loop3A_849, %parallel_loop3A_852 : vector<16xi1>, vector<16xf32>
          %parallel_loop3A_854 = arith.addf %parallel_loop3A_838, %parallel_loop3A_853 : vector<16xf32>
          %parallel_loop3A_855 = arith.constant 1 : i32
          %parallel_loop3A_856 = arith.addi %parallel_loop3A_837, %parallel_loop3A_855 : i32
          %parallel_loop3A_857 = arith.constant 16 : i32
          %parallel_loop3A_858 = arith.muli %parallel_loop3A_856, %parallel_loop3A_857 : i32
          %parallel_loop3A_859 = arith.constant 1 : i32
          %parallel_loop3A_860 = arith.index_cast %parallel_loop3A_859 : i32 to index
          %parallel_loop3A_861 = arith.index_cast %parallel_loop3A_858 : i32 to index
          %parallel_loop3A_862 = tpu.vector_load %arg5[%parallel_loop3A_860, %parallel_loop3A_861] {strides = array<i32>} : memref<2x8192xf32, #tpu.memory_space<vmem>>, vector<16xf32>,
          %parallel_loop3A_863 = arith.cmpf oge, %parallel_loop3A_862, %select_n3A_717 : vector<16xf32>
          %parallel_loop3A_864 = arith.constant 0.000000e+00 : f32
          %parallel_loop3A_865 = vector.broadcast %parallel_loop3A_864 : f32 to vector<16xf32>
          %parallel_loop3A_866 = arith.select %parallel_loop3A_863, %parallel_loop3A_862, %parallel_loop3A_865 : vector<16xi1>, vector<16xf32>
          %parallel_loop3A_867 = arith.addf %parallel_loop3A_839, %parallel_loop3A_866 : vector<16xf32>
          %parallel_loop3A_868 = arith.constant 2 : i32
          %parallel_loop3A_869 = arith.addi %parallel_loop3A_837, %parallel_loop3A_868 : i32
          %parallel_loop3A_870 = arith.constant 16 : i32
          %parallel_loop3A_871 = arith.muli %parallel_loop3A_869, %parallel_loop3A_870 : i32
          %parallel_loop3A_872 = arith.constant 1 : i32
          %parallel_loop3A_873 = arith.index_cast %parallel_loop3A_872 : i32 to index
          %parallel_loop3A_874 = arith.index_cast %parallel_loop3A_871 : i32 to index
          %parallel_loop3A_875 = tpu.vector_load %arg5[%parallel_loop3A_873, %parallel_loop3A_874] {strides = array<i32>} : memref<2x8192xf32, #tpu.memory_space<vmem>>, vector<16xf32>,
          %parallel_loop3A_876 = arith.cmpf oge, %parallel_loop3A_875, %select_n3A_717 : vector<16xf32>
          %parallel_loop3A_877 = arith.constant 0.000000e+00 : f32
          %parallel_loop3A_878 = vector.broadcast %parallel_loop3A_877 : f32 to vector<16xf32>
          %parallel_loop3A_879 = arith.select %parallel_loop3A_876, %parallel_loop3A_875, %parallel_loop3A_878 : vector<16xi1>, vector<16xf32>
          %parallel_loop3A_880 = arith.addf %parallel_loop3A_840, %parallel_loop3A_879 : vector<16xf32>
          %parallel_loop3A_881 = arith.constant 3 : i32
          %parallel_loop3A_882 = arith.addi %parallel_loop3A_837, %parallel_loop3A_881 : i32
          %parallel_loop3A_883 = arith.constant 16 : i32
          %parallel_loop3A_884 = arith.muli %parallel_loop3A_882, %parallel_loop3A_883 : i32
          %parallel_loop3A_885 = arith.constant 1 : i32
          %parallel_loop3A_886 = arith.index_cast %parallel_loop3A_885 : i32 to index
          %parallel_loop3A_887 = arith.index_cast %parallel_loop3A_884 : i32 to index
          %parallel_loop3A_888 = tpu.vector_load %arg5[%parallel_loop3A_886, %parallel_loop3A_887] {strides = array<i32>} : memref<2x8192xf32, #tpu.memory_space<vmem>>, vector<16xf32>,
          %parallel_loop3A_889 = arith.cmpf oge, %parallel_loop3A_888, %select_n3A_717 : vector<16xf32>
          %parallel_loop3A_890 = arith.constant 0.000000e+00 : f32
          %parallel_loop3A_891 = vector.broadcast %parallel_loop3A_890 : f32 to vector<16xf32>
          %parallel_loop3A_892 = arith.select %parallel_loop3A_889, %parallel_loop3A_888, %parallel_loop3A_891 : vector<16xi1>, vector<16xf32>
          %parallel_loop3A_893 = arith.addf %parallel_loop3A_841, %parallel_loop3A_892 : vector<16xf32>
          scf.yield %parallel_loop3A_854, %parallel_loop3A_867, %parallel_loop3A_880, %parallel_loop3A_893 : vector<16xf32>, vector<16xf32>, vector<16xf32>, vector<16xf32>
        } {sc.loop_unroll_factor = 4 : i64, sc.parallel_access}
        %add3A_829 = arith.addf %parallel_loop3A_828#0, %parallel_loop3A_828#1 : vector<16xf32>
        %add3A_830 = arith.addf %add3A_829, %parallel_loop3A_828#2 : vector<16xf32>
        %add3A_831 = arith.addf %add3A_830, %parallel_loop3A_828#3 : vector<16xf32>
        %reduce_sum3A_832 = arith.constant true
        %reduce_sum3A_833 = vector.broadcast %reduce_sum3A_832 : i1 to vector<16xi1>
        %reduce_sum3A_834 = tpu.scan <sum>, %add3A_831 masked %reduce_sum3A_833 : vector<16xf32>, vector<16xi1> -> vector<16xf32>
        %reduce_sum3A_835 = vector.extract %reduce_sum3A_834[15] : f32 from vector<16xf32>
        %broadcast_in_dim3A_836 = vector.broadcast %reduce_sum3A_835 : f32 to vector<16xf32>
        scf.yield %broadcast_in_dim3A_836 : vector<16xf32>
      } else {
        scf.yield %add3A_733 : vector<16xf32>
      }
      %div3A_803 = arith.constant 1.000000e+00 : f32
      %div3A_804 = vector.broadcast %div3A_803 : f32 to vector<16xf32>
      %div3A_805 = arith.divf %div3A_804, %cond3A_802 : vector<16xf32>
      %dma_wait3A_806 = arith.constant 0 : i32
      %dma_wait3A_807 = tpu.memref_slice %arg3[%add3A_23, %dma_wait3A_806] : memref<4096x8192xf32, #tpu.memory_space<hbm>> -> memref<2x8192xf32, #tpu.memory_space<hbm>>
      %dma_wait3A_808 = arith.constant 0 : i32
      %dma_wait3A_809 = tpu.memref_slice %arg3[%add3A_23, %dma_wait3A_808] : memref<4096x8192xf32, #tpu.memory_space<hbm>> -> memref<2x8192xf32, #tpu.memory_space<hbm>>
      tpu.wait_dma2 semaphore(%arg9 : memref<!tpu.dma_semaphore, #tpu.memory_space<semaphore_mem>>) src(%arg6 : memref<2x8192xf32, #tpu.memory_space<vmem>>) dst(%dma_wait3A_809 : memref<2x8192xf32, #tpu.memory_space<hbm>>)
      %broadcast_in_dim3A_810 = arith.constant 0.000000e+00 : f32
      %broadcast_in_dim3A_811 = vector.broadcast %broadcast_in_dim3A_810 : f32 to vector<16xf32>
      %parallel_loop3A_812 = arith.constant 0 : i32
      %parallel_loop3A_813 = arith.constant 512 : i32
      %parallel_loop3A_814 = arith.constant 4 : i32
      scf.for %parallel_loop3A_825 = %parallel_loop3A_812 to %parallel_loop3A_813 step %parallel_loop3A_814  : i32 {
        %parallel_loop3A_826 = arith.constant 0 : i32
        %parallel_loop3A_827 = arith.addi %parallel_loop3A_825, %parallel_loop3A_826 : i32
        %parallel_loop3A_828 = arith.constant 16 : i32
        %parallel_loop3A_829 = arith.muli %parallel_loop3A_827, %parallel_loop3A_828 : i32
        %parallel_loop3A_830 = arith.constant 0 : i32
        %parallel_loop3A_831 = arith.index_cast %parallel_loop3A_830 : i32 to index
        %parallel_loop3A_832 = arith.index_cast %parallel_loop3A_829 : i32 to index
        %parallel_loop3A_833 = tpu.vector_load %arg5[%parallel_loop3A_831, %parallel_loop3A_832] {strides = array<i32>} : memref<2x8192xf32, #tpu.memory_space<vmem>>, vector<16xf32>,
        %parallel_loop3A_834 = arith.cmpf oge, %parallel_loop3A_833, %select_n3A_526 : vector<16xf32>
        %parallel_loop3A_835 = arith.mulf %parallel_loop3A_833, %div3A_614 : vector<16xf32>
        %parallel_loop3A_836 = arith.select %parallel_loop3A_834, %parallel_loop3A_835, %broadcast_in_dim3A_811 : vector<16xi1>, vector<16xf32>
        %parallel_loop3A_837 = arith.constant 0 : i32
        %parallel_loop3A_838 = arith.index_cast %parallel_loop3A_837 : i32 to index
        %parallel_loop3A_839 = arith.index_cast %parallel_loop3A_829 : i32 to index
        %parallel_loop3A_840 = tpu.vector_load %arg6[%parallel_loop3A_838, %parallel_loop3A_839] {strides = array<i32>} : memref<2x8192xf32, #tpu.memory_space<vmem>>, vector<16xf32>,
        tpu.vector_store %arg6[%parallel_loop3A_838, %parallel_loop3A_839], %parallel_loop3A_836 {strides = array<i32>} : memref<2x8192xf32, #tpu.memory_space<vmem>>, vector<16xf32>,
        %parallel_loop3A_841 = arith.constant 1 : i32
        %parallel_loop3A_842 = arith.addi %parallel_loop3A_825, %parallel_loop3A_841 : i32
        %parallel_loop3A_843 = arith.constant 16 : i32
        %parallel_loop3A_844 = arith.muli %parallel_loop3A_842, %parallel_loop3A_843 : i32
        %parallel_loop3A_845 = arith.constant 0 : i32
        %parallel_loop3A_846 = arith.index_cast %parallel_loop3A_845 : i32 to index
        %parallel_loop3A_847 = arith.index_cast %parallel_loop3A_844 : i32 to index
        %parallel_loop3A_848 = tpu.vector_load %arg5[%parallel_loop3A_846, %parallel_loop3A_847] {strides = array<i32>} : memref<2x8192xf32, #tpu.memory_space<vmem>>, vector<16xf32>,
        %parallel_loop3A_849 = arith.cmpf oge, %parallel_loop3A_848, %select_n3A_526 : vector<16xf32>
        %parallel_loop3A_850 = arith.mulf %parallel_loop3A_848, %div3A_614 : vector<16xf32>
        %parallel_loop3A_851 = arith.select %parallel_loop3A_849, %parallel_loop3A_850, %broadcast_in_dim3A_811 : vector<16xi1>, vector<16xf32>
        %parallel_loop3A_852 = arith.constant 0 : i32
        %parallel_loop3A_853 = arith.index_cast %parallel_loop3A_852 : i32 to index
        %parallel_loop3A_854 = arith.index_cast %parallel_loop3A_844 : i32 to index
        %parallel_loop3A_855 = tpu.vector_load %arg6[%parallel_loop3A_853, %parallel_loop3A_854] {strides = array<i32>} : memref<2x8192xf32, #tpu.memory_space<vmem>>, vector<16xf32>,
        tpu.vector_store %arg6[%parallel_loop3A_853, %parallel_loop3A_854], %parallel_loop3A_851 {strides = array<i32>} : memref<2x8192xf32, #tpu.memory_space<vmem>>, vector<16xf32>,
        %parallel_loop3A_856 = arith.constant 2 : i32
        %parallel_loop3A_857 = arith.addi %parallel_loop3A_825, %parallel_loop3A_856 : i32
        %parallel_loop3A_858 = arith.constant 16 : i32
        %parallel_loop3A_859 = arith.muli %parallel_loop3A_857, %parallel_loop3A_858 : i32
        %parallel_loop3A_860 = arith.constant 0 : i32
        %parallel_loop3A_861 = arith.index_cast %parallel_loop3A_860 : i32 to index
        %parallel_loop3A_862 = arith.index_cast %parallel_loop3A_859 : i32 to index
        %parallel_loop3A_863 = tpu.vector_load %arg5[%parallel_loop3A_861, %parallel_loop3A_862] {strides = array<i32>} : memref<2x8192xf32, #tpu.memory_space<vmem>>, vector<16xf32>,
        %parallel_loop3A_864 = arith.cmpf oge, %parallel_loop3A_863, %select_n3A_526 : vector<16xf32>
        %parallel_loop3A_865 = arith.mulf %parallel_loop3A_863, %div3A_614 : vector<16xf32>
        %parallel_loop3A_866 = arith.select %parallel_loop3A_864, %parallel_loop3A_865, %broadcast_in_dim3A_811 : vector<16xi1>, vector<16xf32>
        %parallel_loop3A_867 = arith.constant 0 : i32
        %parallel_loop3A_868 = arith.index_cast %parallel_loop3A_867 : i32 to index
        %parallel_loop3A_869 = arith.index_cast %parallel_loop3A_859 : i32 to index
        %parallel_loop3A_870 = tpu.vector_load %arg6[%parallel_loop3A_868, %parallel_loop3A_869] {strides = array<i32>} : memref<2x8192xf32, #tpu.memory_space<vmem>>, vector<16xf32>,
        tpu.vector_store %arg6[%parallel_loop3A_868, %parallel_loop3A_869], %parallel_loop3A_866 {strides = array<i32>} : memref<2x8192xf32, #tpu.memory_space<vmem>>, vector<16xf32>,
        %parallel_loop3A_871 = arith.constant 3 : i32
        %parallel_loop3A_872 = arith.addi %parallel_loop3A_825, %parallel_loop3A_871 : i32
        %parallel_loop3A_873 = arith.constant 16 : i32
        %parallel_loop3A_874 = arith.muli %parallel_loop3A_872, %parallel_loop3A_873 : i32
        %parallel_loop3A_875 = arith.constant 0 : i32
        %parallel_loop3A_876 = arith.index_cast %parallel_loop3A_875 : i32 to index
        %parallel_loop3A_877 = arith.index_cast %parallel_loop3A_874 : i32 to index
        %parallel_loop3A_878 = tpu.vector_load %arg5[%parallel_loop3A_876, %parallel_loop3A_877] {strides = array<i32>} : memref<2x8192xf32, #tpu.memory_space<vmem>>, vector<16xf32>,
        %parallel_loop3A_879 = arith.cmpf oge, %parallel_loop3A_878, %select_n3A_526 : vector<16xf32>
        %parallel_loop3A_880 = arith.mulf %parallel_loop3A_878, %div3A_614 : vector<16xf32>
        %parallel_loop3A_881 = arith.select %parallel_loop3A_879, %parallel_loop3A_880, %broadcast_in_dim3A_811 : vector<16xi1>, vector<16xf32>
        %parallel_loop3A_882 = arith.constant 0 : i32
        %parallel_loop3A_883 = arith.index_cast %parallel_loop3A_882 : i32 to index
        %parallel_loop3A_884 = arith.index_cast %parallel_loop3A_874 : i32 to index
        %parallel_loop3A_885 = tpu.vector_load %arg6[%parallel_loop3A_883, %parallel_loop3A_884] {strides = array<i32>} : memref<2x8192xf32, #tpu.memory_space<vmem>>, vector<16xf32>,
        tpu.vector_store %arg6[%parallel_loop3A_883, %parallel_loop3A_884], %parallel_loop3A_881 {strides = array<i32>} : memref<2x8192xf32, #tpu.memory_space<vmem>>, vector<16xf32>,
      } {sc.loop_unroll_factor = 4 : i64, sc.parallel_access}
      %broadcast_in_dim3A_815 = arith.constant 0.000000e+00 : f32
      %broadcast_in_dim3A_816 = vector.broadcast %broadcast_in_dim3A_815 : f32 to vector<16xf32>
      %parallel_loop3A_817 = arith.constant 0 : i32
      %parallel_loop3A_818 = arith.constant 512 : i32
      %parallel_loop3A_819 = arith.constant 4 : i32
      scf.for %parallel_loop3A_825 = %parallel_loop3A_817 to %parallel_loop3A_818 step %parallel_loop3A_819  : i32 {
        %parallel_loop3A_826 = arith.constant 0 : i32
        %parallel_loop3A_827 = arith.addi %parallel_loop3A_825, %parallel_loop3A_826 : i32
        %parallel_loop3A_828 = arith.constant 16 : i32
        %parallel_loop3A_829 = arith.muli %parallel_loop3A_827, %parallel_loop3A_828 : i32
        %parallel_loop3A_830 = arith.constant 1 : i32
        %parallel_loop3A_831 = arith.index_cast %parallel_loop3A_830 : i32 to index
        %parallel_loop3A_832 = arith.index_cast %parallel_loop3A_829 : i32 to index
        %parallel_loop3A_833 = tpu.vector_load %arg5[%parallel_loop3A_831, %parallel_loop3A_832] {strides = array<i32>} : memref<2x8192xf32, #tpu.memory_space<vmem>>, vector<16xf32>,
        %parallel_loop3A_834 = arith.cmpf oge, %parallel_loop3A_833, %select_n3A_717 : vector<16xf32>
        %parallel_loop3A_835 = arith.mulf %parallel_loop3A_833, %div3A_805 : vector<16xf32>
        %parallel_loop3A_836 = arith.select %parallel_loop3A_834, %parallel_loop3A_835, %broadcast_in_dim3A_816 : vector<16xi1>, vector<16xf32>
        %parallel_loop3A_837 = arith.constant 1 : i32
        %parallel_loop3A_838 = arith.index_cast %parallel_loop3A_837 : i32 to index
        %parallel_loop3A_839 = arith.index_cast %parallel_loop3A_829 : i32 to index
        %parallel_loop3A_840 = tpu.vector_load %arg6[%parallel_loop3A_838, %parallel_loop3A_839] {strides = array<i32>} : memref<2x8192xf32, #tpu.memory_space<vmem>>, vector<16xf32>,
        tpu.vector_store %arg6[%parallel_loop3A_838, %parallel_loop3A_839], %parallel_loop3A_836 {strides = array<i32>} : memref<2x8192xf32, #tpu.memory_space<vmem>>, vector<16xf32>,
        %parallel_loop3A_841 = arith.constant 1 : i32
        %parallel_loop3A_842 = arith.addi %parallel_loop3A_825, %parallel_loop3A_841 : i32
        %parallel_loop3A_843 = arith.constant 16 : i32
        %parallel_loop3A_844 = arith.muli %parallel_loop3A_842, %parallel_loop3A_843 : i32
        %parallel_loop3A_845 = arith.constant 1 : i32
        %parallel_loop3A_846 = arith.index_cast %parallel_loop3A_845 : i32 to index
        %parallel_loop3A_847 = arith.index_cast %parallel_loop3A_844 : i32 to index
        %parallel_loop3A_848 = tpu.vector_load %arg5[%parallel_loop3A_846, %parallel_loop3A_847] {strides = array<i32>} : memref<2x8192xf32, #tpu.memory_space<vmem>>, vector<16xf32>,
        %parallel_loop3A_849 = arith.cmpf oge, %parallel_loop3A_848, %select_n3A_717 : vector<16xf32>
        %parallel_loop3A_850 = arith.mulf %parallel_loop3A_848, %div3A_805 : vector<16xf32>
        %parallel_loop3A_851 = arith.select %parallel_loop3A_849, %parallel_loop3A_850, %broadcast_in_dim3A_816 : vector<16xi1>, vector<16xf32>
        %parallel_loop3A_852 = arith.constant 1 : i32
        %parallel_loop3A_853 = arith.index_cast %parallel_loop3A_852 : i32 to index
        %parallel_loop3A_854 = arith.index_cast %parallel_loop3A_844 : i32 to index
        %parallel_loop3A_855 = tpu.vector_load %arg6[%parallel_loop3A_853, %parallel_loop3A_854] {strides = array<i32>} : memref<2x8192xf32, #tpu.memory_space<vmem>>, vector<16xf32>,
        tpu.vector_store %arg6[%parallel_loop3A_853, %parallel_loop3A_854], %parallel_loop3A_851 {strides = array<i32>} : memref<2x8192xf32, #tpu.memory_space<vmem>>, vector<16xf32>,
        %parallel_loop3A_856 = arith.constant 2 : i32
        %parallel_loop3A_857 = arith.addi %parallel_loop3A_825, %parallel_loop3A_856 : i32
        %parallel_loop3A_858 = arith.constant 16 : i32
        %parallel_loop3A_859 = arith.muli %parallel_loop3A_857, %parallel_loop3A_858 : i32
        %parallel_loop3A_860 = arith.constant 1 : i32
        %parallel_loop3A_861 = arith.index_cast %parallel_loop3A_860 : i32 to index
        %parallel_loop3A_862 = arith.index_cast %parallel_loop3A_859 : i32 to index
        %parallel_loop3A_863 = tpu.vector_load %arg5[%parallel_loop3A_861, %parallel_loop3A_862] {strides = array<i32>} : memref<2x8192xf32, #tpu.memory_space<vmem>>, vector<16xf32>,
        %parallel_loop3A_864 = arith.cmpf oge, %parallel_loop3A_863, %select_n3A_717 : vector<16xf32>
        %parallel_loop3A_865 = arith.mulf %parallel_loop3A_863, %div3A_805 : vector<16xf32>
        %parallel_loop3A_866 = arith.select %parallel_loop3A_864, %parallel_loop3A_865, %broadcast_in_dim3A_816 : vector<16xi1>, vector<16xf32>
        %parallel_loop3A_867 = arith.constant 1 : i32
        %parallel_loop3A_868 = arith.index_cast %parallel_loop3A_867 : i32 to index
        %parallel_loop3A_869 = arith.index_cast %parallel_loop3A_859 : i32 to index
        %parallel_loop3A_870 = tpu.vector_load %arg6[%parallel_loop3A_868, %parallel_loop3A_869] {strides = array<i32>} : memref<2x8192xf32, #tpu.memory_space<vmem>>, vector<16xf32>,
        tpu.vector_store %arg6[%parallel_loop3A_868, %parallel_loop3A_869], %parallel_loop3A_866 {strides = array<i32>} : memref<2x8192xf32, #tpu.memory_space<vmem>>, vector<16xf32>,
        %parallel_loop3A_871 = arith.constant 3 : i32
        %parallel_loop3A_872 = arith.addi %parallel_loop3A_825, %parallel_loop3A_871 : i32
        %parallel_loop3A_873 = arith.constant 16 : i32
        %parallel_loop3A_874 = arith.muli %parallel_loop3A_872, %parallel_loop3A_873 : i32
        %parallel_loop3A_875 = arith.constant 1 : i32
        %parallel_loop3A_876 = arith.index_cast %parallel_loop3A_875 : i32 to index
        %parallel_loop3A_877 = arith.index_cast %parallel_loop3A_874 : i32 to index
        %parallel_loop3A_878 = tpu.vector_load %arg5[%parallel_loop3A_876, %parallel_loop3A_877] {strides = array<i32>} : memref<2x8192xf32, #tpu.memory_space<vmem>>, vector<16xf32>,
        %parallel_loop3A_879 = arith.cmpf oge, %parallel_loop3A_878, %select_n3A_717 : vector<16xf32>
        %parallel_loop3A_880 = arith.mulf %parallel_loop3A_878, %div3A_805 : vector<16xf32>
        %parallel_loop3A_881 = arith.select %parallel_loop3A_879, %parallel_loop3A_880, %broadcast_in_dim3A_816 : vector<16xi1>, vector<16xf32>
        %parallel_loop3A_882 = arith.constant 1 : i32
        %parallel_loop3A_883 = arith.index_cast %parallel_loop3A_882 : i32 to index
        %parallel_loop3A_884 = arith.index_cast %parallel_loop3A_874 : i32 to index
        %parallel_loop3A_885 = tpu.vector_load %arg6[%parallel_loop3A_883, %parallel_loop3A_884] {strides = array<i32>} : memref<2x8192xf32, #tpu.memory_space<vmem>>, vector<16xf32>,
        tpu.vector_store %arg6[%parallel_loop3A_883, %parallel_loop3A_884], %parallel_loop3A_881 {strides = array<i32>} : memref<2x8192xf32, #tpu.memory_space<vmem>>, vector<16xf32>,
      } {sc.loop_unroll_factor = 4 : i64, sc.parallel_access}
      %dma_start3A_820 = arith.constant 0 : i32
      %dma_start3A_821 = tpu.memref_slice %arg3[%add3A_23, %dma_start3A_820] : memref<4096x8192xf32, #tpu.memory_space<hbm>> -> memref<2x8192xf32, #tpu.memory_space<hbm>>
      %dma_start3A_822 = arith.constant 0 : i32
      %dma_start3A_823 = tpu.memref_slice %arg3[%add3A_23, %dma_start3A_822] : memref<4096x8192xf32, #tpu.memory_space<hbm>> -> memref<2x8192xf32, #tpu.memory_space<hbm>>
      tpu.enqueue_dma source(%arg6 : memref<2x8192xf32, #tpu.memory_space<vmem>>) target(%dma_start3A_823 : memref<2x8192xf32, #tpu.memory_space<hbm>>) target_semaphore(%arg9 : memref<!tpu.dma_semaphore, #tpu.memory_space<semaphore_mem>>)
      %scan3A_824 = arith.constant 0 : i32
      scf.yield %scan3A_824 : i32
    }
    %scan3A_11 = arith.constant 32 : i32
    %dma_wait3A = arith.constant 0 : i32
    %dma_wait3A_12 = tpu.memref_slice %arg3[%mul3A_2, %dma_wait3A] : memref<4096x8192xf32, #tpu.memory_space<hbm>> -> memref<2x8192xf32, #tpu.memory_space<hbm>>
    %dma_wait3A_13 = arith.constant 0 : i32
    %dma_wait3A_14 = tpu.memref_slice %arg3[%mul3A_2, %dma_wait3A_13] : memref<4096x8192xf32, #tpu.memory_space<hbm>> -> memref<2x8192xf32, #tpu.memory_space<hbm>>
    tpu.wait_dma2 semaphore(%arg9 : memref<!tpu.dma_semaphore, #tpu.memory_space<semaphore_mem>>) src(%arg6 : memref<2x8192xf32, #tpu.memory_space<vmem>>) dst(%dma_wait3A_14 : memref<2x8192xf32, #tpu.memory_space<hbm>>)
    return
  }
}

</mosaic_0001>

<sc_bundles>
// kernel: kernel.3.cloned.1.call-start
scs
__scs_entry_jumppad:
0x0: {  	(pc) =	sbr.rel $0x88, $3  }
0x1: {  	(tag) =	ssettag $0x0;
	lr =	simm.s32 $0x1  }
0x2: {  	[smem:$0x3FA0] =	sst lr;
	_ =	strace $0xD0000000  }
0x3: {  	_ = 	snop  }
0x4: {  	_ = 	snop  }
0x5: {  	_ = 	snop  }
0x6: {  	_ = 	snop  }
0x7: {  	_ = 	snop  }
__scs_overlays_trampoline_lowered:
0x8: {  	[smem:$0x3FAF] =	sst s0  }
0x9: {  	[smem:$0x3FB0] =	sst s1  }
0xa: {  	[smem:$0x3FB1] =	sst s2  }
0xb: {  	[smem:$0x3FB2] =	sst s3  }
0xc: {  	[smem:$0x3FB3] =	sst s4  }
0xd: {  	[smem:$0x3FB4] =	sst s5  }
0xe: {  	[smem:$0x3FB5] =	sst s6  }
0xf: {  	[smem:$0x3FB6] =	sst s7  }
0x10: {  	[smem:$0x3FB7] =	sst s8  }
0x11: {  	[smem:$0x3FB8] =	sst s9;
	s0 =	simm.s32 @!p0 $0x0  }
0x12: {  	s1 =	sld [smem:$0x3F9E];
	s0 =	simm.s32 @p0 $0x1  }
0x13: {  	[smem:$0x3FB9] =	sst s0;
	s0 =	simm.s32 @!p1 $0x0  }
0x14: {  	s2 =	sld [smem:$0x3F9D];
	s0 =	simm.s32 @p1 $0x1  }
0x15: {  	[smem:$0x3FBA] =	sst s0;
	s0 =	simm.s32 @!p2 $0x0  }
0x16: {  	s3 =	sld [smem:$0x3FDB];
	s0 =	simm.s32 @p2 $0x1  }
0x17: {  	s4 =	simm.s32 $0x1BF5;
	[smem:$0x3FBC] =	sst s0  }
0x18: {  	s0 =	sld [smem:$0x3F9F];
	_ =	swait.ge [sflag:s4], $0x0  }
0x19: {  	s7 =	sld [smem:$0x3FA0]  }
0x1a: {  	s8 =	sadd.s32 $0xFFFFE003, lr  }
0x1b: {  	s9 =	sadd.s32 $0xFFFFFEF7, lr;
	s5 =	simm.s32 $0xFFFFFFFF;
	p2 =	slt.u32 s8, $0xFFFFF086  }
0x1c: {  	p1 =	slt.u32 s9, $0xF7A;
	s5 =	simm.s32 @!p2 $0x0  }
0x1d: {  	s5 =	simm.s32 @p1 $0x1;
	p0 =	seq.s32 s7, s2  }
0x1e: {  	s7 =	smul.u32 @!p0 $0xF7A, s2;
	p2 =	seq.s32 @!p0 s5, $0x0  }
0x1f: {  	s9 =	smul.u32 $0xF7A, s1;
	s8 =	simm.s32 @!p0 $0x1BF5;
	p2 =	por !p2, p0  }
0x20: {  	[sflag:s8] =	ssyncset.s32 @!p0 $0xFFFFF086;
	s6 =	sadd.s32 @!p0 s3, s7;
	s7 =	simm.s32 @!p0 $0x108  }
0x21: {  	s3 =	sadd.s32 s3, s9;
	s6 =	sadd.s32 @!p0 $0x88, s6;
	s7 =	simm.s32 @p2 $0x1082  }
0x22: {  	[simem:s7], [sflag:s8] =	dma.local @!p0 [hbm:s6], $0xF7A  }
0x23: {  	s9 =	sor.u32 $0xD0000000, s2;
	s6 =	simm.s32 $0x108;
	_ =	swait.ge @!p0 [sflag:s8], $0x0  }
0x24: {  	s3 =	sadd.s32 $0x88, s3;
	s6 =	simm.s32 @!p1 $0x1082;
	[sflag:s4] =	ssyncset.s32 $0xFFFFF086  }
0x25: {  	[simem:s6], [sflag:s4] =	dma.local [hbm:s3], $0xF7A  }
0x26: {  	[smem:$0x3FA0] =	sst s1;
	(tag) =	ssettag s2;
	_ =	strace s9  }
0x27: {  	s1 =	sld [smem:$0x3FB0]  }
0x28: {  	s2 =	sld [smem:$0x3FB1]  }
0x29: {  	s4 =	sld [smem:$0x3FB3]  }
0x2a: {  	p0 =	seq.s32 s5, $0x0;
	s5 =	sld [smem:$0x3FB4]  }
0x2b: {  	s6 =	sld [smem:$0x3FB5]  }
0x2c: {  	s7 =	sld [smem:$0x3FB6]  }
0x2d: {  	s3 =	simm.s32 $0x108;
	s8 =	sld [smem:$0x3FB7]  }
0x2e: {  	s3 =	simm.s32 @!p0 $0x1082;
	s9 =	sld [smem:$0x3FB8]  }
0x2f: {  	lr =	sadd.s32 s0, s3;
	s0 =	sld [smem:$0x3FAF]  }
0x30: {  	s3 =	sld [smem:$0x3FB2]  }
0x31: {  	[smem:$0x3FBB] =	sst s10  }
0x32: {  	s10 =	sld [smem:$0x3FB9];
	_ =	sdelay $0x3  }
0x33: {  	p0 =	seq.s32 s10, $0x1;
	s10 =	sld [smem:$0x3FBB];
	_ =	sdelay $0x3  }
0x34: {  	[smem:$0x3FBB] =	sst s10  }
0x35: {  	s10 =	sld [smem:$0x3FBA];
	_ =	sdelay $0x3  }
0x36: {  	p1 =	seq.s32 s10, $0x1;
	s10 =	sld [smem:$0x3FBB];
	_ =	sdelay $0x3  }
0x37: {  	[smem:$0x3FBB] =	sst s10  }
0x38: {  	s10 =	sld [smem:$0x3FBC]  }
0x39: {  	_ = 	snop;
	(pc) =	sbr.ind lr, $3  }
0x3a: {  	_ = 	snop  }
0x3b: {  	_ = 	snop  }
0x3c: {  	p2 =	seq.s32 s10, $0x1;
	s10 =	sld [smem:$0x3FBB]  }
0x3d: {  	_ =	shalt  }
0x3e: {  	_ =	shalt  }
0x3f: {  	_ =	shalt  }
0x40: {  	_ =	shalt  }
0x41: {  	_ =	shalt  }
0x42: {  	_ =	shalt  }
0x43: {  	_ =	shalt  }
0x44: {  	_ =	shalt  }
0x45: {  	_ =	shalt  }
0x46: {  	_ =	shalt  }
0x47: {  	_ =	shalt  }
0x48: {  	_ =	shalt  }
0x49: {  	_ =	shalt  }
0x4a: {  	_ =	shalt  }
0x4b: {  	_ =	shalt  }
0x4c: {  	_ =	shalt  }
0x4d: {  	_ =	shalt  }
0x4e: {  	_ =	shalt  }
0x4f: {  	_ =	shalt  }
0x50: {  	_ =	shalt  }
0x51: {  	_ =	shalt  }
0x52: {  	_ =	shalt  }
0x53: {  	_ =	shalt  }
0x54: {  	_ =	shalt  }
0x55: {  	_ =	shalt  }
0x56: {  	_ =	shalt  }
0x57: {  	_ =	shalt  }
0x58: {  	_ =	shalt  }
0x59: {  	_ =	shalt  }
0x5a: {  	_ =	shalt  }
0x5b: {  	_ =	shalt  }
0x5c: {  	_ =	shalt  }
0x5d: {  	_ =	shalt  }
0x5e: {  	_ =	shalt  }
0x5f: {  	_ =	shalt  }
0x60: {  	_ =	shalt  }
0x61: {  	_ =	shalt  }
0x62: {  	_ =	shalt  }
0x63: {  	_ =	shalt  }
0x64: {  	_ =	shalt  }
0x65: {  	_ =	shalt  }
0x66: {  	_ =	shalt  }
0x67: {  	_ =	shalt  }
0x68: {  	_ =	shalt  }
0x69: {  	_ =	shalt  }
0x6a: {  	_ =	shalt  }
0x6b: {  	_ =	shalt  }
0x6c: {  	_ =	shalt  }
0x6d: {  	_ =	shalt  }
0x6e: {  	_ =	shalt  }
0x6f: {  	_ =	shalt  }
0x70: {  	_ =	shalt  }
0x71: {  	_ =	shalt  }
0x72: {  	_ =	shalt  }
0x73: {  	_ =	shalt  }
0x74: {  	_ =	shalt  }
0x75: {  	_ =	shalt  }
0x76: {  	_ =	shalt  }
0x77: {  	_ =	shalt  }
0x78: {  	_ =	shalt  }
0x79: {  	_ =	shalt  }
0x7a: {  	_ =	shalt  }
0x7b: {  	_ =	shalt  }
0x7c: {  	_ =	shalt  }
0x7d: {  	_ =	shalt  }
0x7e: {  	_ =	shalt  }
0x7f: {  	_ =	shalt  }
0x80: {  	_ =	shalt  }
0x81: {  	_ =	shalt  }
0x82: {  	_ =	shalt  }
0x83: {  	_ =	shalt  }
0x84: {  	_ =	shalt  }
0x85: {  	_ =	shalt  }
0x86: {  	_ =	shalt  }
0x87: {  	_ =	shalt  }
.Lfunc_end0:
.L_simem_size_0:
called_computation_lowered:
.L_overlay_start_0:
0x88: {  	s2 =	sld [smem:$0x3FD9]  }
0x89: {  	s3 =	sld [smem:$0x3FFE];
	_ =	sdelay $0x1  }
0x8a: {  	s1 =	srdreg.scid  }
0x8b: {  	s0 =	sand.u32 $0x1, s1  }
0x8c: {  	s18 =	sshll.u32 s0, $0xA;
	s2 =	sadd.s32 s3, s2  }
0x8d: {  	s2 =	sadd.s32 s2, s18  }
0x8e: {  	[smem:$0x3FC7] =	sst s2  }
0x8f: {  	_ = 	snop  }
0x90: {  	s2 =	sld [smem:$0x3FC9]  }
0x91: {  	s19 =	sld [smem:$0x3FD0];
	(tm) =	ssettm $0x1  }
0x92: {  	s4 =	sld [smem:$0x3FFB];
	_ =	sdelay $0x3  }
0x93: {  	_ =	strace s4  }
0x94: {  	s4 =	sld [smem:$0x3FFC];
	_ =	sdelay $0x3  }
0x95: {  	_ =	strace s4  }
0x96: {  	s4 =	sld [smem:$0x3FFD];
	_ =	sdelay $0x3  }
0x97: {  	_ =	strace s4  }
0x98: {  	_ =	strace $0x8FFFFFFF  }
0x99: {  	s20 =	sld [smem:$0x3FDB];
	_ =	sdelay $0x1  }
0x9a: {  	s5 =	simm.s32 $_scs_section_size  }
0x9b: {  	s6 =	simm.s32 $_size__tile_overlayer_lowered;
	s7 =	simm.s32 $_tile_overlayer_lowered  }
0x9c: {  	s23 =	simm.s32 $0x1BFF;
	s22 =	sshll.u32 s7, $0x1;
	s4 =	sadd.s32 s5, s20  }
0x9d: {  	s8 =	simm.s32 $0x0;
	s21 =	sshll.u32 s6, $0x1;
	s6 =	sadd.s32 s22, s4  }
0x9e: {  	[timem:s8], [sflag:s23] =	dma.local [hbm:s6], s21  }
0x9f: {  	_ =	swait.ge [sflag:s23], s21  }
0xa0: {  	s5 =	ssub.s32 $0x0, s21;
	[sflag:s23] =	ssyncset.done $0x0  }
0xa1: {  	[sflag:s23] =	ssyncadd.s32 s5;
	_ =	sdelay $0x1  }
0xa2: {  	s24 =	simm.s32 $0x1B8B  }
0xa3: {  	_ =	swait.ge [sflag:s24], $0x1  }
0xa4: {  	[sflag:s24] =	ssyncset.done $0x0  }
0xa5: {  	s25 =	simm.s32 $0x1B8E;
	[sflag:s24] =	ssyncadd.s32 $0xFFFFFFFF  }
0xa6: {  	s26 =	simm.s32 $execute0_lowered;
	[smem:$0x3FD2] =	sst s25  }
0xa7: {  	s5 =	sshll.u32 s26, $0x1;
	_ =	strace $0x80000046;
	[dreg:$0x1] =	wrdreg $0xFFFFFFFF  }
0xa8: {  	s28 =	simm.s32 $_size_execute0_lowered;
	s4 =	sadd.s32 s4, s5;
	[dreg:$0x0] =	wrdreg $0x0  }
0xa9: {  	s5 =	sshll.u32 s28, $0x1;
	[dreg:$0x2] =	wrdreg s4  }
0xaa: {  	[dreg:$0x3] =	wrdreg s5  }
0xab: {  	[dreg:$0x4] =	wrdreg $0xC0  }
0xac: {  	_ =	task [dreg:s8], $0x5FFFF  }
0xad: {  	[dreg:$0x1] =	wrdreg $0xFFFFFFFF  }
0xae: {  	[dreg:$0x0] =	wrdreg $0x60  }
0xaf: {  	[dreg:$0x2] =	wrdreg s2  }
0xb0: {  	[dreg:$0x3] =	wrdreg s19  }
0xb1: {  	[dreg:$0x4] =	wrdreg $0x9  }
0xb2: {  	_ =	task.clear_ibuf [dreg:s8], $0x5FFFF;
	_ =	strace $0x90000046  }
0xb3: {  	s29 =	simm.s32 $0x9;
	_ =	strace $0x80000048  }
0xb4: {  	_ =	swait.ge [sflag:s29], $0x1  }
0xb5: {  	[sflag:s29] =	ssyncadd.s32 $0xFFFFFFFF  }
0xb6: {  	_ =	strace $0x90000048  }
0xb7: {  	_ =	sfence  }
0xb8: {  	s30 =	sld [smem:$0x0];
	_ =	sdelay $0x2  }
0xb9: {  	s31 =	sshll.u32 s1, $0xD;
	s1 =	sshrl.u32 s1, $0x2  }
0xba: {  	s3 =	sand.u32 $0x4000, s31;
	s1 =	sadd.s32 s1, s30  }
0xbb: {  	s0 =	sor.u32 s3, s0;
	s1 =	sshll.u32 s1, $0x11  }
0xbc: {  	s0 =	sor.u32 s1, s0  }
0xbd: {  	s0 =	sadd.s32 $0x8F2B, s0  }
0xbe: {  	[sflag:s0] =	ssyncadd.remote.s32 $0x1  }
0xbf: {  	_ =	sfence.sel $0xFFFF  }
0xc0: {  	[dreg:$0x0] =	wrdreg $0xFFFFFFFF;
	(pc) =	sbr.abs _section_cstart, $3  }
0xc1: {  	[dreg:$0x1] =	wrdreg $0xFFFFFFFF  }
0xc2: {  	_ =	task.clear_ibuf [dreg:s8], $0x2FFFF;
	_ =	strace $0x9FFFFFFF  }
0xc3: {  	(tm) =	ssettm $0x7FFFFFFF  }
tec
execute0_lowered:
.L_overlay_start_1:
0x0: {  	(tag) =	ssettag $0x1  }
0x1: {  	s2 =	rddreg [dreg:$0x0];
	s0 =	srdreg.scid  }
0x2: {  	s3 =	rddreg [dreg:$0x1];
	s1 =	stileid.u32;
	s4 =	simm.s32 $0x0  }
0x3: {  	s9 =	simm.s32 $0x400;
	s10 =	simm.s32 $0x4000;
	s11 =	simm.s32 $0x1  }
0x4: {  	s12 =	simm.s32 $0x8000;
	s13 =	simm.s32 $0x2;
	s14 =	simm.s32 $0x3  }
0x5: {  	s15 =	simm.s32 $0x0;
	s5 =	sand.u32 $0x1, s0;
	s0 =	rddreg [dreg:$0x2]  }
0x6: {  	s6 =	sshll.u32 s1, $0x8;
	s7 =	sshll.u32 s5, $0x7;
	s8 =	ssub.s32 $0x2, s5  }
0x7: {  	[smem:$0x7FF] =	sst s4;
	s5 =	sor.u32 s7, s6;
	s31 =	sshrl.u32 s8, $0x1  }
0x8: {  	_ =	strace $0x80000047;
	s7 =	sshll.u32 s5, $0xA;
	s8 =	ssub.s32 s8, s31  }
0x9: {  	v0 =	vimm.f32 $0.0e+00;
	v1 =	vimm.s32 $0x0;
	s6 =	sadd.s32 s2, s7;
	s7 =	smax.u32 s8, $0x1;
	s8 =	simm.s32 $0x100  }
.LBB2_1:
0xa: {  	[tilespmem:s4], [sflag:$0x1] =	stream.strided.gather [hbm4b:s6+s8], $0x4000, s9, s8, $0x38;
	[tilespmem:$0xC000] =	vst v63  }
0xb: {  	s16 =	simm.s32 $0x0  }
.LBB2_2:
0xc: {  	s17 =	sshll.u32 s16, $0x2  }
0xd: {  	s18 =	sadd.s32 s5, s17  }
0xe: {  	s20 =	sshll.u32 s16, $0x6;
	s17 =	sshll.u32 s18, $0xA  }
0xf: {  	s20 =	sand.u32 $0x40, s20;
	s19 =	sand.u32 $0x3FE000, s17  }
0x10: {  	s17 =	sor.u32 s20, s19  }
0x11: {  	s17 =	sor.u32 $0x20, s17  }
0x12: {  	s22 =	simm.s32 $0x100;
	s21 =	sadd.s32 s2, s17  }
0x13: {  	[tilespmem:s10], [sflag:$0x2] =	stream.strided.gather [hbm4b:s21+s22], $0x4000, s9, s22, $0x38;
	[tilespmem:$0xC000] =	vst v63  }
0x14: {  	_ =	swait.ge [sflag:s11], $0x4000  }
0x15: {  	[sflag:s11] =	ssyncset.done $0x0  }
0x16: {  	[sflag:s11] =	ssyncadd.s32 $0xFFFFC000  }
0x17: {  	v2 =	vld [tilespmem:s22+$0xFFFFFF10]  }
0x18: {  	v3 =	vld [tilespmem:s22+$0xFFFFFF50]  }
0x19: {  	v5 =	vld [tilespmem:s22+$0xFFFFFF30]  }
0x1a: {  	v6 =	vld [tilespmem:s22+$0xFFFFFF00]  }
0x1b: {  	v8 =	vld [tilespmem:s22+$0xFFFFFF20]  }
0x1c: {  	v4 =	vld [tilespmem:s22+$0xFFFFFF70]  }
0x1d: {  	v14 =	vimm.f32 $-1.000000000e+00;
	v11 =	vld [tilespmem:s22+$0xFFFFFF40]  }
0x1e: {  	v15 =	vld [tilespmem:s22+$0xFFFFFF60];
	v7 =	vmin.f32 v14, v2;
	v10 =	vmax.f32 v14, v2;
	v9 =	vmax.f32 v14, v5  }
0x1f: {  	v18 =	vmin.f32 v14, v5;
	v19 =	vmax.f32 v14, v6;
	v6 =	vmin.f32 v14, v6  }
0x20: {  	v12 =	vld [tilespmem:s22+$0x10];
	v21 =	vmax.f32 v14, v8;
	v22 =	vmin.f32 v14, v8;
	v13 =	vmax.f32 v14, v7  }
0x21: {  	v23 =	vld [tilespmem:s22+$0x30];
	v2 =	vmin.f32 v14, v7;
	v20 =	vmin.f32 v9, v4;
	v8 =	vmax.f32 v14, v6  }
0x22: {  	v29 =	vld [tilespmem:s22+$0x20];
	v24 =	vmax.f32 v14, v18;
	v16 =	vmin.f32 v10, v3;
	v27 =	vmax.f32 v9, v4  }
0x23: {  	v30 =	vld [tilespmem:s22+$0x0];
	v9 =	vmin.f32 v19, v11;
	v28 =	vmax.f32 v21, v15;
	v4 =	vmin.f32 v14, v6  }
0x24: {  	v3 =	vmax.f32 v10, v3;
	v61 =	vmax.f32 v19, v11;
	v18 =	vmin.f32 v14, v18  }
0x25: {  	v62 =	vmin.f32 v21, v15;
	v5 =	vmax.f32 v14, v2;
	v2 =	vmin.f32 v14, v22  }
0x26: {  	v25 =	vld [tilespmem:s22+$0x50];
	v26 =	vmax.f32 v13, v16;
	v6 =	vmin.f32 v13, v16;
	v31 =	vmax.f32 v3, v12  }
0x27: {  	v12 =	vmin.f32 v3, v12;
	v13 =	vmax.f32 v27, v23;
	v10 =	vmax.f32 v14, v4  }
0x28: {  	v17 =	vmax.f32 v28, v29;
	v23 =	vmin.f32 v27, v23;
	v11 =	vmax.f32 v61, v30  }
0x29: {  	v18 =	vmax.f32 v14, v18;
	v15 =	vmin.f32 v28, v29;
	v63 =	vmax.f32 v24, v20  }
0x2a: {  	v7 =	vld [tilespmem:s22+$0x70];
	v20 =	vmin.f32 v24, v20;
	v22 =	vmax.f32 v14, v22;
	v2 =	vmax.f32 v14, v2  }
0x2b: {  	v16 =	vld [tilespmem:s22+$0x60];
	v32 =	vmax.f32 v26, v12;
	v33 =	vmin.f32 v31, v25;
	v6 =	vmax.f32 v5, v6  }
0x2c: {  	v5 =	vmax.f32 v31, v25;
	v12 =	vmin.f32 v26, v12;
	v18 =	vmax.f32 v18, v20;
	v14 =	vld [tilespmem:s22+$0x40]  }
0x2d: {  	v21 =	vmax.f32 v63, v23;
	v20 =	vmin.f32 v63, v23;
	v4 =	vmax.f32 v32, v33  }
0x2e: {  	v19 =	vmin.f32 v32, v33;
	v6 =	vmax.f32 v6, v12;
	v20 =	vmax.f32 v18, v20  }
0x2f: {  	v18 =	vmin.f32 v22, v62;
	v6 =	vmax.f32 v6, v19;
	v19 =	vmax.f32 v22, v62  }
0x30: {  	s21 =	simm.s32 $0x0;
	s22 =	simm.s32 $0x300;
	v22 =	vmin.f32 v61, v30;
	v3 =	vmax.f32 v13, v7;
	v12 =	vmin.f32 v17, v16  }
.LBB2_3:
0x31: {  	v23 =	vld [tilespmem:s22+$0xFFFFFF10];
	s21 =	sadd.s32 $0x10, s21;
	v24 =	vmin.f32 v11, v14;
	v16 =	vmax.f32 v17, v16;
	v7 =	vmin.f32 v13, v7  }
0x32: {  	v17 =	vmax.f32 v8, v9;
	v13 =	vld [tilespmem:s22+$0xFFFFFF50];
	p0 =	slt.u32 s21, $0x1F0;
	v25 =	vmax.f32 v21, v7;
	v7 =	vmin.f32 v21, v7  }
0x33: {  	v8 =	vmin.f32 v8, v9;
	v9 =	vmax.f32 v17, v22;
	v21 =	vld [tilespmem:s22+$0xFFFFFF70];
	v20 =	vmax.f32 v20, v7  }
0x34: {  	v7 =	vmin.f32 v17, v22;
	v17 =	vmax.f32 v9, v24;
	v9 =	vmin.f32 v9, v24;
	v26 =	vld [tilespmem:s22+$0xFFFFFF40]  }
0x35: {  	v8 =	vmax.f32 v10, v8;
	v10 =	vmax.f32 v19, v15;
	v15 =	vmin.f32 v19, v15;
	v22 =	vld [tilespmem:s22+$0xFFFFFF30]  }
0x36: {  	v2 =	vmax.f32 v2, v18;
	v18 =	vmin.f32 v10, v12;
	v19 =	vld [tilespmem:s22+$0xFFFFFF00];
	v24 =	vmax.f32 v5, v23  }
0x37: {  	v2 =	vmax.f32 v2, v15;
	v7 =	vmax.f32 v8, v7;
	v5 =	vmin.f32 v5, v23;
	v23 =	vld [tilespmem:s22+$0xFFFFFF20]  }
0x38: {  	v28 =	vmax.f32 v10, v12;
	v2 =	vmax.f32 v2, v18;
	v27 =	vmax.f32 v7, v9;
	v15 =	vld [tilespmem:s22+$0x10]  }
0x39: {  	v10 =	vmax.f32 v4, v5;
	v4 =	vmin.f32 v4, v5;
	v5 =	vmax.f32 v11, v14;
	v12 =	vld [tilespmem:s22+$0xFFFFFF60]  }
0x3a: {  	v9 =	vmax.f32 v3, v22;
	v11 =	vmin.f32 v3, v22;
	v7 =	vld [tilespmem:s22+$0x70]  }
0x3b: {  	v4 =	vmax.f32 v6, v4;
	v14 =	vmax.f32 v5, v19;
	v6 =	vmin.f32 v9, v21  }
0x3c: {  	v3 =	vmin.f32 v5, v19;
	v18 =	vmax.f32 v16, v23;
	v19 =	vmin.f32 v16, v23;
	v5 =	vld [tilespmem:s22+$0x30]  }
0x3d: {  	v22 =	vmax.f32 v25, v11;
	v8 =	vmax.f32 v17, v3;
	v16 =	vmin.f32 v24, v13;
	v23 =	vld [tilespmem:s22+$0x50]  }
0x3e: {  	v21 =	vmax.f32 v9, v21;
	v29 =	vmin.f32 v28, v19;
	v30 =	vmax.f32 v10, v16  }
0x3f: {  	v9 =	vmin.f32 v14, v26;
	v2 =	vmax.f32 v2, v29;
	v29 =	vmax.f32 v18, v12;
	v31 =	vld [tilespmem:s22+$0x20]  }
0x40: {  	v17 =	vmin.f32 v17, v3;
	v3 =	vmax.f32 v24, v13;
	v16 =	vmin.f32 v10, v16  }
0x41: {  	v32 =	vmax.f32 v3, v15;
	v15 =	vmin.f32 v3, v15;
	v24 =	vld [tilespmem:s22+$0x0];
	v13 =	vmax.f32 v21, v5  }
0x42: {  	v33 =	vmax.f32 v30, v15;
	v34 =	vmin.f32 v32, v23;
	v3 =	vmax.f32 v13, v7  }
0x43: {  	v10 =	vmax.f32 v27, v17;
	v27 =	vmax.f32 v4, v16;
	v4 =	vmax.f32 v33, v34;
	v16 =	vld [tilespmem:s22+$0x60]  }
0x44: {  	v35 =	vmin.f32 v21, v5;
	v5 =	vmax.f32 v32, v23;
	v17 =	vmax.f32 v29, v31  }
0x45: {  	v23 =	vmax.f32 v14, v26;
	v14 =	vmin.f32 v30, v15;
	v26 =	vmin.f32 v33, v34  }
0x46: {  	v15 =	vmin.f32 v25, v11;
	v25 =	vmax.f32 v27, v14;
	v11 =	vmax.f32 v23, v24  }
.Ltmp0:
0x47: {  	v18 =	vmin.f32 v18, v12;
	v20 =	vmax.f32 v20, v15;
	v15 =	vmin.f32 v29, v31;
	v14 =	vld [tilespmem:s22+$0x40];
	(pc) =	sbr.rel @p0 .LBB2_3-.Ltmp0, $4  }
0x48: {  	v27 =	vmax.f32 v22, v6;
	v6 =	vmin.f32 v22, v6;
	v12 =	vmin.f32 v17, v16  }
0x49: {  	v6 =	vmax.f32 v20, v6;
	v21 =	vmax.f32 v27, v35;
	v20 =	vmin.f32 v27, v35  }
0x4a: {  	v22 =	vmax.f32 v28, v19;
	v20 =	vmax.f32 v6, v20;
	v6 =	vmax.f32 v25, v26  }
0x4b: {  	v19 =	vmax.f32 v22, v18;
	v18 =	vmin.f32 v22, v18;
	v22 =	vmin.f32 v23, v24;
	s22 =	sadd.s32 $0x200, s22  }
0x4c: {  	v23 =	vmin.f32 v11, v14  }
0x4d: {  	v7 =	vmin.f32 v13, v7;
	v43 =	vmax.f32 v17, v16;
	v44 =	vmax.f32 v8, v9  }
0x4e: {  	v8 =	vmin.f32 v8, v9;
	v47 =	vmax.f32 v11, v14;
	v11 =	vmin.f32 v19, v15  }
0x4f: {  	v2 =	vmax.f32 v2, v18;
	v45 =	vmax.f32 v21, v7;
	v7 =	vmin.f32 v21, v7  }
0x50: {  	v9 =	vmax.f32 v44, v22;
	v8 =	vmax.f32 v10, v8;
	v10 =	vmax.f32 v19, v15  }
0x51: {  	v48 =	vmax.f32 v47, v5;
	v2 =	vmax.f32 v2, v11;
	v11 =	vmin.f32 v47, v4  }
0x52: {  	v20 =	vmax.f32 v20, v7;
	v7 =	vmin.f32 v44, v22;
	v46 =	vmax.f32 v9, v23  }
0x53: {  	v9 =	vmin.f32 v9, v23;
	v49 =	vmin.f32 v10, v12;
	v50 =	vmax.f32 v48, v43  }
0x54: {  	v52 =	vmax.f32 v10, v12;
	v7 =	vmax.f32 v8, v7;
	v8 =	vmax.f32 v50, v3  }
0x55: {  	v10 =	vmin.f32 v46, v5;
	v18 =	vmax.f32 v2, v49;
	v51 =	vmax.f32 v7, v9  }
0x56: {  	v7 =	vmax.f32 v46, v4;
	(xrf0) =	vmax.scan.msk.f32 $0xffff, v8;
	v9 =	vmin.f32 v47, v5;
	v10 =	vmax.f32 v10, v11  }
0x57: {  	v11 =	vmin.f32 v48, v52;
	v7 =	vmax.f32 v7, v9;
	v9 =	vmax.f32 v51, v6  }
0x58: {  	v2 =	vmax.f32 v9, v10;
	v9 =	vmax.f32 v7, v52;
	v7 =	vmin.f32 v7, v43  }
0x59: {  	v7 =	vmax.f32 v7, v11;
	_ =	sdelay $0x1  }
0x5a: {  	v53 =	vmin.f32 v50, v45;
	v10 =	vmin.f32 v48, v43;
	v2 =	vmax.f32 v2, v18  }
0x5b: {  	v9 =	vmax.f32 v9, v10;
	v11 =	vmin.f32 v50, v3;
	v2 =	vmax.f32 v2, v7;
	v7, _, _ =	vpop (xrf0)  }
0x5c: {  	v10 =	vmax.f32 v9, v45;
	v9 =	vmin.f32 v9, v3;
	v7 =	vbroadcast v7, $0xF  }
0x5d: {  	v10 =	vmax.f32 v10, v11;
	v2 =	vmax.f32 v2, v20;
	v9 =	vmax.f32 v9, v53  }
0x5e: {  	v2 =	vmax.f32 v2, v9;
	vm0 =	vlt.f32 v8, v7;
	vm1 =	vlt.f32 v10, v7  }
0x5f: {  	vm5 =	vlt.f32 v2, v7;
	v9 =	vnsel vm0, $0xBF800000, v8;
	v11 =	vnsel vm1, $0xBF800000, v10  }
0x60: {  	v54 =	vnsel vm5, $0xBF800000, v2;
	v55 =	vmax.f32 v9, v11  }
0x61: {  	v19 =	vmax.f32 v55, v54  }
0x62: {  	(xrf0) =	vmax.scan.msk.f32 $0xffff, v19;
	_ =	sdelay $0x5  }
0x63: {  	v19, _, _ =	vpop (xrf0)  }
0x64: {  	vm6 =	veq.f32 v8, v7;
	v8 =	vbroadcast v19, $0xF  }
0x65: {  	vm7 =	veq.f32 v10, v7;
	vm10 =	veq.f32 v2, v7;
	v10 =	vsel vm6, $0x3F800000, v0  }
0x66: {  	v56 =	vsel vm7, $0x3F800000, v0;
	vm8 =	veq.f32 v9, v8;
	vm9 =	veq.f32 v11, v8  }
0x67: {  	v10 =	vadd.f32 v56, v10;
	v57 =	vsel vm8, $0x3F800000, v0;
	v2 =	vsel vm9, $0x3F800000, v0  }
0x68: {  	v58 =	vsel vm10, $0x3F800000, v0;
	vm11 =	veq.f32 v54, v8;
	v2 =	vadd.f32 v2, v57  }
0x69: {  	v10 =	vadd.f32 v10, v58;
	v59 =	vsel vm11, $0x3F800000, v0  }
0x6a: {  	v2 =	vadd.f32 v2, v59  }
0x6b: {  	(xrf2) =	vadd.scan.msk.f32 $0xffff, v10  }
0x6c: {  	(xrf2) =	vadd.scan.msk.f32 $0xffff, v2;
	_ =	sdelay $0x2  }
0x6d: {  	vm12 =	vlt.f32 v9, v8;
	vm13 =	vlt.f32 v11, v8  }
0x6e: {  	vm14 =	vlt.f32 v54, v8;
	v2 =	vnsel vm12, $0xBF800000, v9;
	v9 =	vnsel vm13, $0xBF800000, v11  }
0x6f: {  	v10 =	vnsel vm14, $0xBF800000, v54;
	v2 =	vmax.f32 v2, v9  }
0x70: {  	v2 =	vmax.f32 v2, v10  }
0x71: {  	(xrf0) =	vmax.scan.msk.f32 $0xffff, v2;
	_ =	sdelay $0x1  }
0x72: {  	v2, _, _ =	vpop (xrf2)  }
0x73: {  	v9, _, _ =	vpop (xrf2)  }
0x74: {  	v11 =	vbroadcast v2, $0xF;
	v10 =	vbroadcast v9, $0xF;
	_ =	sdelay $0x1  }
0x75: {  	v2, _, _ =	vpop (xrf0);
	v60 =	vadd.f32 v10, v11  }
0x76: {  	v9 =	vbroadcast v2, $0xF  }
0x77: {  	vm15 =	vge.f32 v60, $3.000000000e+00  }
0x78: {  	vm4 =	vge.f32 v11, $3.000000000e+00;
	v2 =	vsel vm15, v8, v9  }
0x79: {  	v2 =	vsel vm4, v7, v2  }
0x7a: {  	vm5 =	vge.f32 v47, v2;
	vm1 =	vge.f32 v46, v2  }
0x7b: {  	vm6 =	vge.f32 v51, v2;
	v14 =	vsel vm5, $0x1, v1;
	v61 =	vsel vm1, $0x1, v1  }
0x7c: {  	vm7 =	vge.f32 v5, v2;
	v62 =	vsel vm6, $0x1, v1;
	v14 =	vadd.s32 v61, v14  }
0x7d: {  	vm8 =	vge.f32 v4, v2;
	v63 =	vsel vm7, $0x1, v1;
	v5 =	vadd.s32 v62, v14  }
0x7e: {  	vm9 =	vge.f32 v6, v2;
	v4 =	vadd.s32 v63, v5;
	v5 =	vsel vm8, $0x1, v1  }
0x7f: {  	vm10 =	vge.f32 v43, v2;
	v4 =	vadd.s32 v5, v4;
	v5 =	vsel vm9, $0x1, v1  }
0x80: {  	vm11 =	vge.f32 v52, v2;
	v6 =	vsel vm10, $0x1, v1;
	v4 =	vadd.s32 v5, v4  }
0x81: {  	vm12 =	vge.f32 v18, v2;
	v4 =	vadd.s32 v6, v4;
	v6 =	vsel vm11, $0x1, v1  }
0x82: {  	vm13 =	vge.f32 v3, v2;
	v4 =	vadd.s32 v6, v4;
	v6 =	vsel vm12, $0x1, v1  }
0x83: {  	vm14 =	vge.f32 v45, v2;
	v3 =	vadd.s32 v6, v4;
	v4 =	vsel vm13, $0x1, v1  }
0x84: {  	vm15 =	vge.f32 v20, v2;
	v3 =	vadd.s32 v4, v3;
	v4 =	vsel vm14, $0x1, v1  }
0x85: {  	v5 =	vadd.s32 v5, v62;
	v3 =	vadd.s32 v4, v3;
	v4 =	vsel vm15, $0x1, v1  }
0x86: {  	v5 =	vadd.s32 v6, v5;
	v3 =	vadd.s32 v4, v3  }
0x87: {  	v4 =	vadd.s32 v4, v5;
	(xrf0) =	vadd.scan.msk.s32 $0xffff, v3  }
0x88: {  	(xrf0) =	vadd.scan.msk.s32 $0xffff, v4;
	_ =	sdelay $0x4  }
0x89: {  	v3, _, _ =	vpop (xrf0)  }
0x8a: {  	(v2sf) =	vpush v3, $0xF;
	v3, _, _ =	vpop (xrf0)  }
0x8b: {  	(v2sf) =	vpush v3, $0xF;
	_ =	sdelay $0xd  }
0x8c: {  	s21 =	spop (v2sf)  }
0x8d: {  	s22 =	spop (v2sf)  }
0x8e: {  	p0 =	sgt.s32 s22, $0x0  }
0x8f: {  	p1 =	seq.s32 @!p0 s21, $0x3  }
0x90: {  	p1 =	por p0, !p1  }
.Ltmp1:
0x91: {  	_ = 	snop;
	(pc) =	sbr.rel @p1 .LBB2_6-.Ltmp1, $1  }
0x92: {  	_ =	sdelay $0x3  }
0x93: {  	v3 =	vmin.f32 v11, $3.000000000e+00  }
0x94: {  	v4 =	vsub.f32 $3.000000000e+00, v3;
	_ =	sdelay $0x1  }
0x95: {  	v5 =	vclamp.gez.f32 v10, v4  }
0x96: {  	v5 =	vmin.f32 v5, $3.000000000e+00  }
.Ltmp2:
0x97: {  	v3 =	vmul.f32 v3, v7;
	v4 =	vsub.f32 v4, v5;
	v5 =	vmul.f32 v5, v8;
	(pc) =	sbr.rel .LBB2_9-.Ltmp2, $3  }
0x98: {  	_ = 	snop  }
0x99: {  	v3 =	vadd.f32 v5, v3;
	v4 =	vmul.f32 v4, v9;
	_ =	sdelay $0x1  }
0x9a: {  	v4 =	vadd.f32 v4, v3  }
.LBB2_6:
0x9b: {  	s22 =	simm.s32 $0x100  }
0x9c: {  	s22 =	simm.s32 @p0 $0x100  }
0x9d: {  	v3 =	vld [tilespmem:s22+$0xFFFFFF00]  }
0x9e: {  	v6 =	vld [tilespmem:s22+$0x10]  }
0x9f: {  	v9 =	vld [tilespmem:s22+$0xFFFFFF60]  }
0xa0: {  	v7 =	vld [tilespmem:s22+$0x0]  }
0xa1: {  	v10 =	vld [tilespmem:s22+$0xFFFFFF50]  }
0xa2: {  	v11 =	vld [tilespmem:s22+$0xFFFFFF40]  }
0xa3: {  	v14 =	vld [tilespmem:s22+$0xFFFFFF20]  }
0xa4: {  	v4 =	vpsel p0, $0x0, v0;
	v8 =	vpsel p0, $0x0, v0;
	v16 =	vpsel p0, $0x0, v0;
	s21 =	simm.s32 $0xFFFFFFF0;
	v13 =	vld [tilespmem:s22+$0xFFFFFF10]  }
0xa5: {  	s21 =	simm.s32 @p0 $0xFFFFFFF0;
	v19 =	vld [tilespmem:s22+$0xFFFFFF70];
	vm0 =	vge.f32 v3, v2;
	vm1 =	vge.f32 v7, v2;
	vm2 =	vge.f32 v9, v2  }
0xa6: {  	v5 =	vld [tilespmem:s22+$0xFFFFFF30];
	s21 =	sadd.s32 $0x10, s21;
	v3 =	vnsel vm0, $0x0, v3;
	vm0 =	vge.f32 v6, v2;
	v20 =	vnsel vm1, $0x0, v7  }
0xa7: {  	p0 =	slt.u32 s21, $0x1F0;
	vm1 =	vge.f32 v11, v2;
	v15 =	vadd.f32 v3, v16;
	v3 =	vnsel vm0, $0x0, v6;
	v6 =	vld [tilespmem:s22+$0x60]  }
.Ltmp3:
0xa8: {  	v12 =	vld [tilespmem:s22+$0x40];
	vm0 =	vge.f32 v10, v2;
	v11 =	vnsel vm1, $0x0, v11;
	vm1 =	vge.f32 v14, v2;
	(pc) =	sbr.rel @!p0 .LBB2_8-.Ltmp3, $4  }
0xa9: {  	v7 =	vld [tilespmem:s22+$0x30];
	v10 =	vnsel vm0, $0x0, v10;
	vm0 =	vge.f32 v13, v2;
	v18 =	vnsel vm1, $0x0, v14  }
0xaa: {  	vm1 =	vge.f32 v19, v2;
	v17 =	vnsel vm0, $0x0, v13;
	v21 =	vadd.f32 v11, v15;
	v13 =	vld [tilespmem:s22+$0x20]  }
0xab: {  	v14 =	vld [tilespmem:s22+$0x50];
	vm0 =	vge.f32 v5, v2;
	v15 =	vnsel vm2, $0x0, v9;
	v11 =	vnsel vm1, $0x0, v19  }
0xac: {  	v9 =	vld [tilespmem:s22+$0x70];
	s22 =	sadd.s32 $0x200, s22;
	v17 =	vadd.f32 v17, v16;
	v16 =	vadd.f32 v20, v21;
	vm1 =	vge.f32 v6, v2  }
.LBB2_7:
0xad: {  	v19 =	vld [tilespmem:s22+$0xFFFFFF00];
	s21 =	sadd.s32 $0x10, s21;
	v8 =	vadd.f32 v18, v8;
	vm2 =	vge.f32 v12, v2;
	v18 =	vnsel vm1, $0x0, v6  }
0xae: {  	v10 =	vadd.f32 v10, v17;
	v6 =	vld [tilespmem:s22+$0x10];
	p0 =	slt.u32 s21, $0x1F0;
	vm1 =	vge.f32 v7, v2;
	v12 =	vnsel vm2, $0x0, v12  }
0xaf: {  	v5 =	vnsel vm0, $0x0, v5;
	v17 =	vld [tilespmem:s22+$0xFFFFFF60];
	v8 =	vadd.f32 v15, v8;
	vm0 =	vge.f32 v13, v2  }
0xb0: {  	v10 =	vadd.f32 v3, v10;
	v3 =	vadd.f32 v12, v16;
	v15 =	vld [tilespmem:s22+$0x0];
	vm2 =	vge.f32 v14, v2  }
0xb1: {  	v4 =	vadd.f32 v5, v4;
	v7 =	vnsel vm1, $0x0, v7;
	v5 =	vnsel vm0, $0x0, v13;
	v12 =	vld [tilespmem:s22+$0xFFFFFF50]  }
0xb2: {  	v14 =	vnsel vm2, $0x0, v14;
	vm1 =	vge.f32 v9, v2;
	vm0 =	vge.f32 v19, v2;
	v13 =	vld [tilespmem:s22+$0xFFFFFF40]  }
0xb3: {  	v4 =	vadd.f32 v11, v4;
	v8 =	vadd.f32 v5, v8;
	v16 =	vnsel vm0, $0x0, v19;
	v19 =	vld [tilespmem:s22+$0xFFFFFF10]  }
0xb4: {  	v9 =	vnsel vm1, $0x0, v9;
	vm0 =	vge.f32 v6, v2;
	v11 =	vadd.f32 v16, v3;
	v16 =	vld [tilespmem:s22+$0xFFFFFF20]  }
0xb5: {  	v14 =	vadd.f32 v14, v10;
	v3 =	vnsel vm0, $0x0, v6;
	v5 =	vld [tilespmem:s22+$0xFFFFFF30];
	vm1 =	vge.f32 v15, v2  }
0xb6: {  	v4 =	vadd.f32 v7, v4;
	vm0 =	vge.f32 v12, v2;
	v20 =	vld [tilespmem:s22+$0xFFFFFF70];
	v21 =	vnsel vm1, $0x0, v15  }
0xb7: {  	v8 =	vadd.f32 v18, v8;
	vm1 =	vge.f32 v13, v2;
	v10 =	vnsel vm0, $0x0, v12;
	v6 =	vld [tilespmem:s22+$0x60]  }
.Ltmp4:
0xb8: {  	v4 =	vadd.f32 v9, v4;
	vm0 =	vge.f32 v19, v2;
	v13 =	vnsel vm1, $0x0, v13;
	v12 =	vld [tilespmem:s22+$0x40];
	(pc) =	sbr.rel @p0 .LBB2_7-.Ltmp4, $4  }
0xb9: {  	vm2 =	vge.f32 v17, v2;
	v9 =	vnsel vm0, $0x0, v19;
	vm1 =	vge.f32 v16, v2;
	v7 =	vld [tilespmem:s22+$0x30]  }
0xba: {  	v15 =	vnsel vm2, $0x0, v17;
	v19 =	vadd.f32 v13, v11;
	vm0 =	vge.f32 v5, v2;
	v13 =	vld [tilespmem:s22+$0x20]  }
0xbb: {  	v17 =	vadd.f32 v9, v14;
	v18 =	vnsel vm1, $0x0, v16;
	vm1 =	vge.f32 v20, v2;
	v14 =	vld [tilespmem:s22+$0x50]  }
0xbc: {  	v16 =	vadd.f32 v21, v19;
	v11 =	vnsel vm1, $0x0, v20;
	vm1 =	vge.f32 v6, v2;
	v9 =	vld [tilespmem:s22+$0x70];
	s22 =	sadd.s32 $0x200, s22  }
.LBB2_8:
0xbd: {  	v8 =	vadd.f32 v18, v8;
	vm2 =	vge.f32 v12, v2;
	v5 =	vnsel vm0, $0x0, v5  }
0xbe: {  	v10 =	vadd.f32 v10, v17;
	v12 =	vnsel vm2, $0x0, v12;
	vm12 =	vge.f32 v7, v2  }
0xbf: {  	v4 =	vadd.f32 v5, v4;
	v8 =	vadd.f32 v15, v8;
	vm13 =	vge.f32 v13, v2  }
0xc0: {  	v62 =	vadd.f32 v12, v16;
	v3 =	vadd.f32 v3, v10;
	vm14 =	vge.f32 v14, v2  }
0xc1: {  	v5 =	vnsel vm13, $0x0, v13;
	v4 =	vadd.f32 v11, v4;
	v63 =	vnsel vm14, $0x0, v14  }
0xc2: {  	v7 =	vnsel vm12, $0x0, v7;
	v5 =	vadd.f32 v5, v8;
	v3 =	vadd.f32 v63, v3  }
0xc3: {  	v6 =	vnsel vm1, $0x0, v6;
	v4 =	vadd.f32 v7, v4  }
0xc4: {  	vm15 =	vge.f32 v9, v2;
	v5 =	vadd.f32 v6, v5;
	v3 =	vadd.f32 v3, v62  }
0xc5: {  	v6 =	vnsel vm15, $0x0, v9  }
0xc6: {  	v4 =	vadd.f32 v6, v4;
	v3 =	vadd.f32 v5, v3;
	_ =	sdelay $0x1  }
0xc7: {  	v3 =	vadd.f32 v4, v3;
	_ =	sdelay $0x1  }
0xc8: {  	(xrf2) =	vadd.scan.msk.f32 $0xffff, v3;
	_ =	sdelay $0x9  }
0xc9: {  	v3, _, _ =	vpop (xrf2)  }
0xca: {  	v4 =	vbroadcast v3, $0xF  }
.LBB2_9:
0xcb: {  	s22 =	simm.s32 $0x180  }
0xcc: {  	v3 =	vld [tilespmem:s22+$0xFFFFFF10]  }
0xcd: {  	v5 =	vld [tilespmem:s22+$0xFFFFFF50]  }
0xce: {  	v7 =	vld [tilespmem:s22+$0xFFFFFF30]  }
0xcf: {  	v8 =	vld [tilespmem:s22+$0xFFFFFF00]  }
0xd0: {  	v10 =	vld [tilespmem:s22+$0xFFFFFF20]  }
0xd1: {  	v6 =	vld [tilespmem:s22+$0xFFFFFF70]  }
0xd2: {  	v16 =	vimm.f32 $-1.000000000e+00;
	v13 =	vld [tilespmem:s22+$0xFFFFFF40]  }
0xd3: {  	v17 =	vld [tilespmem:s22+$0xFFFFFF60];
	v9 =	vmin.f32 v16, v3;
	v12 =	vmax.f32 v16, v3;
	v11 =	vmax.f32 v16, v7  }
0xd4: {  	v20 =	vmin.f32 v16, v7;
	v21 =	vmax.f32 v16, v8;
	v8 =	vmin.f32 v16, v8  }
0xd5: {  	v14 =	vld [tilespmem:s22+$0x10];
	v23 =	vmax.f32 v16, v10;
	v24 =	vmin.f32 v16, v10;
	v15 =	vmax.f32 v16, v9  }
0xd6: {  	v25 =	vld [tilespmem:s22+$0x30];
	v3 =	vmin.f32 v16, v9;
	v22 =	vmin.f32 v11, v6;
	v10 =	vmax.f32 v16, v8  }
0xd7: {  	v31 =	vld [tilespmem:s22+$0x20];
	v26 =	vmax.f32 v16, v20;
	v18 =	vmin.f32 v12, v5;
	v29 =	vmax.f32 v11, v6  }
0xd8: {  	v11 =	vmin.f32 v21, v13;
	v30 =	vmax.f32 v23, v17;
	v6 =	vmin.f32 v16, v8  }
0xd9: {  	v5 =	vmax.f32 v12, v5;
	v20 =	vmin.f32 v16, v20;
	v62 =	vmin.f32 v23, v17  }
0xda: {  	v27 =	vld [tilespmem:s22+$0x50];
	v7 =	vmax.f32 v16, v3;
	v3 =	vmin.f32 v16, v24;
	v28 =	vmax.f32 v15, v18  }
0xdb: {  	v8 =	vmin.f32 v15, v18;
	v33 =	vmax.f32 v5, v14;
	v14 =	vmin.f32 v5, v14  }
0xdc: {  	v15 =	vmax.f32 v29, v25;
	v12 =	vmax.f32 v16, v6;
	v19 =	vmax.f32 v30, v31  }
0xdd: {  	v25 =	vmin.f32 v29, v25;
	v20 =	vmax.f32 v16, v20;
	v17 =	vmin.f32 v30, v31  }
0xde: {  	v32 =	vld [tilespmem:s22+$0x0];
	v63 =	vmax.f32 v26, v22;
	v22 =	vmin.f32 v26, v22;
	v24 =	vmax.f32 v16, v24  }
0xdf: {  	v9 =	vld [tilespmem:s22+$0x70];
	v3 =	vmax.f32 v16, v3;
	v34 =	vmax.f32 v28, v14;
	v35 =	vmin.f32 v33, v27  }
0xe0: {  	v18 =	vld [tilespmem:s22+$0x60];
	v8 =	vmax.f32 v7, v8;
	v7 =	vmax.f32 v33, v27;
	v27 =	vmax.f32 v21, v13  }
0xe1: {  	v14 =	vmin.f32 v28, v14;
	v20 =	vmax.f32 v20, v22;
	v23 =	vmax.f32 v63, v25;
	v16 =	vld [tilespmem:s22+$0x40]  }
0xe2: {  	v22 =	vmin.f32 v63, v25;
	v6 =	vmax.f32 v34, v35;
	v21 =	vmin.f32 v34, v35  }
0xe3: {  	v13 =	vmax.f32 v27, v32;
	v8 =	vmax.f32 v8, v14;
	v22 =	vmax.f32 v20, v22  }
0xe4: {  	v20 =	vmin.f32 v24, v62;
	v8 =	vmax.f32 v8, v21;
	v21 =	vmax.f32 v24, v62  }
0xe5: {  	s21 =	simm.s32 $0x0;
	s22 =	simm.s32 $0x380;
	v24 =	vmin.f32 v27, v32;
	v5 =	vmax.f32 v15, v9;
	v14 =	vmin.f32 v19, v18  }
.LBB2_10:
0xe6: {  	v25 =	vld [tilespmem:s22+$0xFFFFFF10];
	s21 =	sadd.s32 $0x10, s21;
	v26 =	vmin.f32 v13, v16;
	v18 =	vmax.f32 v19, v18;
	v9 =	vmin.f32 v15, v9  }
0xe7: {  	v19 =	vmax.f32 v10, v11;
	v15 =	vld [tilespmem:s22+$0xFFFFFF50];
	p0 =	slt.u32 s21, $0x1F0;
	v27 =	vmax.f32 v23, v9;
	v9 =	vmin.f32 v23, v9  }
0xe8: {  	v10 =	vmin.f32 v10, v11;
	v11 =	vmax.f32 v19, v24;
	v23 =	vld [tilespmem:s22+$0xFFFFFF70];
	v22 =	vmax.f32 v22, v9  }
0xe9: {  	v9 =	vmin.f32 v19, v24;
	v19 =	vmax.f32 v11, v26;
	v11 =	vmin.f32 v11, v26;
	v28 =	vld [tilespmem:s22+$0xFFFFFF40]  }
0xea: {  	v10 =	vmax.f32 v12, v10;
	v12 =	vmax.f32 v21, v17;
	v17 =	vmin.f32 v21, v17;
	v24 =	vld [tilespmem:s22+$0xFFFFFF30]  }
0xeb: {  	v3 =	vmax.f32 v3, v20;
	v20 =	vmin.f32 v12, v14;
	v21 =	vld [tilespmem:s22+$0xFFFFFF00];
	v26 =	vmax.f32 v7, v25  }
0xec: {  	v3 =	vmax.f32 v3, v17;
	v9 =	vmax.f32 v10, v9;
	v7 =	vmin.f32 v7, v25;
	v25 =	vld [tilespmem:s22+$0xFFFFFF20]  }
0xed: {  	v30 =	vmax.f32 v12, v14;
	v3 =	vmax.f32 v3, v20;
	v29 =	vmax.f32 v9, v11;
	v17 =	vld [tilespmem:s22+$0x10]  }
0xee: {  	v12 =	vmax.f32 v6, v7;
	v6 =	vmin.f32 v6, v7;
	v7 =	vmax.f32 v13, v16;
	v14 =	vld [tilespmem:s22+$0xFFFFFF60]  }
0xef: {  	v11 =	vmax.f32 v5, v24;
	v13 =	vmin.f32 v5, v24;
	v9 =	vld [tilespmem:s22+$0x70]  }
0xf0: {  	v6 =	vmax.f32 v8, v6;
	v16 =	vmax.f32 v7, v21;
	v8 =	vmin.f32 v11, v23  }
0xf1: {  	v5 =	vmin.f32 v7, v21;
	v20 =	vmax.f32 v18, v25;
	v21 =	vmin.f32 v18, v25;
	v7 =	vld [tilespmem:s22+$0x30]  }
0xf2: {  	v24 =	vmax.f32 v27, v13;
	v10 =	vmax.f32 v19, v5;
	v18 =	vmin.f32 v26, v15;
	v25 =	vld [tilespmem:s22+$0x50]  }
0xf3: {  	v23 =	vmax.f32 v11, v23;
	v31 =	vmin.f32 v30, v21;
	v32 =	vmax.f32 v12, v18  }
0xf4: {  	v11 =	vmin.f32 v16, v28;
	v3 =	vmax.f32 v3, v31;
	v31 =	vmax.f32 v20, v14;
	v33 =	vld [tilespmem:s22+$0x20]  }
0xf5: {  	v19 =	vmin.f32 v19, v5;
	v5 =	vmax.f32 v26, v15;
	v18 =	vmin.f32 v12, v18  }
0xf6: {  	v34 =	vmax.f32 v5, v17;
	v17 =	vmin.f32 v5, v17;
	v26 =	vld [tilespmem:s22+$0x0];
	v15 =	vmax.f32 v23, v7  }
0xf7: {  	v35 =	vmax.f32 v32, v17;
	v36 =	vmin.f32 v34, v25;
	v5 =	vmax.f32 v15, v9  }
0xf8: {  	v12 =	vmax.f32 v29, v19;
	v29 =	vmax.f32 v6, v18;
	v6 =	vmax.f32 v35, v36;
	v18 =	vld [tilespmem:s22+$0x60]  }
0xf9: {  	v37 =	vmin.f32 v23, v7;
	v7 =	vmax.f32 v34, v25;
	v19 =	vmax.f32 v31, v33  }
0xfa: {  	v25 =	vmax.f32 v16, v28;
	v16 =	vmin.f32 v32, v17;
	v28 =	vmin.f32 v35, v36  }
0xfb: {  	v17 =	vmin.f32 v27, v13;
	v27 =	vmax.f32 v29, v16;
	v13 =	vmax.f32 v25, v26  }
.Ltmp5:
0xfc: {  	v20 =	vmin.f32 v20, v14;
	v22 =	vmax.f32 v22, v17;
	v17 =	vmin.f32 v31, v33;
	v16 =	vld [tilespmem:s22+$0x40];
	(pc) =	sbr.rel @p0 .LBB2_10-.Ltmp5, $4  }
0xfd: {  	v29 =	vmax.f32 v24, v8;
	v8 =	vmin.f32 v24, v8;
	v14 =	vmin.f32 v19, v18  }
0xfe: {  	v8 =	vmax.f32 v22, v8;
	v23 =	vmax.f32 v29, v37;
	v22 =	vmin.f32 v29, v37  }
0xff: {  	v24 =	vmax.f32 v30, v21;
	v22 =	vmax.f32 v8, v22;
	v8 =	vmax.f32 v27, v28  }
0x100: {  	v21 =	vmax.f32 v24, v20;
	v20 =	vmin.f32 v24, v20;
	v24 =	vmin.f32 v25, v26;
	s22 =	sadd.s32 $0x200, s22  }
0x101: {  	v25 =	vmin.f32 v13, v16  }
0x102: {  	v9 =	vmin.f32 v15, v9;
	v15 =	vmax.f32 v19, v18;
	v45 =	vmax.f32 v10, v11  }
0x103: {  	v10 =	vmin.f32 v10, v11;
	v48 =	vmax.f32 v13, v16;
	v13 =	vmin.f32 v21, v17  }
0x104: {  	v3 =	vmax.f32 v3, v20;
	v46 =	vmax.f32 v23, v9;
	v9 =	vmin.f32 v23, v9  }
0x105: {  	v11 =	vmax.f32 v45, v24;
	v10 =	vmax.f32 v12, v10;
	v12 =	vmax.f32 v21, v17  }
0x106: {  	v49 =	vmax.f32 v48, v7;
	v3 =	vmax.f32 v3, v13;
	v13 =	vmin.f32 v48, v6  }
0x107: {  	v22 =	vmax.f32 v22, v9;
	v9 =	vmin.f32 v45, v24;
	v47 =	vmax.f32 v11, v25  }
0x108: {  	v11 =	vmin.f32 v11, v25;
	v50 =	vmin.f32 v12, v14;
	v51 =	vmax.f32 v49, v15  }
0x109: {  	v14 =	vmax.f32 v12, v14;
	v9 =	vmax.f32 v10, v9;
	v10 =	vmax.f32 v51, v5  }
0x10a: {  	v12 =	vmin.f32 v47, v7;
	v20 =	vmax.f32 v3, v50;
	v52 =	vmax.f32 v9, v11  }
0x10b: {  	v9 =	vmax.f32 v47, v6;
	(xrf0) =	vmax.scan.msk.f32 $0xffff, v10;
	v11 =	vmin.f32 v48, v7;
	v12 =	vmax.f32 v12, v13  }
0x10c: {  	v13 =	vmin.f32 v49, v14;
	v9 =	vmax.f32 v9, v11;
	v11 =	vmax.f32 v52, v8  }
0x10d: {  	v3 =	vmax.f32 v11, v12;
	v11 =	vmax.f32 v9, v14;
	v9 =	vmin.f32 v9, v15  }
0x10e: {  	v9 =	vmax.f32 v9, v13;
	_ =	sdelay $0x1  }
0x10f: {  	v53 =	vmin.f32 v51, v46;
	v12 =	vmin.f32 v49, v15;
	v3 =	vmax.f32 v3, v20  }
0x110: {  	v11 =	vmax.f32 v11, v12;
	v13 =	vmin.f32 v51, v5;
	v3 =	vmax.f32 v3, v9;
	v9, _, _ =	vpop (xrf0)  }
0x111: {  	v12 =	vmax.f32 v11, v46;
	v11 =	vmin.f32 v11, v5;
	v9 =	vbroadcast v9, $0xF  }
0x112: {  	v12 =	vmax.f32 v12, v13;
	v3 =	vmax.f32 v3, v22;
	v11 =	vmax.f32 v11, v53  }
0x113: {  	v3 =	vmax.f32 v3, v11;
	vm0 =	vlt.f32 v10, v9;
	vm1 =	vlt.f32 v12, v9  }
0x114: {  	vm5 =	vlt.f32 v3, v9;
	v11 =	vnsel vm0, $0xBF800000, v10;
	v13 =	vnsel vm1, $0xBF800000, v12  }
0x115: {  	v54 =	vnsel vm5, $0xBF800000, v3;
	v55 =	vmax.f32 v11, v13  }
0x116: {  	v21 =	vmax.f32 v55, v54  }
0x117: {  	(xrf0) =	vmax.scan.msk.f32 $0xffff, v21;
	_ =	sdelay $0x5  }
0x118: {  	v21, _, _ =	vpop (xrf0)  }
0x119: {  	vm6 =	veq.f32 v10, v9;
	v10 =	vbroadcast v21, $0xF  }
0x11a: {  	vm7 =	veq.f32 v12, v9;
	vm10 =	veq.f32 v3, v9;
	v12 =	vsel vm6, $0x3F800000, v0  }
0x11b: {  	v56 =	vsel vm7, $0x3F800000, v0;
	vm8 =	veq.f32 v11, v10;
	vm9 =	veq.f32 v13, v10  }
0x11c: {  	v12 =	vadd.f32 v56, v12;
	v57 =	vsel vm8, $0x3F800000, v0;
	v3 =	vsel vm9, $0x3F800000, v0  }
0x11d: {  	v58 =	vsel vm10, $0x3F800000, v0;
	vm11 =	veq.f32 v54, v10;
	v3 =	vadd.f32 v3, v57  }
0x11e: {  	v12 =	vadd.f32 v12, v58;
	v59 =	vsel vm11, $0x3F800000, v0  }
0x11f: {  	v3 =	vadd.f32 v3, v59  }
0x120: {  	(xrf2) =	vadd.scan.msk.f32 $0xffff, v12  }
0x121: {  	(xrf2) =	vadd.scan.msk.f32 $0xffff, v3;
	_ =	sdelay $0x2  }
0x122: {  	vm12 =	vlt.f32 v11, v10;
	vm13 =	vlt.f32 v13, v10  }
0x123: {  	vm14 =	vlt.f32 v54, v10;
	v3 =	vnsel vm12, $0xBF800000, v11;
	v11 =	vnsel vm13, $0xBF800000, v13  }
0x124: {  	v12 =	vnsel vm14, $0xBF800000, v54;
	v3 =	vmax.f32 v3, v11  }
0x125: {  	v3 =	vmax.f32 v3, v12  }
0x126: {  	(xrf0) =	vmax.scan.msk.f32 $0xffff, v3;
	_ =	sdelay $0x1  }
0x127: {  	v3, _, _ =	vpop (xrf2)  }
0x128: {  	v11, _, _ =	vpop (xrf2)  }
0x129: {  	v13 =	vbroadcast v3, $0xF;
	v12 =	vbroadcast v11, $0xF;
	_ =	sdelay $0x1  }
0x12a: {  	v3, _, _ =	vpop (xrf0);
	v60 =	vadd.f32 v12, v13  }
0x12b: {  	v11 =	vbroadcast v3, $0xF  }
0x12c: {  	vm15 =	vge.f32 v60, $3.000000000e+00  }
0x12d: {  	vm4 =	vge.f32 v13, $3.000000000e+00;
	v3 =	vsel vm15, v10, v11  }
0x12e: {  	v3 =	vsel vm4, v9, v3  }
0x12f: {  	vm5 =	vge.f32 v48, v3;
	vm1 =	vge.f32 v47, v3  }
0x130: {  	vm6 =	vge.f32 v52, v3;
	v16 =	vsel vm5, $0x1, v1;
	v61 =	vsel vm1, $0x1, v1  }
0x131: {  	vm7 =	vge.f32 v7, v3;
	v62 =	vsel vm6, $0x1, v1;
	v16 =	vadd.s32 v61, v16  }
0x132: {  	vm8 =	vge.f32 v6, v3;
	v63 =	vsel vm7, $0x1, v1;
	v7 =	vadd.s32 v62, v16  }
0x133: {  	vm9 =	vge.f32 v8, v3;
	v6 =	vadd.s32 v63, v7;
	v7 =	vsel vm8, $0x1, v1  }
0x134: {  	vm10 =	vge.f32 v15, v3;
	v6 =	vadd.s32 v7, v6;
	v7 =	vsel vm9, $0x1, v1  }
0x135: {  	vm11 =	vge.f32 v14, v3;
	v8 =	vsel vm10, $0x1, v1;
	v6 =	vadd.s32 v7, v6  }
0x136: {  	vm12 =	vge.f32 v20, v3;
	v6 =	vadd.s32 v8, v6;
	v8 =	vsel vm11, $0x1, v1  }
0x137: {  	vm13 =	vge.f32 v5, v3;
	v6 =	vadd.s32 v8, v6;
	v8 =	vsel vm12, $0x1, v1  }
0x138: {  	vm14 =	vge.f32 v46, v3;
	v5 =	vadd.s32 v8, v6;
	v6 =	vsel vm13, $0x1, v1  }
0x139: {  	vm15 =	vge.f32 v22, v3;
	v5 =	vadd.s32 v6, v5;
	v6 =	vsel vm14, $0x1, v1  }
0x13a: {  	v7 =	vadd.s32 v7, v62;
	v5 =	vadd.s32 v6, v5;
	v6 =	vsel vm15, $0x1, v1  }
0x13b: {  	v7 =	vadd.s32 v8, v7;
	v5 =	vadd.s32 v6, v5  }
0x13c: {  	v6 =	vadd.s32 v6, v7;
	(xrf0) =	vadd.scan.msk.s32 $0xffff, v5  }
0x13d: {  	(xrf0) =	vadd.scan.msk.s32 $0xffff, v6;
	_ =	sdelay $0x4  }
0x13e: {  	v5, _, _ =	vpop (xrf0)  }
0x13f: {  	(v2sf) =	vpush v5, $0xF;
	v5, _, _ =	vpop (xrf0)  }
0x140: {  	(v2sf) =	vpush v5, $0xF;
	_ =	sdelay $0xd  }
0x141: {  	(erf) = vrcp.f32 v4;
	s21 =	spop (v2sf)  }
0x142: {  	s22 =	spop (v2sf)  }
0x143: {  	p0 =	sgt.s32 s22, $0x0  }
0x144: {  	p1 =	seq.s32 @!p0 s21, $0x3  }
0x145: {  	p1 =	por p0, !p1  }
.Ltmp6:
0x146: {  	_ = 	snop;
	(pc) =	sbr.rel @p1 .LBB2_13-.Ltmp6, $2  }
0x147: {  	_ =	sdelay $0x2  }
0x148: {  	v5 =	vpop (erf)  }
0x149: {  	v4 =	vmin.f32 v13, $3.000000000e+00  }
0x14a: {  	v6 =	vsub.f32 $3.000000000e+00, v4;
	_ =	sdelay $0x1  }
0x14b: {  	v7 =	vclamp.gez.f32 v12, v6  }
0x14c: {  	v7 =	vmin.f32 v7, $3.000000000e+00  }
.Ltmp7:
0x14d: {  	v4 =	vmul.f32 v4, v9;
	v6 =	vsub.f32 v6, v7;
	v7 =	vmul.f32 v7, v10;
	(pc) =	sbr.rel .LBB2_16-.Ltmp7, $3  }
0x14e: {  	_ = 	snop  }
0x14f: {  	v4 =	vadd.f32 v7, v4;
	v6 =	vmul.f32 v6, v11;
	_ =	sdelay $0x1  }
0x150: {  	v4 =	vadd.f32 v6, v4  }
.LBB2_13:
0x151: {  	s22 =	simm.s32 $0x180  }
0x152: {  	s22 =	simm.s32 @p0 $0x180  }
0x153: {  	v4 =	vld [tilespmem:s22+$0xFFFFFF00]  }
0x154: {  	v8 =	vld [tilespmem:s22+$0x10]  }
0x155: {  	v11 =	vld [tilespmem:s22+$0xFFFFFF60]  }
0x156: {  	v9 =	vld [tilespmem:s22+$0x0]  }
0x157: {  	v12 =	vld [tilespmem:s22+$0xFFFFFF50]  }
0x158: {  	v13 =	vld [tilespmem:s22+$0xFFFFFF40]  }
0x159: {  	v16 =	vld [tilespmem:s22+$0xFFFFFF20]  }
0x15a: {  	v6 =	vpsel p0, $0x0, v0;
	v10 =	vpsel p0, $0x0, v0;
	v18 =	vpsel p0, $0x0, v0;
	s21 =	simm.s32 $0xFFFFFFF0;
	v15 =	vld [tilespmem:s22+$0xFFFFFF10]  }
0x15b: {  	s21 =	simm.s32 @p0 $0xFFFFFFF0;
	v21 =	vld [tilespmem:s22+$0xFFFFFF70];
	vm0 =	vge.f32 v4, v3;
	vm1 =	vge.f32 v9, v3;
	vm2 =	vge.f32 v11, v3  }
0x15c: {  	v7 =	vld [tilespmem:s22+$0xFFFFFF30];
	s21 =	sadd.s32 $0x10, s21;
	v4 =	vnsel vm0, $0x0, v4;
	vm0 =	vge.f32 v8, v3;
	v22 =	vnsel vm1, $0x0, v9  }
0x15d: {  	p0 =	slt.u32 s21, $0x1F0;
	vm1 =	vge.f32 v13, v3;
	v17 =	vadd.f32 v4, v18;
	v4 =	vnsel vm0, $0x0, v8;
	v8 =	vld [tilespmem:s22+$0x60]  }
.Ltmp8:
0x15e: {  	v14 =	vld [tilespmem:s22+$0x40];
	vm0 =	vge.f32 v12, v3;
	v13 =	vnsel vm1, $0x0, v13;
	vm1 =	vge.f32 v16, v3;
	(pc) =	sbr.rel @!p0 .LBB2_15-.Ltmp8, $4  }
0x15f: {  	v9 =	vld [tilespmem:s22+$0x30];
	v12 =	vnsel vm0, $0x0, v12;
	vm0 =	vge.f32 v15, v3;
	v20 =	vnsel vm1, $0x0, v16  }
0x160: {  	vm1 =	vge.f32 v21, v3;
	v19 =	vnsel vm0, $0x0, v15;
	v23 =	vadd.f32 v13, v17;
	v15 =	vld [tilespmem:s22+$0x20]  }
0x161: {  	v16 =	vld [tilespmem:s22+$0x50];
	vm0 =	vge.f32 v7, v3;
	v17 =	vnsel vm2, $0x0, v11;
	v13 =	vnsel vm1, $0x0, v21  }
0x162: {  	v11 =	vld [tilespmem:s22+$0x70];
	s22 =	sadd.s32 $0x200, s22;
	v19 =	vadd.f32 v19, v18;
	v18 =	vadd.f32 v22, v23;
	vm1 =	vge.f32 v8, v3  }
.LBB2_14:
0x163: {  	v21 =	vld [tilespmem:s22+$0xFFFFFF00];
	s21 =	sadd.s32 $0x10, s21;
	v10 =	vadd.f32 v20, v10;
	vm2 =	vge.f32 v14, v3;
	v20 =	vnsel vm1, $0x0, v8  }
0x164: {  	v12 =	vadd.f32 v12, v19;
	v8 =	vld [tilespmem:s22+$0x10];
	p0 =	slt.u32 s21, $0x1F0;
	vm1 =	vge.f32 v9, v3;
	v14 =	vnsel vm2, $0x0, v14  }
0x165: {  	v7 =	vnsel vm0, $0x0, v7;
	v19 =	vld [tilespmem:s22+$0xFFFFFF60];
	v10 =	vadd.f32 v17, v10;
	vm0 =	vge.f32 v15, v3  }
0x166: {  	v12 =	vadd.f32 v4, v12;
	v4 =	vadd.f32 v14, v18;
	v17 =	vld [tilespmem:s22+$0x0];
	vm2 =	vge.f32 v16, v3  }
0x167: {  	v6 =	vadd.f32 v7, v6;
	v9 =	vnsel vm1, $0x0, v9;
	v7 =	vnsel vm0, $0x0, v15;
	v14 =	vld [tilespmem:s22+$0xFFFFFF50]  }
0x168: {  	v16 =	vnsel vm2, $0x0, v16;
	vm1 =	vge.f32 v11, v3;
	vm0 =	vge.f32 v21, v3;
	v15 =	vld [tilespmem:s22+$0xFFFFFF40]  }
0x169: {  	v6 =	vadd.f32 v13, v6;
	v10 =	vadd.f32 v7, v10;
	v18 =	vnsel vm0, $0x0, v21;
	v21 =	vld [tilespmem:s22+$0xFFFFFF10]  }
0x16a: {  	v11 =	vnsel vm1, $0x0, v11;
	vm0 =	vge.f32 v8, v3;
	v13 =	vadd.f32 v18, v4;
	v18 =	vld [tilespmem:s22+$0xFFFFFF20]  }
0x16b: {  	v16 =	vadd.f32 v16, v12;
	v4 =	vnsel vm0, $0x0, v8;
	v7 =	vld [tilespmem:s22+$0xFFFFFF30];
	vm1 =	vge.f32 v17, v3  }
0x16c: {  	v6 =	vadd.f32 v9, v6;
	vm0 =	vge.f32 v14, v3;
	v22 =	vld [tilespmem:s22+$0xFFFFFF70];
	v23 =	vnsel vm1, $0x0, v17  }
0x16d: {  	v10 =	vadd.f32 v20, v10;
	vm1 =	vge.f32 v15, v3;
	v12 =	vnsel vm0, $0x0, v14;
	v8 =	vld [tilespmem:s22+$0x60]  }
.Ltmp9:
0x16e: {  	v6 =	vadd.f32 v11, v6;
	vm0 =	vge.f32 v21, v3;
	v15 =	vnsel vm1, $0x0, v15;
	v14 =	vld [tilespmem:s22+$0x40];
	(pc) =	sbr.rel @p0 .LBB2_14-.Ltmp9, $4  }
0x16f: {  	vm2 =	vge.f32 v19, v3;
	v11 =	vnsel vm0, $0x0, v21;
	vm1 =	vge.f32 v18, v3;
	v9 =	vld [tilespmem:s22+$0x30]  }
0x170: {  	v17 =	vnsel vm2, $0x0, v19;
	v21 =	vadd.f32 v15, v13;
	vm0 =	vge.f32 v7, v3;
	v15 =	vld [tilespmem:s22+$0x20]  }
0x171: {  	v19 =	vadd.f32 v11, v16;
	v20 =	vnsel vm1, $0x0, v18;
	vm1 =	vge.f32 v22, v3;
	v16 =	vld [tilespmem:s22+$0x50]  }
0x172: {  	v18 =	vadd.f32 v23, v21;
	v13 =	vnsel vm1, $0x0, v22;
	vm1 =	vge.f32 v8, v3;
	v11 =	vld [tilespmem:s22+$0x70];
	s22 =	sadd.s32 $0x200, s22  }
.LBB2_15:
0x173: {  	v10 =	vadd.f32 v20, v10;
	vm2 =	vge.f32 v14, v3;
	v7 =	vnsel vm0, $0x0, v7  }
0x174: {  	v12 =	vadd.f32 v12, v19;
	v14 =	vnsel vm2, $0x0, v14;
	vm12 =	vge.f32 v9, v3  }
0x175: {  	v6 =	vadd.f32 v7, v6;
	v10 =	vadd.f32 v17, v10;
	vm13 =	vge.f32 v15, v3  }
0x176: {  	v61 =	vadd.f32 v14, v18;
	v4 =	vadd.f32 v4, v12;
	vm14 =	vge.f32 v16, v3  }
0x177: {  	v7 =	vnsel vm13, $0x0, v15;
	v6 =	vadd.f32 v13, v6;
	v62 =	vnsel vm14, $0x0, v16  }
0x178: {  	v9 =	vnsel vm12, $0x0, v9;
	v7 =	vadd.f32 v7, v10;
	v4 =	vadd.f32 v62, v4  }
0x179: {  	v8 =	vnsel vm1, $0x0, v8;
	v6 =	vadd.f32 v9, v6  }
0x17a: {  	vm15 =	vge.f32 v11, v3;
	v7 =	vadd.f32 v8, v7;
	v4 =	vadd.f32 v4, v61  }
0x17b: {  	v63 =	vnsel vm15, $0x0, v11  }
0x17c: {  	v6 =	vadd.f32 v63, v6;
	v4 =	vadd.f32 v7, v4;
	_ =	sdelay $0x1  }
0x17d: {  	v4 =	vadd.f32 v6, v4;
	_ =	sdelay $0x1  }
0x17e: {  	(xrf2) =	vadd.scan.msk.f32 $0xffff, v4;
	_ =	sdelay $0x9  }
0x17f: {  	v4, _, _ =	vpop (xrf2)  }
0x180: {  	v4 =	vbroadcast v4, $0xF  }
.LBB2_16:
0x181: {  	_ = 	snop  }
0x182: {  	(erf) = vrcp.f32 v4;
	_ =	sdelay $0x7  }
0x183: {  	p0 =	seq.s32 s16, $0x0  }
0x184: {  	s21 =	simm.s32 @!p0 $0x3;
	v4 =	vpop (erf)  }
0x185: {  	_ =	swait.ge @!p0 [sflag:s21], $0x4000  }
0x186: {  	[sflag:s21] =	ssyncset.done @!p0 $0x0  }
0x187: {  	s26 =	simm.s32 $0x100;
	[sflag:s21] =	ssyncadd.s32 @!p0 $0xFFFFC000  }
0x188: {  	v6 =	vld [tilespmem:s26+$0x40];
	_ =	sdelay $0x3  }
0x189: {  	v7 =	vld [tilespmem:s26+$0xFFFFFF00]  }
0x18a: {  	v8 =	vld [tilespmem:s26+$0xFFFFFF40];
	v9 =	vmul.f32 v6, v5  }
0x18b: {  	v10 =	vld [tilespmem:s26+$0x0];
	vm0 =	vge.f32 v6, v2  }
0x18c: {  	s21 =	simm.s32 $0x8100;
	v6 =	vnsel vm0, $0x0, v9  }
0x18d: {  	[tilespmem:s21+$0x40] =	vst v6  }
0x18e: {  	v6 =	vmul.f32 v7, v5;
	v9 =	vld [tilespmem:s26+$0x50]  }
0x18f: {  	v11 =	vmul.f32 v8, v5;
	vm0 =	vge.f32 v7, v2  }
0x190: {  	vm1 =	vge.f32 v8, v2;
	v7 =	vmul.f32 v10, v5;
	v6 =	vnsel vm0, $0x0, v6  }
0x191: {  	v8 =	vnsel vm1, $0x0, v11;
	vm0 =	vge.f32 v10, v2;
	[tilespmem:s21+$0xFFFFFF00] =	vst v6  }
0x192: {  	[tilespmem:s21+$0xFFFFFF40] =	vst v8;
	v6 =	vnsel vm0, $0x0, v7;
	v7 =	vld [tilespmem:s26+$0xFFFFFF10]  }
0x193: {  	v8 =	vld [tilespmem:s26+$0xFFFFFF50];
	[tilespmem:s21+$0x0] =	vst v6;
	v6 =	vmul.f32 v9, v5  }
0x194: {  	s23 =	simm.s32 $0x300;
	v10 =	vld [tilespmem:s26+$0x10];
	vm0 =	vge.f32 v9, v2  }
0x195: {  	v9 =	vld [tilespmem:s23+$0x40];
	v6 =	vnsel vm0, $0x0, v6  }
0x196: {  	[tilespmem:s21+$0x50] =	vst v6  }
0x197: {  	v6 =	vmul.f32 v7, v5;
	v11 =	vld [tilespmem:s26+$0x60]  }
0x198: {  	v12 =	vld [tilespmem:s23+$0xFFFFFF40];
	v13 =	vmul.f32 v8, v5;
	vm0 =	vge.f32 v7, v2  }
0x199: {  	vm1 =	vge.f32 v8, v2;
	v8 =	vld [tilespmem:s23+$0xFFFFFF00];
	v7 =	vmul.f32 v10, v5;
	v6 =	vnsel vm0, $0x0, v6  }
0x19a: {  	v14 =	vld [tilespmem:s23+$0x0];
	v13 =	vnsel vm1, $0x0, v13;
	vm0 =	vge.f32 v10, v2;
	v10 =	vmul.f32 v9, v5;
	[tilespmem:s21+$0xFFFFFF10] =	vst v6  }
0x19b: {  	[tilespmem:s21+$0xFFFFFF50] =	vst v13;
	v6 =	vnsel vm0, $0x0, v7;
	vm0 =	vge.f32 v9, v2;
	v7 =	vld [tilespmem:s26+$0xFFFFFF20]  }
0x19c: {  	s22 =	simm.s32 $0x8300;
	v9 =	vld [tilespmem:s26+$0xFFFFFF60];
	[tilespmem:s21+$0x10] =	vst v6;
	v6 =	vnsel vm0, $0x0, v10;
	v10 =	vmul.f32 v11, v5  }
0x19d: {  	v13 =	vmul.f32 v12, v5;
	v15 =	vld [tilespmem:s26+$0x20];
	[tilespmem:s22+$0x40] =	vst v6;
	vm0 =	vge.f32 v11, v2  }
0x19e: {  	s24 =	simm.s32 $0x500;
	vm1 =	vge.f32 v12, v2;
	v6 =	vmul.f32 v8, v5;
	v11 =	vld [tilespmem:s23+$0x50];
	v10 =	vnsel vm0, $0x0, v10  }
0x19f: {  	v62 =	vld [tilespmem:s24+$0xFFFFFF40];
	v12 =	vmul.f32 v14, v5;
	vm0 =	vge.f32 v8, v2;
	v8 =	vnsel vm1, $0x0, v13;
	[tilespmem:s21+$0x60] =	vst v10  }
0x1a0: {  	vm1 =	vge.f32 v14, v2;
	v6 =	vnsel vm0, $0x0, v6;
	[tilespmem:s22+$0xFFFFFF40] =	vst v8;
	v8 =	vmul.f32 v7, v5;
	v10 =	vld [tilespmem:s26+$0x70]  }
0x1a1: {  	v12 =	vnsel vm1, $0x0, v12;
	vm0 =	vge.f32 v7, v2;
	[tilespmem:s22+$0xFFFFFF00] =	vst v6;
	v6 =	vld [tilespmem:s23+$0xFFFFFF50]  }
0x1a2: {  	v7 =	vmul.f32 v9, v5;
	[tilespmem:s22+$0x0] =	vst v12;
	v13 =	vld [tilespmem:s23+$0xFFFFFF10];
	v8 =	vnsel vm0, $0x0, v8  }
0x1a3: {  	v12 =	vmul.f32 v15, v5;
	v14 =	vld [tilespmem:s23+$0x10];
	v16 =	vmul.f32 v11, v5;
	vm0 =	vge.f32 v9, v2;
	[tilespmem:s21+$0xFFFFFF20] =	vst v8  }
0x1a4: {  	vm1 =	vge.f32 v15, v2;
	vm2 =	vge.f32 v11, v2;
	v7 =	vnsel vm0, $0x0, v7;
	v8 =	vld [tilespmem:s26+$0xFFFFFF30]  }
0x1a5: {  	v11 =	vld [tilespmem:s24+$0x40];
	v9 =	vnsel vm1, $0x0, v12;
	v12 =	vnsel vm2, $0x0, v16;
	[tilespmem:s21+$0xFFFFFF60] =	vst v7  }
0x1a6: {  	[tilespmem:s22+$0x50] =	vst v12;
	v12 =	vld [tilespmem:s24+$0x0];
	v15 =	vmul.f32 v10, v5;
	vm0 =	vge.f32 v6, v2;
	v6 =	vmul.f32 v6, v5  }
0x1a7: {  	[tilespmem:s21+$0x20] =	vst v9;
	vm1 =	vge.f32 v10, v2;
	v10 =	vld [tilespmem:s23+$0x60];
	vm2 =	vge.f32 v13, v2;
	v7 =	vmul.f32 v13, v5  }
0x1a8: {  	v17 =	vld [tilespmem:s26+$0x30];
	v13 =	vmul.f32 v14, v5;
	v9 =	vnsel vm1, $0x0, v15;
	v6 =	vnsel vm0, $0x0, v6  }
0x1a9: {  	vm0 =	vge.f32 v14, v2;
	v14 =	vld [tilespmem:s24+$0xFFFFFF00];
	v7 =	vnsel vm2, $0x0, v7;
	[tilespmem:s22+$0xFFFFFF50] =	vst v6;
	vm1 =	vge.f32 v8, v2  }
0x1aa: {  	v6 =	vmul.f32 v8, v5;
	v8 =	vmul.f32 v11, v5;
	v13 =	vnsel vm0, $0x0, v13;
	[tilespmem:s22+$0xFFFFFF10] =	vst v7;
	v7 =	vld [tilespmem:s23+$0xFFFFFF60]  }
0x1ab: {  	v15 =	vmul.f32 v62, v5;
	vm0 =	vge.f32 v62, v2;
	vm2 =	vge.f32 v11, v2;
	[tilespmem:s22+$0x10] =	vst v13;
	v11 =	vld [tilespmem:s23+$0xFFFFFF20]  }
0x1ac: {  	s25 =	simm.s32 $0x8500;
	[tilespmem:s21+$0x70] =	vst v9;
	v8 =	vnsel vm2, $0x0, v8;
	v13 =	vld [tilespmem:s23+$0x20];
	v9 =	vmul.f32 v10, v5;
	v6 =	vnsel vm1, $0x0, v6  }
0x1ad: {  	vm1 =	vge.f32 v12, v2;
	v12 =	vmul.f32 v12, v5;
	vm2 =	vge.f32 v10, v2;
	[tilespmem:s25+$0x40] =	vst v8;
	v8 =	vld [tilespmem:s26+$0xFFFFFF70]  }
0x1ae: {  	[tilespmem:s21+$0xFFFFFF30] =	vst v6;
	v6 =	vnsel vm0, $0x0, v15;
	v10 =	vmul.f32 v14, v5;
	v63 =	vld [tilespmem:s24+$0x50];
	v9 =	vnsel vm2, $0x0, v9  }
0x1af: {  	vm3 =	vge.f32 v14, v2;
	v14 =	vnsel vm1, $0x0, v12;
	[tilespmem:s22+$0x60] =	vst v9;
	v15 =	vmul.f32 v7, v5  }
0x1b0: {  	[tilespmem:s25+$0xFFFFFF40] =	vst v6;
	v9 =	vnsel vm3, $0x0, v10;
	v6 =	vld [tilespmem:s23+$0x70];
	vm1 =	vge.f32 v7, v2;
	v10 =	vmul.f32 v11, v5  }
0x1b1: {  	vm0 =	vge.f32 v11, v2;
	[tilespmem:s25+$0xFFFFFF00] =	vst v9;
	v9 =	vld [tilespmem:s24+$0xFFFFFF50];
	vm2 =	vge.f32 v13, v2;
	v7 =	vmul.f32 v13, v5  }
0x1b2: {  	[tilespmem:s25+$0x0] =	vst v14;
	v12 =	vld [tilespmem:s24+$0xFFFFFF10];
	v15 =	vnsel vm1, $0x0, v15;
	v11 =	vmul.f32 v8, v5;
	v13 =	vnsel vm0, $0x0, v10  }
0x1b3: {  	vm1 =	vge.f32 v8, v2;
	v10 =	vld [tilespmem:s24+$0x10];
	v14 =	vmul.f32 v63, v5;
	vm0 =	vge.f32 v17, v2;
	[tilespmem:s22+$0xFFFFFF20] =	vst v13  }
0x1b4: {  	s28 =	simm.s32 $0x700;
	s26 =	simm.s32 $0x20;
	[tilespmem:s22+$0xFFFFFF60] =	vst v15;
	v13 =	vnsel vm2, $0x0, v7;
	vm2 =	vge.f32 v63, v2;
	v7 =	vmul.f32 v17, v5;
	v8 =	vld [tilespmem:s23+$0xFFFFFF30]  }
.LBB2_17:
0x1b5: {  	v15 =	vld [tilespmem:s28+$0x40];
	s26 =	sadd.s32 $0x10, s26;
	v14 =	vnsel vm2, $0x0, v14;
	[tilespmem:s22+$0x20] =	vst v13;
	v13 =	vmul.f32 v6, v5;
	v11 =	vnsel vm1, $0x0, v11  }
0x1b6: {  	vm2 =	vge.f32 v6, v2;
	v16 =	vld [tilespmem:s28+$0xFFFFFF40];
	p0 =	slt.u32 s26, $0x1F0;
	vm1 =	vge.f32 v9, v2;
	v9 =	vmul.f32 v9, v5;
	[tilespmem:s25+$0x50] =	vst v14  }
0x1b7: {  	vm3 =	vge.f32 v12, v2;
	v6 =	vmul.f32 v12, v5;
	v12 =	vld [tilespmem:s24+$0x60];
	v13 =	vnsel vm2, $0x0, v13;
	[tilespmem:s21+$0xFFFFFF70] =	vst v11  }
0x1b8: {  	v11 =	vld [tilespmem:s28+$0x0];
	v9 =	vnsel vm1, $0x0, v9;
	vm1 =	vge.f32 v10, v2;
	v10 =	vmul.f32 v10, v5;
	[tilespmem:s22+$0x70] =	vst v13  }
0x1b9: {  	v13 =	vld [tilespmem:s28+$0xFFFFFF00];
	v6 =	vnsel vm3, $0x0, v6;
	[tilespmem:s25+$0xFFFFFF50] =	vst v9;
	vm2 =	vge.f32 v8, v2;
	v8 =	vmul.f32 v8, v5  }
0x1ba: {  	v7 =	vnsel vm0, $0x0, v7;
	v9 =	vmul.f32 v15, v5;
	[tilespmem:s25+$0xFFFFFF10] =	vst v6;
	v14 =	vld [tilespmem:s24+$0xFFFFFF60];
	v6 =	vnsel vm1, $0x0, v10  }
0x1bb: {  	vm1 =	vge.f32 v15, v2;
	vm0 =	vge.f32 v16, v2;
	v10 =	vmul.f32 v16, v5;
	v15 =	vld [tilespmem:s24+$0xFFFFFF20];
	[tilespmem:s25+$0x10] =	vst v6  }
0x1bc: {  	v8 =	vnsel vm2, $0x0, v8;
	v6 =	vnsel vm1, $0x0, v9;
	v16 =	vld [tilespmem:s24+$0x20];
	v9 =	vmul.f32 v12, v5;
	[tilespmem:s21+$0x30] =	vst v7;
	s21 =	smov.u32 s22;
	s22 =	smov.u32 s25;
	s25 =	sadd.s32 $0x200, s25  }
0x1bd: {  	vm2 =	vge.f32 v12, v2;
	vm1 =	vge.f32 v11, v2;
	v7 =	vmul.f32 v11, v5;
	[tilespmem:s25+$0x40] =	vst v6;
	v17 =	vld [tilespmem:s23+$0xFFFFFF70]  }
0x1be: {  	vm3 =	vge.f32 v13, v2;
	v6 =	vmul.f32 v13, v5;
	v18 =	vld [tilespmem:s28+$0x50];
	v9 =	vnsel vm2, $0x0, v9;
	[tilespmem:s21+$0xFFFFFF30] =	vst v8  }
0x1bf: {  	v8 =	vnsel vm0, $0x0, v10;
	v7 =	vnsel vm1, $0x0, v7;
	v10 =	vmul.f32 v14, v5;
	[tilespmem:s22+$0x60] =	vst v9;
	v19 =	vld [tilespmem:s23+$0x30];
	s23 =	smov.u32 s24;
	s24 =	smov.u32 s28  }
.Ltmp10:
0x1c0: {  	v9 =	vnsel vm3, $0x0, v6;
	[tilespmem:s25+$0xFFFFFF40] =	vst v8;
	vm0 =	vge.f32 v15, v2;
	v8 =	vmul.f32 v15, v5;
	v6 =	vld [tilespmem:s23+$0x70];
	(pc) =	sbr.rel @p0 .LBB2_17-.Ltmp10, $4  }
0x1c1: {  	vm1 =	vge.f32 v14, v2;
	[tilespmem:s25+$0xFFFFFF00] =	vst v9;
	v9 =	vld [tilespmem:s28+$0xFFFFFF50];
	vm2 =	vge.f32 v16, v2;
	v13 =	vmul.f32 v16, v5  }
0x1c2: {  	v15 =	vnsel vm1, $0x0, v10;
	v12 =	vld [tilespmem:s28+$0xFFFFFF10];
	[tilespmem:s25+$0x0] =	vst v7;
	v7 =	vnsel vm0, $0x0, v8;
	v11 =	vmul.f32 v17, v5  }
0x1c3: {  	vm1 =	vge.f32 v17, v2;
	v10 =	vld [tilespmem:s28+$0x10];
	v14 =	vmul.f32 v18, v5;
	[tilespmem:s22+$0xFFFFFF20] =	vst v7;
	v13 =	vnsel vm2, $0x0, v13  }
0x1c4: {  	vm2 =	vge.f32 v18, v2;
	s28 =	sadd.s32 $0x200, s28;
	v8 =	vld [tilespmem:s23+$0xFFFFFF30];
	[tilespmem:s22+$0xFFFFFF60] =	vst v15;
	vm0 =	vge.f32 v19, v2;
	v7 =	vmul.f32 v19, v5  }
0x1c5: {  	_ =	sdelay $0x1  }
0x1c6: {  	v14 =	vnsel vm2, $0x0, v14;
	v15 =	vmul.f32 v12, v5  }
0x1c7: {  	[tilespmem:s25+$0x50] =	vst v14;
	v14 =	vmul.f32 v9, v5;
	vm2 =	vge.f32 v12, v2  }
0x1c8: {  	vm3 =	vge.f32 v9, v2;
	v9 =	vld [tilespmem:s24+$0x60];
	v12 =	vnsel vm2, $0x0, v15;
	v15 =	vmul.f32 v10, v5  }
0x1c9: {  	v14 =	vnsel vm3, $0x0, v14;
	vm2 =	vge.f32 v10, v2;
	[tilespmem:s25+$0xFFFFFF10] =	vst v12  }
0x1ca: {  	[tilespmem:s25+$0xFFFFFF50] =	vst v14;
	v10 =	vnsel vm2, $0x0, v15;
	v12 =	vld [tilespmem:s24+$0xFFFFFF20]  }
0x1cb: {  	v14 =	vld [tilespmem:s24+$0xFFFFFF60];
	[tilespmem:s25+$0x10] =	vst v10  }
0x1cc: {  	v10 =	vld [tilespmem:s24+$0x20]  }
0x1cd: {  	v15 =	vmul.f32 v9, v5  }
0x1ce: {  	vm2 =	vge.f32 v9, v2  }
0x1cf: {  	[tilespmem:s22+$0x20] =	vst v13;
	v9 =	vnsel vm2, $0x0, v15;
	v13 =	vmul.f32 v12, v5  }
0x1d0: {  	v11 =	vnsel vm1, $0x0, v11;
	v15 =	vld [tilespmem:s23+$0xFFFFFF70];
	[tilespmem:s25+$0x60] =	vst v9;
	v9 =	vmul.f32 v14, v5;
	vm1 =	vge.f32 v12, v2  }
0x1d1: {  	[tilespmem:s21+$0xFFFFFF70] =	vst v11;
	vm2 =	vge.f32 v14, v2;
	v11 =	vld [tilespmem:s24+$0x70];
	v12 =	vmul.f32 v10, v5;
	v13 =	vnsel vm1, $0x0, v13  }
0x1d2: {  	v14 =	vmul.f32 v6, v5;
	v9 =	vnsel vm2, $0x0, v9;
	vm1 =	vge.f32 v10, v2;
	v10 =	vld [tilespmem:s23+$0x30];
	[tilespmem:s25+$0xFFFFFF20] =	vst v13  }
0x1d3: {  	vm2 =	vge.f32 v6, v2;
	[tilespmem:s25+$0xFFFFFF60] =	vst v9;
	v6 =	vnsel vm1, $0x0, v12;
	v12 =	vld [tilespmem:s24+$0xFFFFFF30]  }
0x1d4: {  	v9 =	vnsel vm2, $0x0, v14;
	v13 =	vmul.f32 v8, v5;
	[tilespmem:s25+$0x20] =	vst v6;
	v6 =	vld [tilespmem:s24+$0xFFFFFF70]  }
0x1d5: {  	v7 =	vnsel vm0, $0x0, v7;
	[tilespmem:s22+$0x70] =	vst v9;
	vm1 =	vge.f32 v8, v2;
	v8 =	vmul.f32 v15, v5;
	v9 =	vld [tilespmem:s24+$0x30]  }
0x1d6: {  	[tilespmem:s21+$0x30] =	vst v7;
	vm0 =	vge.f32 v15, v2;
	v13 =	vnsel vm1, $0x0, v13;
	v7 =	vmul.f32 v11, v5  }
0x1d7: {  	[tilespmem:s22+$0xFFFFFF30] =	vst v13;
	v8 =	vnsel vm0, $0x0, v8;
	vm0 =	vge.f32 v11, v2;
	v13 =	vmul.f32 v10, v5  }
0x1d8: {  	vm1 =	vge.f32 v10, v2;
	v7 =	vnsel vm0, $0x0, v7;
	[tilespmem:s22+$0xFFFFFF70] =	vst v8;
	v8 =	vmul.f32 v12, v5  }
0x1d9: {  	[tilespmem:s25+$0x70] =	vst v7;
	vm0 =	vge.f32 v12, v2;
	v7 =	vnsel vm1, $0x0, v13;
	v10 =	vmul.f32 v6, v5  }
0x1da: {  	[tilespmem:s22+$0x30] =	vst v7;
	v8 =	vnsel vm0, $0x0, v8;
	vm0 =	vge.f32 v6, v2;
	v5 =	vmul.f32 v9, v5  }
0x1db: {  	vm1 =	vge.f32 v9, v2;
	[tilespmem:s25+$0xFFFFFF30] =	vst v8;
	v2 =	vnsel vm0, $0x0, v10  }
0x1dc: {  	[tilespmem:s25+$0xFFFFFF70] =	vst v2;
	v2 =	vnsel vm1, $0x0, v5  }
0x1dd: {  	s26 =	simm.s32 $0x180;
	[tilespmem:s25+$0x30] =	vst v2  }
0x1de: {  	v2 =	vld [tilespmem:s26+$0x40];
	_ =	sdelay $0x3  }
0x1df: {  	v6 =	vld [tilespmem:s26+$0xFFFFFF40]  }
0x1e0: {  	v5 =	vld [tilespmem:s26+$0xFFFFFF00];
	v7 =	vmul.f32 v2, v4  }
0x1e1: {  	v8 =	vld [tilespmem:s26+$0x0];
	vm0 =	vge.f32 v2, v3  }
0x1e2: {  	s21 =	simm.s32 $0x8180;
	v2 =	vnsel vm0, $0x0, v7  }
0x1e3: {  	[tilespmem:s21+$0x40] =	vst v2  }
0x1e4: {  	v9 =	vmul.f32 v6, v4;
	v7 =	vld [tilespmem:s26+$0x50]  }
0x1e5: {  	vm1 =	vge.f32 v6, v3;
	v2 =	vmul.f32 v5, v4  }
0x1e6: {  	vm0 =	vge.f32 v5, v3;
	v6 =	vnsel vm1, $0x0, v9;
	v5 =	vmul.f32 v8, v4  }
0x1e7: {  	[tilespmem:s21+$0xFFFFFF40] =	vst v6;
	v2 =	vnsel vm0, $0x0, v2;
	vm0 =	vge.f32 v8, v3  }
0x1e8: {  	v6 =	vld [tilespmem:s26+$0xFFFFFF50];
	[tilespmem:s21+$0xFFFFFF00] =	vst v2;
	v2 =	vnsel vm0, $0x0, v5  }
0x1e9: {  	v5 =	vld [tilespmem:s26+$0xFFFFFF10];
	[tilespmem:s21+$0x0] =	vst v2;
	v2 =	vmul.f32 v7, v4  }
0x1ea: {  	s23 =	simm.s32 $0x380;
	v8 =	vld [tilespmem:s26+$0x10];
	vm0 =	vge.f32 v7, v3  }
0x1eb: {  	v7 =	vld [tilespmem:s23+$0x40];
	v2 =	vnsel vm0, $0x0, v2  }
0x1ec: {  	[tilespmem:s21+$0x50] =	vst v2  }
0x1ed: {  	v11 =	vmul.f32 v6, v4;
	v9 =	vld [tilespmem:s26+$0x60]  }
0x1ee: {  	v10 =	vld [tilespmem:s23+$0xFFFFFF40];
	vm1 =	vge.f32 v6, v3;
	v2 =	vmul.f32 v5, v4  }
0x1ef: {  	v6 =	vld [tilespmem:s23+$0xFFFFFF00];
	v11 =	vnsel vm1, $0x0, v11;
	vm0 =	vge.f32 v5, v3;
	v5 =	vmul.f32 v8, v4  }
0x1f0: {  	v12 =	vld [tilespmem:s23+$0x0];
	[tilespmem:s21+$0xFFFFFF50] =	vst v11;
	v2 =	vnsel vm0, $0x0, v2;
	vm0 =	vge.f32 v8, v3;
	v8 =	vmul.f32 v7, v4  }
0x1f1: {  	[tilespmem:s21+$0xFFFFFF10] =	vst v2;
	v2 =	vnsel vm0, $0x0, v5;
	vm0 =	vge.f32 v7, v3  }
0x1f2: {  	v5 =	vld [tilespmem:s26+$0xFFFFFF20];
	[tilespmem:s21+$0x10] =	vst v2;
	v2 =	vnsel vm0, $0x0, v8;
	v8 =	vmul.f32 v9, v4  }
0x1f3: {  	s22 =	simm.s32 $0x8380;
	v11 =	vmul.f32 v10, v4;
	v7 =	vld [tilespmem:s26+$0xFFFFFF60];
	vm0 =	vge.f32 v9, v3  }
0x1f4: {  	vm1 =	vge.f32 v10, v3;
	v13 =	vld [tilespmem:s26+$0x20];
	[tilespmem:s22+$0x40] =	vst v2;
	v2 =	vmul.f32 v6, v4;
	v8 =	vnsel vm0, $0x0, v8  }
0x1f5: {  	v10 =	vmul.f32 v12, v4;
	v9 =	vld [tilespmem:s23+$0x50];
	vm0 =	vge.f32 v6, v3;
	v6 =	vnsel vm1, $0x0, v11;
	[tilespmem:s21+$0x60] =	vst v8  }
0x1f6: {  	vm1 =	vge.f32 v12, v3;
	v2 =	vnsel vm0, $0x0, v2;
	[tilespmem:s22+$0xFFFFFF40] =	vst v6;
	v8 =	vld [tilespmem:s26+$0x70]  }
0x1f7: {  	v6 =	vmul.f32 v5, v4;
	v10 =	vnsel vm1, $0x0, v10;
	[tilespmem:s22+$0xFFFFFF00] =	vst v2;
	v2 =	vld [tilespmem:s23+$0xFFFFFF50]  }
0x1f8: {  	vm0 =	vge.f32 v5, v3;
	[tilespmem:s22+$0x0] =	vst v10;
	v11 =	vld [tilespmem:s23+$0xFFFFFF10]  }
0x1f9: {  	s24 =	simm.s32 $0x580;
	v5 =	vmul.f32 v7, v4;
	v10 =	vmul.f32 v13, v4;
	v6 =	vnsel vm0, $0x0, v6;
	v12 =	vld [tilespmem:s23+$0x10]  }
0x1fa: {  	v14 =	vmul.f32 v9, v4;
	vm0 =	vge.f32 v7, v3;
	vm2 =	vge.f32 v9, v3;
	v9 =	vld [tilespmem:s24+$0x40];
	[tilespmem:s21+$0xFFFFFF20] =	vst v6  }
0x1fb: {  	vm1 =	vge.f32 v13, v3;
	v5 =	vnsel vm0, $0x0, v5;
	v6 =	vld [tilespmem:s26+$0xFFFFFF30]  }
0x1fc: {  	v7 =	vnsel vm1, $0x0, v10;
	v10 =	vnsel vm2, $0x0, v14;
	v14 =	vld [tilespmem:s24+$0xFFFFFF40];
	[tilespmem:s21+$0xFFFFFF60] =	vst v5  }
0x1fd: {  	[tilespmem:s22+$0x50] =	vst v10;
	v10 =	vld [tilespmem:s24+$0x0];
	v13 =	vmul.f32 v8, v4;
	vm0 =	vge.f32 v2, v3;
	v2 =	vmul.f32 v2, v4  }
0x1fe: {  	[tilespmem:s21+$0x20] =	vst v7;
	vm1 =	vge.f32 v8, v3;
	v8 =	vld [tilespmem:s23+$0x60];
	vm2 =	vge.f32 v11, v3;
	v5 =	vmul.f32 v11, v4  }
0x1ff: {  	v15 =	vld [tilespmem:s26+$0x30];
	v11 =	vmul.f32 v12, v4;
	v7 =	vnsel vm1, $0x0, v13;
	v2 =	vnsel vm0, $0x0, v2  }
0x200: {  	vm0 =	vge.f32 v12, v3;
	v12 =	vld [tilespmem:s24+$0xFFFFFF00];
	v5 =	vnsel vm2, $0x0, v5;
	[tilespmem:s22+$0xFFFFFF50] =	vst v2;
	vm1 =	vge.f32 v6, v3  }
0x201: {  	v2 =	vmul.f32 v6, v4;
	v6 =	vmul.f32 v9, v4;
	v11 =	vnsel vm0, $0x0, v11;
	[tilespmem:s22+$0xFFFFFF10] =	vst v5;
	v5 =	vld [tilespmem:s23+$0xFFFFFF60]  }
0x202: {  	vm0 =	vge.f32 v14, v3;
	v13 =	vmul.f32 v14, v4;
	vm2 =	vge.f32 v9, v3;
	[tilespmem:s22+$0x10] =	vst v11;
	v9 =	vld [tilespmem:s23+$0xFFFFFF20]  }
0x203: {  	s25 =	simm.s32 $0x8580;
	[tilespmem:s21+$0x70] =	vst v7;
	v6 =	vnsel vm2, $0x0, v6;
	v11 =	vld [tilespmem:s23+$0x20];
	v7 =	vmul.f32 v8, v4;
	v2 =	vnsel vm1, $0x0, v2  }
0x204: {  	vm1 =	vge.f32 v10, v3;
	v10 =	vmul.f32 v10, v4;
	vm2 =	vge.f32 v8, v3;
	[tilespmem:s25+$0x40] =	vst v6;
	v6 =	vld [tilespmem:s26+$0xFFFFFF70]  }
0x205: {  	[tilespmem:s21+$0xFFFFFF30] =	vst v2;
	v2 =	vnsel vm0, $0x0, v13;
	v8 =	vmul.f32 v12, v4;
	v14 =	vld [tilespmem:s24+$0x50];
	v7 =	vnsel vm2, $0x0, v7  }
0x206: {  	vm3 =	vge.f32 v12, v3;
	v12 =	vnsel vm1, $0x0, v10;
	[tilespmem:s22+$0x60] =	vst v7;
	v13 =	vmul.f32 v5, v4  }
0x207: {  	[tilespmem:s25+$0xFFFFFF40] =	vst v2;
	v7 =	vnsel vm3, $0x0, v8;
	v2 =	vld [tilespmem:s23+$0x70];
	vm1 =	vge.f32 v5, v3;
	v8 =	vmul.f32 v9, v4  }
0x208: {  	vm0 =	vge.f32 v9, v3;
	[tilespmem:s25+$0xFFFFFF00] =	vst v7;
	v7 =	vld [tilespmem:s24+$0xFFFFFF50];
	vm2 =	vge.f32 v11, v3;
	v5 =	vmul.f32 v11, v4  }
0x209: {  	[tilespmem:s25+$0x0] =	vst v12;
	v10 =	vld [tilespmem:s24+$0xFFFFFF10];
	v13 =	vnsel vm1, $0x0, v13;
	v9 =	vmul.f32 v6, v4;
	v11 =	vnsel vm0, $0x0, v8  }
0x20a: {  	vm1 =	vge.f32 v6, v3;
	v8 =	vld [tilespmem:s24+$0x10];
	v12 =	vmul.f32 v14, v4;
	vm0 =	vge.f32 v15, v3;
	[tilespmem:s22+$0xFFFFFF20] =	vst v11  }
0x20b: {  	s28 =	simm.s32 $0x780;
	s26 =	simm.s32 $0x20;
	[tilespmem:s22+$0xFFFFFF60] =	vst v13;
	v11 =	vnsel vm2, $0x0, v5;
	vm2 =	vge.f32 v14, v3;
	v5 =	vmul.f32 v15, v4;
	v6 =	vld [tilespmem:s23+$0xFFFFFF30]  }
.LBB2_19:
0x20c: {  	v13 =	vld [tilespmem:s28+$0x40];
	s26 =	sadd.s32 $0x10, s26;
	v12 =	vnsel vm2, $0x0, v12;
	[tilespmem:s22+$0x20] =	vst v11;
	v11 =	vmul.f32 v2, v4;
	v9 =	vnsel vm1, $0x0, v9  }
0x20d: {  	vm2 =	vge.f32 v2, v3;
	v14 =	vld [tilespmem:s28+$0xFFFFFF40];
	p0 =	slt.u32 s26, $0x1F0;
	vm1 =	vge.f32 v7, v3;
	v7 =	vmul.f32 v7, v4;
	[tilespmem:s25+$0x50] =	vst v12  }
0x20e: {  	vm3 =	vge.f32 v10, v3;
	v2 =	vmul.f32 v10, v4;
	v10 =	vld [tilespmem:s24+$0x60];
	v11 =	vnsel vm2, $0x0, v11;
	[tilespmem:s21+$0xFFFFFF70] =	vst v9  }
0x20f: {  	v9 =	vld [tilespmem:s28+$0x0];
	v7 =	vnsel vm1, $0x0, v7;
	vm1 =	vge.f32 v8, v3;
	v8 =	vmul.f32 v8, v4;
	[tilespmem:s22+$0x70] =	vst v11  }
0x210: {  	v11 =	vld [tilespmem:s28+$0xFFFFFF00];
	v2 =	vnsel vm3, $0x0, v2;
	[tilespmem:s25+$0xFFFFFF50] =	vst v7;
	vm2 =	vge.f32 v6, v3;
	v6 =	vmul.f32 v6, v4  }
0x211: {  	v5 =	vnsel vm0, $0x0, v5;
	v7 =	vmul.f32 v13, v4;
	[tilespmem:s25+$0xFFFFFF10] =	vst v2;
	v12 =	vld [tilespmem:s24+$0xFFFFFF60];
	v2 =	vnsel vm1, $0x0, v8  }
0x212: {  	vm1 =	vge.f32 v13, v3;
	vm0 =	vge.f32 v14, v3;
	v8 =	vmul.f32 v14, v4;
	v13 =	vld [tilespmem:s24+$0xFFFFFF20];
	[tilespmem:s25+$0x10] =	vst v2  }
0x213: {  	v6 =	vnsel vm2, $0x0, v6;
	v2 =	vnsel vm1, $0x0, v7;
	v14 =	vld [tilespmem:s24+$0x20];
	v7 =	vmul.f32 v10, v4;
	[tilespmem:s21+$0x30] =	vst v5;
	s21 =	smov.u32 s22;
	s22 =	smov.u32 s25;
	s25 =	sadd.s32 $0x200, s25  }
0x214: {  	vm2 =	vge.f32 v10, v3;
	vm1 =	vge.f32 v9, v3;
	v5 =	vmul.f32 v9, v4;
	[tilespmem:s25+$0x40] =	vst v2;
	v15 =	vld [tilespmem:s23+$0xFFFFFF70]  }
0x215: {  	vm3 =	vge.f32 v11, v3;
	v2 =	vmul.f32 v11, v4;
	v16 =	vld [tilespmem:s28+$0x50];
	v7 =	vnsel vm2, $0x0, v7;
	[tilespmem:s21+$0xFFFFFF30] =	vst v6  }
0x216: {  	v6 =	vnsel vm0, $0x0, v8;
	v5 =	vnsel vm1, $0x0, v5;
	v8 =	vmul.f32 v12, v4;
	[tilespmem:s22+$0x60] =	vst v7;
	v17 =	vld [tilespmem:s23+$0x30];
	s23 =	smov.u32 s24;
	s24 =	smov.u32 s28  }
.Ltmp11:
0x217: {  	v7 =	vnsel vm3, $0x0, v2;
	[tilespmem:s25+$0xFFFFFF40] =	vst v6;
	vm0 =	vge.f32 v13, v3;
	v6 =	vmul.f32 v13, v4;
	v2 =	vld [tilespmem:s23+$0x70];
	(pc) =	sbr.rel @p0 .LBB2_19-.Ltmp11, $4  }
0x218: {  	vm1 =	vge.f32 v12, v3;
	[tilespmem:s25+$0xFFFFFF00] =	vst v7;
	v7 =	vld [tilespmem:s28+$0xFFFFFF50];
	vm2 =	vge.f32 v14, v3;
	v11 =	vmul.f32 v14, v4  }
0x219: {  	v13 =	vnsel vm1, $0x0, v8;
	v10 =	vld [tilespmem:s28+$0xFFFFFF10];
	[tilespmem:s25+$0x0] =	vst v5;
	v5 =	vnsel vm0, $0x0, v6;
	v9 =	vmul.f32 v15, v4  }
0x21a: {  	vm1 =	vge.f32 v15, v3;
	v8 =	vld [tilespmem:s28+$0x10];
	v12 =	vmul.f32 v16, v4;
	[tilespmem:s22+$0xFFFFFF20] =	vst v5;
	v11 =	vnsel vm2, $0x0, v11  }
0x21b: {  	vm2 =	vge.f32 v16, v3;
	s28 =	sadd.s32 $0x200, s28;
	v6 =	vld [tilespmem:s23+$0xFFFFFF30];
	[tilespmem:s22+$0xFFFFFF60] =	vst v13;
	vm0 =	vge.f32 v17, v3;
	v5 =	vmul.f32 v17, v4  }
0x21c: {  	_ =	sdelay $0x1  }
0x21d: {  	v12 =	vnsel vm2, $0x0, v12;
	v13 =	vmul.f32 v10, v4  }
0x21e: {  	v14 =	vmul.f32 v7, v4;
	[tilespmem:s25+$0x50] =	vst v12;
	vm14 =	vge.f32 v10, v3  }
0x21f: {  	vm3 =	vge.f32 v7, v3;
	v7 =	vld [tilespmem:s24+$0x60];
	v10 =	vmul.f32 v8, v4;
	v12 =	vnsel vm14, $0x0, v13  }
0x220: {  	vm15 =	vge.f32 v8, v3;
	v13 =	vnsel vm3, $0x0, v14;
	[tilespmem:s25+$0xFFFFFF10] =	vst v12  }
0x221: {  	[tilespmem:s25+$0xFFFFFF50] =	vst v13;
	v8 =	vnsel vm15, $0x0, v10;
	v10 =	vld [tilespmem:s24+$0xFFFFFF20]  }
0x222: {  	v12 =	vld [tilespmem:s24+$0xFFFFFF60];
	[tilespmem:s25+$0x10] =	vst v8  }
0x223: {  	v8 =	vld [tilespmem:s24+$0x20]  }
0x224: {  	v13 =	vmul.f32 v7, v4  }
0x225: {  	vm4 =	vge.f32 v7, v3  }
0x226: {  	[tilespmem:s22+$0x20] =	vst v11;
	v7 =	vnsel vm4, $0x0, v13;
	v11 =	vmul.f32 v10, v4  }
0x227: {  	v9 =	vnsel vm1, $0x0, v9;
	v13 =	vld [tilespmem:s23+$0xFFFFFF70];
	[tilespmem:s25+$0x60] =	vst v7;
	v14 =	vmul.f32 v12, v4;
	vm5 =	vge.f32 v10, v3  }
0x228: {  	[tilespmem:s21+$0xFFFFFF70] =	vst v9;
	v7 =	vld [tilespmem:s24+$0x70];
	vm6 =	vge.f32 v12, v3;
	v9 =	vmul.f32 v8, v4;
	v10 =	vnsel vm5, $0x0, v11  }
0x229: {  	v12 =	vld [tilespmem:s23+$0x30];
	vm7 =	vge.f32 v8, v3;
	v11 =	vmul.f32 v2, v4;
	v8 =	vnsel vm6, $0x0, v14;
	[tilespmem:s25+$0xFFFFFF20] =	vst v10  }
0x22a: {  	vm8 =	vge.f32 v2, v3;
	v2 =	vnsel vm7, $0x0, v9;
	[tilespmem:s25+$0xFFFFFF60] =	vst v8;
	v9 =	vld [tilespmem:s24+$0xFFFFFF30]  }
0x22b: {  	v10 =	vmul.f32 v6, v4;
	v8 =	vnsel vm8, $0x0, v11;
	[tilespmem:s25+$0x20] =	vst v2;
	v2 =	vld [tilespmem:s24+$0xFFFFFF70]  }
0x22c: {  	v5 =	vnsel vm0, $0x0, v5;
	vm9 =	vge.f32 v6, v3;
	v6 =	vmul.f32 v13, v4;
	[tilespmem:s22+$0x70] =	vst v8;
	v8 =	vld [tilespmem:s24+$0x30]  }
0x22d: {  	[tilespmem:s21+$0x30] =	vst v5;
	vm10 =	vge.f32 v13, v3;
	v10 =	vnsel vm9, $0x0, v10;
	v5 =	vmul.f32 v7, v4  }
0x22e: {  	v6 =	vnsel vm10, $0x0, v6;
	vm11 =	vge.f32 v7, v3;
	[tilespmem:s22+$0xFFFFFF30] =	vst v10;
	v10 =	vmul.f32 v12, v4  }
0x22f: {  	vm12 =	vge.f32 v12, v3;
	[tilespmem:s22+$0xFFFFFF70] =	vst v6;
	v5 =	vnsel vm11, $0x0, v5;
	v6 =	vmul.f32 v9, v4  }
0x230: {  	[tilespmem:s25+$0x70] =	vst v5;
	v5 =	vnsel vm12, $0x0, v10;
	vm13 =	vge.f32 v9, v3;
	v7 =	vmul.f32 v2, v4  }
0x231: {  	[tilespmem:s22+$0x30] =	vst v5;
	vm14 =	vge.f32 v2, v3;
	v2 =	vmul.f32 v8, v4;
	v6 =	vnsel vm13, $0x0, v6  }
0x232: {  	vm15 =	vge.f32 v8, v3;
	v3 =	vnsel vm14, $0x0, v7;
	[tilespmem:s25+$0xFFFFFF30] =	vst v6  }
0x233: {  	s20 =	sadd.s32 s3, s20;
	p0 =	seq.s32 s16, $0x1F;
	[tilespmem:s25+$0xFFFFFF70] =	vst v3;
	v2 =	vnsel vm15, $0x0, v2  }
0x234: {  	s19 =	sadd.s32 s19, s20;
	s18 =	sadd.s32 @!p0 $0x4, s18;
	[tilespmem:s25+$0x30] =	vst v2  }
0x235: {  	[hbm4b:s19+s8] =	stream.strided.scatter [tilespmem:s12], [sflag:$0x3], $0x4000, s9, s8, $0x38;
	[tilespmem:$0xC000] =	vst v63  }
0x236: {  	s19 =	sshll.u32 @!p0 s18, $0x4  }
0x237: {  	s18 =	sshll.u32 @!p0 s18, $0xA;
	s19 =	sand.u32 @!p0 $0x40, s19  }
0x238: {  	s20 =	simm.s32 @!p0 $0x400;
	s18 =	sand.u32 @!p0 $0xFFFE000, s18;
	s19 =	sadd.s32 @!p0 s2, s19  }
0x239: {  	s21 =	simm.s32 @!p0 $0x0;
	s18 =	sadd.s32 @!p0 s18, s19;
	s19 =	simm.s32 @!p0 $0x100  }
0x23a: {  	[tilespmem:s21], [sflag:$0x1] =	stream.strided.gather @!p0 [hbm4b:s18+s19], $0x4000, s20, s19, $0x38;
	[tilespmem:$0xC000] =	vst v63  }
0x23b: {  	_ =	swait.ge [sflag:s13], $0x4000  }
0x23c: {  	[sflag:s13] =	ssyncset.done $0x0  }
0x23d: {  	s31 =	simm.s32 $0x4100;
	[sflag:s13] =	ssyncadd.s32 $0xFFFFC000  }
0x23e: {  	v2 =	vld [tilespmem:s31+$0xFFFFFF10]  }
0x23f: {  	v3 =	vld [tilespmem:s31+$0xFFFFFF50]  }
0x240: {  	v5 =	vld [tilespmem:s31+$0xFFFFFF30]  }
0x241: {  	v6 =	vld [tilespmem:s31+$0xFFFFFF00]  }
0x242: {  	v8 =	vld [tilespmem:s31+$0xFFFFFF20]  }
0x243: {  	v4 =	vld [tilespmem:s31+$0xFFFFFF70]  }
0x244: {  	v14 =	vimm.f32 $-1.000000000e+00;
	v11 =	vld [tilespmem:s31+$0xFFFFFF40]  }
0x245: {  	v15 =	vld [tilespmem:s31+$0xFFFFFF60];
	v7 =	vmin.f32 v14, v2;
	v10 =	vmax.f32 v14, v2;
	v9 =	vmax.f32 v14, v5  }
0x246: {  	v18 =	vmin.f32 v14, v5;
	v19 =	vmax.f32 v14, v6;
	v6 =	vmin.f32 v14, v6  }
0x247: {  	v12 =	vld [tilespmem:s31+$0x10];
	v21 =	vmax.f32 v14, v8;
	v22 =	vmin.f32 v14, v8;
	v13 =	vmax.f32 v14, v7  }
0x248: {  	v23 =	vld [tilespmem:s31+$0x30];
	v2 =	vmin.f32 v14, v7;
	v20 =	vmin.f32 v9, v4;
	v8 =	vmax.f32 v14, v6  }
0x249: {  	v29 =	vld [tilespmem:s31+$0x20];
	v24 =	vmax.f32 v14, v18;
	v16 =	vmin.f32 v10, v3;
	v27 =	vmax.f32 v9, v4  }
0x24a: {  	v30 =	vld [tilespmem:s31+$0x0];
	v9 =	vmin.f32 v19, v11;
	v28 =	vmax.f32 v21, v15;
	v4 =	vmin.f32 v14, v6  }
0x24b: {  	v3 =	vmax.f32 v10, v3;
	v61 =	vmax.f32 v19, v11;
	v18 =	vmin.f32 v14, v18  }
0x24c: {  	v62 =	vmin.f32 v21, v15;
	v5 =	vmax.f32 v14, v2;
	v2 =	vmin.f32 v14, v22  }
0x24d: {  	v25 =	vld [tilespmem:s31+$0x50];
	v26 =	vmax.f32 v13, v16;
	v6 =	vmin.f32 v13, v16;
	v31 =	vmax.f32 v3, v12  }
0x24e: {  	v12 =	vmin.f32 v3, v12;
	v13 =	vmax.f32 v27, v23;
	v10 =	vmax.f32 v14, v4  }
0x24f: {  	v17 =	vmax.f32 v28, v29;
	v23 =	vmin.f32 v27, v23;
	v11 =	vmax.f32 v61, v30  }
0x250: {  	v18 =	vmax.f32 v14, v18;
	v15 =	vmin.f32 v28, v29;
	v63 =	vmax.f32 v24, v20  }
0x251: {  	v7 =	vld [tilespmem:s31+$0x70];
	v20 =	vmin.f32 v24, v20;
	v22 =	vmax.f32 v14, v22;
	v2 =	vmax.f32 v14, v2  }
0x252: {  	v16 =	vld [tilespmem:s31+$0x60];
	v32 =	vmax.f32 v26, v12;
	v33 =	vmin.f32 v31, v25;
	v6 =	vmax.f32 v5, v6  }
0x253: {  	v5 =	vmax.f32 v31, v25;
	v12 =	vmin.f32 v26, v12;
	v18 =	vmax.f32 v18, v20;
	v14 =	vld [tilespmem:s31+$0x40]  }
0x254: {  	v21 =	vmax.f32 v63, v23;
	v20 =	vmin.f32 v63, v23;
	v4 =	vmax.f32 v32, v33  }
0x255: {  	v19 =	vmin.f32 v32, v33;
	v6 =	vmax.f32 v6, v12;
	v20 =	vmax.f32 v18, v20  }
0x256: {  	v18 =	vmin.f32 v22, v62;
	v6 =	vmax.f32 v6, v19;
	v19 =	vmax.f32 v22, v62  }
0x257: {  	s18 =	simm.s32 $0x0;
	s19 =	simm.s32 $0x4300;
	v22 =	vmin.f32 v61, v30;
	v3 =	vmax.f32 v13, v7;
	v12 =	vmin.f32 v17, v16  }
.LBB2_21:
0x258: {  	v23 =	vld [tilespmem:s19+$0xFFFFFF10];
	s18 =	sadd.s32 $0x10, s18;
	v24 =	vmin.f32 v11, v14;
	v16 =	vmax.f32 v17, v16;
	v7 =	vmin.f32 v13, v7  }
0x259: {  	v17 =	vmax.f32 v8, v9;
	v13 =	vld [tilespmem:s19+$0xFFFFFF50];
	p0 =	slt.u32 s18, $0x1F0;
	v25 =	vmax.f32 v21, v7;
	v7 =	vmin.f32 v21, v7  }
0x25a: {  	v8 =	vmin.f32 v8, v9;
	v9 =	vmax.f32 v17, v22;
	v21 =	vld [tilespmem:s19+$0xFFFFFF70];
	v20 =	vmax.f32 v20, v7  }
0x25b: {  	v7 =	vmin.f32 v17, v22;
	v17 =	vmax.f32 v9, v24;
	v9 =	vmin.f32 v9, v24;
	v26 =	vld [tilespmem:s19+$0xFFFFFF40]  }
0x25c: {  	v8 =	vmax.f32 v10, v8;
	v10 =	vmax.f32 v19, v15;
	v15 =	vmin.f32 v19, v15;
	v22 =	vld [tilespmem:s19+$0xFFFFFF30]  }
0x25d: {  	v2 =	vmax.f32 v2, v18;
	v18 =	vmin.f32 v10, v12;
	v19 =	vld [tilespmem:s19+$0xFFFFFF00];
	v24 =	vmax.f32 v5, v23  }
0x25e: {  	v2 =	vmax.f32 v2, v15;
	v7 =	vmax.f32 v8, v7;
	v5 =	vmin.f32 v5, v23;
	v23 =	vld [tilespmem:s19+$0xFFFFFF20]  }
0x25f: {  	v28 =	vmax.f32 v10, v12;
	v2 =	vmax.f32 v2, v18;
	v27 =	vmax.f32 v7, v9;
	v15 =	vld [tilespmem:s19+$0x10]  }
0x260: {  	v10 =	vmax.f32 v4, v5;
	v4 =	vmin.f32 v4, v5;
	v5 =	vmax.f32 v11, v14;
	v12 =	vld [tilespmem:s19+$0xFFFFFF60]  }
0x261: {  	v9 =	vmax.f32 v3, v22;
	v11 =	vmin.f32 v3, v22;
	v7 =	vld [tilespmem:s19+$0x70]  }
0x262: {  	v4 =	vmax.f32 v6, v4;
	v14 =	vmax.f32 v5, v19;
	v6 =	vmin.f32 v9, v21  }
0x263: {  	v3 =	vmin.f32 v5, v19;
	v18 =	vmax.f32 v16, v23;
	v19 =	vmin.f32 v16, v23;
	v5 =	vld [tilespmem:s19+$0x30]  }
0x264: {  	v22 =	vmax.f32 v25, v11;
	v8 =	vmax.f32 v17, v3;
	v16 =	vmin.f32 v24, v13;
	v23 =	vld [tilespmem:s19+$0x50]  }
0x265: {  	v21 =	vmax.f32 v9, v21;
	v29 =	vmin.f32 v28, v19;
	v30 =	vmax.f32 v10, v16  }
0x266: {  	v9 =	vmin.f32 v14, v26;
	v2 =	vmax.f32 v2, v29;
	v29 =	vmax.f32 v18, v12;
	v31 =	vld [tilespmem:s19+$0x20]  }
0x267: {  	v17 =	vmin.f32 v17, v3;
	v3 =	vmax.f32 v24, v13;
	v16 =	vmin.f32 v10, v16  }
0x268: {  	v32 =	vmax.f32 v3, v15;
	v15 =	vmin.f32 v3, v15;
	v24 =	vld [tilespmem:s19+$0x0];
	v13 =	vmax.f32 v21, v5  }
0x269: {  	v33 =	vmax.f32 v30, v15;
	v34 =	vmin.f32 v32, v23;
	v3 =	vmax.f32 v13, v7  }
0x26a: {  	v10 =	vmax.f32 v27, v17;
	v27 =	vmax.f32 v4, v16;
	v4 =	vmax.f32 v33, v34;
	v16 =	vld [tilespmem:s19+$0x60]  }
0x26b: {  	v35 =	vmin.f32 v21, v5;
	v5 =	vmax.f32 v32, v23;
	v17 =	vmax.f32 v29, v31  }
0x26c: {  	v23 =	vmax.f32 v14, v26;
	v14 =	vmin.f32 v30, v15;
	v26 =	vmin.f32 v33, v34  }
0x26d: {  	v15 =	vmin.f32 v25, v11;
	v25 =	vmax.f32 v27, v14;
	v11 =	vmax.f32 v23, v24  }
.Ltmp12:
0x26e: {  	v18 =	vmin.f32 v18, v12;
	v20 =	vmax.f32 v20, v15;
	v15 =	vmin.f32 v29, v31;
	v14 =	vld [tilespmem:s19+$0x40];
	(pc) =	sbr.rel @p0 .LBB2_21-.Ltmp12, $4  }
0x26f: {  	v27 =	vmax.f32 v22, v6;
	v6 =	vmin.f32 v22, v6;
	v12 =	vmin.f32 v17, v16  }
0x270: {  	v6 =	vmax.f32 v20, v6;
	v21 =	vmax.f32 v27, v35;
	v20 =	vmin.f32 v27, v35  }
0x271: {  	v22 =	vmax.f32 v28, v19;
	v20 =	vmax.f32 v6, v20;
	v6 =	vmax.f32 v25, v26  }
0x272: {  	v19 =	vmax.f32 v22, v18;
	v18 =	vmin.f32 v22, v18;
	v22 =	vmin.f32 v23, v24;
	s19 =	sadd.s32 $0x200, s19  }
0x273: {  	v23 =	vmin.f32 v11, v14  }
0x274: {  	v7 =	vmin.f32 v13, v7;
	v43 =	vmax.f32 v17, v16;
	v44 =	vmax.f32 v8, v9  }
0x275: {  	v8 =	vmin.f32 v8, v9;
	v47 =	vmax.f32 v11, v14;
	v11 =	vmin.f32 v19, v15  }
0x276: {  	v2 =	vmax.f32 v2, v18;
	v45 =	vmax.f32 v21, v7;
	v7 =	vmin.f32 v21, v7  }
0x277: {  	v9 =	vmax.f32 v44, v22;
	v8 =	vmax.f32 v10, v8;
	v10 =	vmax.f32 v19, v15  }
0x278: {  	v48 =	vmax.f32 v47, v5;
	v2 =	vmax.f32 v2, v11;
	v11 =	vmin.f32 v47, v4  }
0x279: {  	v20 =	vmax.f32 v20, v7;
	v7 =	vmin.f32 v44, v22;
	v46 =	vmax.f32 v9, v23  }
0x27a: {  	v9 =	vmin.f32 v9, v23;
	v49 =	vmin.f32 v10, v12;
	v50 =	vmax.f32 v48, v43  }
0x27b: {  	v52 =	vmax.f32 v10, v12;
	v7 =	vmax.f32 v8, v7;
	v8 =	vmax.f32 v50, v3  }
0x27c: {  	v10 =	vmin.f32 v46, v5;
	v18 =	vmax.f32 v2, v49;
	v51 =	vmax.f32 v7, v9  }
0x27d: {  	v7 =	vmax.f32 v46, v4;
	(xrf0) =	vmax.scan.msk.f32 $0xffff, v8;
	v9 =	vmin.f32 v47, v5;
	v10 =	vmax.f32 v10, v11  }
0x27e: {  	v11 =	vmin.f32 v48, v52;
	v7 =	vmax.f32 v7, v9;
	v9 =	vmax.f32 v51, v6  }
0x27f: {  	v2 =	vmax.f32 v9, v10;
	v9 =	vmax.f32 v7, v52;
	v7 =	vmin.f32 v7, v43  }
0x280: {  	v7 =	vmax.f32 v7, v11;
	_ =	sdelay $0x1  }
0x281: {  	v53 =	vmin.f32 v50, v45;
	v10 =	vmin.f32 v48, v43;
	v2 =	vmax.f32 v2, v18  }
0x282: {  	v9 =	vmax.f32 v9, v10;
	v11 =	vmin.f32 v50, v3;
	v2 =	vmax.f32 v2, v7;
	v7, _, _ =	vpop (xrf0)  }
0x283: {  	v10 =	vmax.f32 v9, v45;
	v9 =	vmin.f32 v9, v3;
	v7 =	vbroadcast v7, $0xF  }
0x284: {  	v10 =	vmax.f32 v10, v11;
	v2 =	vmax.f32 v2, v20;
	v9 =	vmax.f32 v9, v53  }
0x285: {  	v2 =	vmax.f32 v2, v9;
	vm0 =	vlt.f32 v8, v7;
	vm1 =	vlt.f32 v10, v7  }
0x286: {  	vm5 =	vlt.f32 v2, v7;
	v9 =	vnsel vm0, $0xBF800000, v8;
	v11 =	vnsel vm1, $0xBF800000, v10  }
0x287: {  	v54 =	vnsel vm5, $0xBF800000, v2;
	v55 =	vmax.f32 v9, v11  }
0x288: {  	v19 =	vmax.f32 v55, v54  }
0x289: {  	(xrf0) =	vmax.scan.msk.f32 $0xffff, v19;
	_ =	sdelay $0x5  }
0x28a: {  	v19, _, _ =	vpop (xrf0)  }
0x28b: {  	vm6 =	veq.f32 v8, v7;
	v8 =	vbroadcast v19, $0xF  }
0x28c: {  	vm7 =	veq.f32 v10, v7;
	vm10 =	veq.f32 v2, v7;
	v10 =	vsel vm6, $0x3F800000, v0  }
0x28d: {  	v56 =	vsel vm7, $0x3F800000, v0;
	vm8 =	veq.f32 v9, v8;
	vm9 =	veq.f32 v11, v8  }
0x28e: {  	v10 =	vadd.f32 v56, v10;
	v57 =	vsel vm8, $0x3F800000, v0;
	v2 =	vsel vm9, $0x3F800000, v0  }
0x28f: {  	v58 =	vsel vm10, $0x3F800000, v0;
	vm11 =	veq.f32 v54, v8;
	v2 =	vadd.f32 v2, v57  }
0x290: {  	v10 =	vadd.f32 v10, v58;
	v59 =	vsel vm11, $0x3F800000, v0  }
0x291: {  	v2 =	vadd.f32 v2, v59  }
0x292: {  	(xrf2) =	vadd.scan.msk.f32 $0xffff, v10  }
0x293: {  	(xrf2) =	vadd.scan.msk.f32 $0xffff, v2;
	_ =	sdelay $0x2  }
0x294: {  	vm12 =	vlt.f32 v9, v8;
	vm13 =	vlt.f32 v11, v8  }
0x295: {  	vm14 =	vlt.f32 v54, v8;
	v2 =	vnsel vm12, $0xBF800000, v9;
	v9 =	vnsel vm13, $0xBF800000, v11  }
0x296: {  	v10 =	vnsel vm14, $0xBF800000, v54;
	v2 =	vmax.f32 v2, v9  }
0x297: {  	v2 =	vmax.f32 v2, v10  }
0x298: {  	(xrf0) =	vmax.scan.msk.f32 $0xffff, v2;
	_ =	sdelay $0x1  }
0x299: {  	v2, _, _ =	vpop (xrf2)  }
0x29a: {  	v9, _, _ =	vpop (xrf2)  }
0x29b: {  	v11 =	vbroadcast v2, $0xF;
	v10 =	vbroadcast v9, $0xF;
	_ =	sdelay $0x1  }
0x29c: {  	v2, _, _ =	vpop (xrf0);
	v60 =	vadd.f32 v10, v11  }
0x29d: {  	v9 =	vbroadcast v2, $0xF  }
0x29e: {  	vm15 =	vge.f32 v60, $3.000000000e+00  }
0x29f: {  	vm4 =	vge.f32 v11, $3.000000000e+00;
	v2 =	vsel vm15, v8, v9  }
0x2a0: {  	v2 =	vsel vm4, v7, v2  }
0x2a1: {  	vm5 =	vge.f32 v47, v2;
	vm1 =	vge.f32 v46, v2  }
0x2a2: {  	vm6 =	vge.f32 v51, v2;
	v14 =	vsel vm5, $0x1, v1;
	v61 =	vsel vm1, $0x1, v1  }
0x2a3: {  	vm7 =	vge.f32 v5, v2;
	v62 =	vsel vm6, $0x1, v1;
	v14 =	vadd.s32 v61, v14  }
0x2a4: {  	vm8 =	vge.f32 v4, v2;
	v63 =	vsel vm7, $0x1, v1;
	v5 =	vadd.s32 v62, v14  }
0x2a5: {  	vm9 =	vge.f32 v6, v2;
	v4 =	vadd.s32 v63, v5;
	v5 =	vsel vm8, $0x1, v1  }
0x2a6: {  	vm10 =	vge.f32 v43, v2;
	v4 =	vadd.s32 v5, v4;
	v5 =	vsel vm9, $0x1, v1  }
0x2a7: {  	vm11 =	vge.f32 v52, v2;
	v6 =	vsel vm10, $0x1, v1;
	v4 =	vadd.s32 v5, v4  }
0x2a8: {  	vm12 =	vge.f32 v18, v2;
	v4 =	vadd.s32 v6, v4;
	v6 =	vsel vm11, $0x1, v1  }
0x2a9: {  	vm13 =	vge.f32 v3, v2;
	v4 =	vadd.s32 v6, v4;
	v6 =	vsel vm12, $0x1, v1  }
0x2aa: {  	vm14 =	vge.f32 v45, v2;
	v3 =	vadd.s32 v6, v4;
	v4 =	vsel vm13, $0x1, v1  }
0x2ab: {  	vm15 =	vge.f32 v20, v2;
	v3 =	vadd.s32 v4, v3;
	v4 =	vsel vm14, $0x1, v1  }
0x2ac: {  	v5 =	vadd.s32 v5, v62;
	v3 =	vadd.s32 v4, v3;
	v4 =	vsel vm15, $0x1, v1  }
0x2ad: {  	v5 =	vadd.s32 v6, v5;
	v3 =	vadd.s32 v4, v3  }
0x2ae: {  	v4 =	vadd.s32 v4, v5;
	(xrf0) =	vadd.scan.msk.s32 $0xffff, v3  }
0x2af: {  	(xrf0) =	vadd.scan.msk.s32 $0xffff, v4;
	_ =	sdelay $0x4  }
0x2b0: {  	v3, _, _ =	vpop (xrf0)  }
0x2b1: {  	(v2sf) =	vpush v3, $0xF;
	v3, _, _ =	vpop (xrf0)  }
0x2b2: {  	(v2sf) =	vpush v3, $0xF;
	_ =	sdelay $0xd  }
0x2b3: {  	s18 =	spop (v2sf)  }
0x2b4: {  	s19 =	spop (v2sf)  }
0x2b5: {  	p0 =	sgt.s32 s19, $0x0  }
0x2b6: {  	p1 =	seq.s32 @!p0 s18, $0x3  }
0x2b7: {  	p1 =	por p0, !p1  }
.Ltmp13:
0x2b8: {  	_ = 	snop;
	(pc) =	sbr.rel @p1 .LBB2_24-.Ltmp13, $1  }
0x2b9: {  	_ =	sdelay $0x3  }
0x2ba: {  	v3 =	vmin.f32 v11, $3.000000000e+00  }
0x2bb: {  	v4 =	vsub.f32 $3.000000000e+00, v3;
	_ =	sdelay $0x1  }
0x2bc: {  	v5 =	vclamp.gez.f32 v10, v4  }
0x2bd: {  	v5 =	vmin.f32 v5, $3.000000000e+00  }
.Ltmp14:
0x2be: {  	v3 =	vmul.f32 v3, v7;
	v4 =	vsub.f32 v4, v5;
	v5 =	vmul.f32 v5, v8;
	(pc) =	sbr.rel .LBB2_27-.Ltmp14, $3  }
0x2bf: {  	_ = 	snop  }
0x2c0: {  	v3 =	vadd.f32 v5, v3;
	v4 =	vmul.f32 v4, v9;
	_ =	sdelay $0x1  }
0x2c1: {  	v4 =	vadd.f32 v4, v3  }
.LBB2_24:
0x2c2: {  	s19 =	simm.s32 $0x4100  }
0x2c3: {  	s19 =	simm.s32 @p0 $0x4100  }
0x2c4: {  	v3 =	vld [tilespmem:s19+$0xFFFFFF00]  }
0x2c5: {  	v6 =	vld [tilespmem:s19+$0x10]  }
0x2c6: {  	v9 =	vld [tilespmem:s19+$0xFFFFFF60]  }
0x2c7: {  	v7 =	vld [tilespmem:s19+$0x0]  }
0x2c8: {  	v10 =	vld [tilespmem:s19+$0xFFFFFF50]  }
0x2c9: {  	v11 =	vld [tilespmem:s19+$0xFFFFFF40]  }
0x2ca: {  	v14 =	vld [tilespmem:s19+$0xFFFFFF20]  }
0x2cb: {  	v4 =	vpsel p0, $0x0, v0;
	v8 =	vpsel p0, $0x0, v0;
	v16 =	vpsel p0, $0x0, v0;
	s18 =	simm.s32 $0xFFFFFFF0;
	v13 =	vld [tilespmem:s19+$0xFFFFFF10]  }
0x2cc: {  	s18 =	simm.s32 @p0 $0xFFFFFFF0;
	v19 =	vld [tilespmem:s19+$0xFFFFFF70];
	vm0 =	vge.f32 v3, v2;
	vm1 =	vge.f32 v7, v2;
	vm2 =	vge.f32 v9, v2  }
0x2cd: {  	v5 =	vld [tilespmem:s19+$0xFFFFFF30];
	s18 =	sadd.s32 $0x10, s18;
	v3 =	vnsel vm0, $0x0, v3;
	vm0 =	vge.f32 v6, v2;
	v20 =	vnsel vm1, $0x0, v7  }
0x2ce: {  	p0 =	slt.u32 s18, $0x1F0;
	vm1 =	vge.f32 v11, v2;
	v15 =	vadd.f32 v3, v16;
	v3 =	vnsel vm0, $0x0, v6;
	v6 =	vld [tilespmem:s19+$0x60]  }
.Ltmp15:
0x2cf: {  	v12 =	vld [tilespmem:s19+$0x40];
	vm0 =	vge.f32 v10, v2;
	v11 =	vnsel vm1, $0x0, v11;
	vm1 =	vge.f32 v14, v2;
	(pc) =	sbr.rel @!p0 .LBB2_26-.Ltmp15, $4  }
0x2d0: {  	v7 =	vld [tilespmem:s19+$0x30];
	v10 =	vnsel vm0, $0x0, v10;
	vm0 =	vge.f32 v13, v2;
	v18 =	vnsel vm1, $0x0, v14  }
0x2d1: {  	vm1 =	vge.f32 v19, v2;
	v17 =	vnsel vm0, $0x0, v13;
	v21 =	vadd.f32 v11, v15;
	v13 =	vld [tilespmem:s19+$0x20]  }
0x2d2: {  	v14 =	vld [tilespmem:s19+$0x50];
	vm0 =	vge.f32 v5, v2;
	v15 =	vnsel vm2, $0x0, v9;
	v11 =	vnsel vm1, $0x0, v19  }
0x2d3: {  	v9 =	vld [tilespmem:s19+$0x70];
	s19 =	sadd.s32 $0x200, s19;
	v17 =	vadd.f32 v17, v16;
	v16 =	vadd.f32 v20, v21;
	vm1 =	vge.f32 v6, v2  }
.LBB2_25:
0x2d4: {  	v19 =	vld [tilespmem:s19+$0xFFFFFF00];
	s18 =	sadd.s32 $0x10, s18;
	v8 =	vadd.f32 v18, v8;
	vm2 =	vge.f32 v12, v2;
	v18 =	vnsel vm1, $0x0, v6  }
0x2d5: {  	v10 =	vadd.f32 v10, v17;
	v6 =	vld [tilespmem:s19+$0x10];
	p0 =	slt.u32 s18, $0x1F0;
	vm1 =	vge.f32 v7, v2;
	v12 =	vnsel vm2, $0x0, v12  }
0x2d6: {  	v5 =	vnsel vm0, $0x0, v5;
	v17 =	vld [tilespmem:s19+$0xFFFFFF60];
	v8 =	vadd.f32 v15, v8;
	vm0 =	vge.f32 v13, v2  }
0x2d7: {  	v10 =	vadd.f32 v3, v10;
	v3 =	vadd.f32 v12, v16;
	v15 =	vld [tilespmem:s19+$0x0];
	vm2 =	vge.f32 v14, v2  }
0x2d8: {  	v4 =	vadd.f32 v5, v4;
	v7 =	vnsel vm1, $0x0, v7;
	v5 =	vnsel vm0, $0x0, v13;
	v12 =	vld [tilespmem:s19+$0xFFFFFF50]  }
0x2d9: {  	v14 =	vnsel vm2, $0x0, v14;
	vm1 =	vge.f32 v9, v2;
	vm0 =	vge.f32 v19, v2;
	v13 =	vld [tilespmem:s19+$0xFFFFFF40]  }
0x2da: {  	v4 =	vadd.f32 v11, v4;
	v8 =	vadd.f32 v5, v8;
	v16 =	vnsel vm0, $0x0, v19;
	v19 =	vld [tilespmem:s19+$0xFFFFFF10]  }
0x2db: {  	v9 =	vnsel vm1, $0x0, v9;
	vm0 =	vge.f32 v6, v2;
	v11 =	vadd.f32 v16, v3;
	v16 =	vld [tilespmem:s19+$0xFFFFFF20]  }
0x2dc: {  	v14 =	vadd.f32 v14, v10;
	v3 =	vnsel vm0, $0x0, v6;
	v5 =	vld [tilespmem:s19+$0xFFFFFF30];
	vm1 =	vge.f32 v15, v2  }
0x2dd: {  	v4 =	vadd.f32 v7, v4;
	vm0 =	vge.f32 v12, v2;
	v20 =	vld [tilespmem:s19+$0xFFFFFF70];
	v21 =	vnsel vm1, $0x0, v15  }
0x2de: {  	v8 =	vadd.f32 v18, v8;
	vm1 =	vge.f32 v13, v2;
	v10 =	vnsel vm0, $0x0, v12;
	v6 =	vld [tilespmem:s19+$0x60]  }
.Ltmp16:
0x2df: {  	v4 =	vadd.f32 v9, v4;
	vm0 =	vge.f32 v19, v2;
	v13 =	vnsel vm1, $0x0, v13;
	v12 =	vld [tilespmem:s19+$0x40];
	(pc) =	sbr.rel @p0 .LBB2_25-.Ltmp16, $4  }
0x2e0: {  	vm2 =	vge.f32 v17, v2;
	v9 =	vnsel vm0, $0x0, v19;
	vm1 =	vge.f32 v16, v2;
	v7 =	vld [tilespmem:s19+$0x30]  }
0x2e1: {  	v15 =	vnsel vm2, $0x0, v17;
	v19 =	vadd.f32 v13, v11;
	vm0 =	vge.f32 v5, v2;
	v13 =	vld [tilespmem:s19+$0x20]  }
0x2e2: {  	v17 =	vadd.f32 v9, v14;
	v18 =	vnsel vm1, $0x0, v16;
	vm1 =	vge.f32 v20, v2;
	v14 =	vld [tilespmem:s19+$0x50]  }
0x2e3: {  	v16 =	vadd.f32 v21, v19;
	v11 =	vnsel vm1, $0x0, v20;
	vm1 =	vge.f32 v6, v2;
	v9 =	vld [tilespmem:s19+$0x70];
	s19 =	sadd.s32 $0x200, s19  }
.LBB2_26:
0x2e4: {  	v8 =	vadd.f32 v18, v8;
	vm2 =	vge.f32 v12, v2;
	v5 =	vnsel vm0, $0x0, v5  }
0x2e5: {  	v10 =	vadd.f32 v10, v17;
	v12 =	vnsel vm2, $0x0, v12;
	vm12 =	vge.f32 v7, v2  }
0x2e6: {  	v4 =	vadd.f32 v5, v4;
	v8 =	vadd.f32 v15, v8;
	vm13 =	vge.f32 v13, v2  }
0x2e7: {  	v62 =	vadd.f32 v12, v16;
	v3 =	vadd.f32 v3, v10;
	vm14 =	vge.f32 v14, v2  }
0x2e8: {  	v5 =	vnsel vm13, $0x0, v13;
	v4 =	vadd.f32 v11, v4;
	v63 =	vnsel vm14, $0x0, v14  }
0x2e9: {  	v7 =	vnsel vm12, $0x0, v7;
	v5 =	vadd.f32 v5, v8;
	v3 =	vadd.f32 v63, v3  }
0x2ea: {  	v6 =	vnsel vm1, $0x0, v6;
	v4 =	vadd.f32 v7, v4  }
0x2eb: {  	vm15 =	vge.f32 v9, v2;
	v5 =	vadd.f32 v6, v5;
	v3 =	vadd.f32 v3, v62  }
0x2ec: {  	v6 =	vnsel vm15, $0x0, v9  }
0x2ed: {  	v4 =	vadd.f32 v6, v4;
	v3 =	vadd.f32 v5, v3;
	_ =	sdelay $0x1  }
0x2ee: {  	v3 =	vadd.f32 v4, v3;
	_ =	sdelay $0x1  }
0x2ef: {  	(xrf2) =	vadd.scan.msk.f32 $0xffff, v3;
	_ =	sdelay $0x9  }
0x2f0: {  	v3, _, _ =	vpop (xrf2)  }
0x2f1: {  	v4 =	vbroadcast v3, $0xF  }
.LBB2_27:
0x2f2: {  	s19 =	simm.s32 $0x4180  }
0x2f3: {  	v3 =	vld [tilespmem:s19+$0xFFFFFF10]  }
0x2f4: {  	v5 =	vld [tilespmem:s19+$0xFFFFFF50]  }
0x2f5: {  	v7 =	vld [tilespmem:s19+$0xFFFFFF30]  }
0x2f6: {  	v8 =	vld [tilespmem:s19+$0xFFFFFF00]  }
0x2f7: {  	v10 =	vld [tilespmem:s19+$0xFFFFFF20]  }
0x2f8: {  	v6 =	vld [tilespmem:s19+$0xFFFFFF70]  }
0x2f9: {  	v16 =	vimm.f32 $-1.000000000e+00;
	v13 =	vld [tilespmem:s19+$0xFFFFFF40]  }
0x2fa: {  	v17 =	vld [tilespmem:s19+$0xFFFFFF60];
	v9 =	vmin.f32 v16, v3;
	v12 =	vmax.f32 v16, v3;
	v11 =	vmax.f32 v16, v7  }
0x2fb: {  	v20 =	vmin.f32 v16, v7;
	v21 =	vmax.f32 v16, v8;
	v8 =	vmin.f32 v16, v8  }
0x2fc: {  	v14 =	vld [tilespmem:s19+$0x10];
	v23 =	vmax.f32 v16, v10;
	v24 =	vmin.f32 v16, v10;
	v15 =	vmax.f32 v16, v9  }
0x2fd: {  	v25 =	vld [tilespmem:s19+$0x30];
	v3 =	vmin.f32 v16, v9;
	v22 =	vmin.f32 v11, v6;
	v10 =	vmax.f32 v16, v8  }
0x2fe: {  	v31 =	vld [tilespmem:s19+$0x20];
	v26 =	vmax.f32 v16, v20;
	v18 =	vmin.f32 v12, v5;
	v29 =	vmax.f32 v11, v6  }
0x2ff: {  	v11 =	vmin.f32 v21, v13;
	v30 =	vmax.f32 v23, v17;
	v6 =	vmin.f32 v16, v8  }
0x300: {  	v5 =	vmax.f32 v12, v5;
	v20 =	vmin.f32 v16, v20;
	v62 =	vmin.f32 v23, v17  }
0x301: {  	v27 =	vld [tilespmem:s19+$0x50];
	v7 =	vmax.f32 v16, v3;
	v3 =	vmin.f32 v16, v24;
	v28 =	vmax.f32 v15, v18  }
0x302: {  	v8 =	vmin.f32 v15, v18;
	v33 =	vmax.f32 v5, v14;
	v14 =	vmin.f32 v5, v14  }
0x303: {  	v15 =	vmax.f32 v29, v25;
	v12 =	vmax.f32 v16, v6;
	v19 =	vmax.f32 v30, v31  }
0x304: {  	v25 =	vmin.f32 v29, v25;
	v20 =	vmax.f32 v16, v20;
	v17 =	vmin.f32 v30, v31  }
0x305: {  	v32 =	vld [tilespmem:s19+$0x0];
	v63 =	vmax.f32 v26, v22;
	v22 =	vmin.f32 v26, v22;
	v24 =	vmax.f32 v16, v24  }
0x306: {  	v9 =	vld [tilespmem:s19+$0x70];
	v3 =	vmax.f32 v16, v3;
	v34 =	vmax.f32 v28, v14;
	v35 =	vmin.f32 v33, v27  }
0x307: {  	v18 =	vld [tilespmem:s19+$0x60];
	v8 =	vmax.f32 v7, v8;
	v7 =	vmax.f32 v33, v27;
	v27 =	vmax.f32 v21, v13  }
0x308: {  	v14 =	vmin.f32 v28, v14;
	v20 =	vmax.f32 v20, v22;
	v23 =	vmax.f32 v63, v25;
	v16 =	vld [tilespmem:s19+$0x40]  }
0x309: {  	v22 =	vmin.f32 v63, v25;
	v6 =	vmax.f32 v34, v35;
	v21 =	vmin.f32 v34, v35  }
0x30a: {  	v13 =	vmax.f32 v27, v32;
	v8 =	vmax.f32 v8, v14;
	v22 =	vmax.f32 v20, v22  }
0x30b: {  	v20 =	vmin.f32 v24, v62;
	v8 =	vmax.f32 v8, v21;
	v21 =	vmax.f32 v24, v62  }
0x30c: {  	s18 =	simm.s32 $0x0;
	s19 =	simm.s32 $0x4380;
	v24 =	vmin.f32 v27, v32;
	v5 =	vmax.f32 v15, v9;
	v14 =	vmin.f32 v19, v18  }
.LBB2_28:
0x30d: {  	v25 =	vld [tilespmem:s19+$0xFFFFFF10];
	s18 =	sadd.s32 $0x10, s18;
	v26 =	vmin.f32 v13, v16;
	v18 =	vmax.f32 v19, v18;
	v9 =	vmin.f32 v15, v9  }
0x30e: {  	v19 =	vmax.f32 v10, v11;
	v15 =	vld [tilespmem:s19+$0xFFFFFF50];
	p0 =	slt.u32 s18, $0x1F0;
	v27 =	vmax.f32 v23, v9;
	v9 =	vmin.f32 v23, v9  }
0x30f: {  	v10 =	vmin.f32 v10, v11;
	v11 =	vmax.f32 v19, v24;
	v23 =	vld [tilespmem:s19+$0xFFFFFF70];
	v22 =	vmax.f32 v22, v9  }
0x310: {  	v9 =	vmin.f32 v19, v24;
	v19 =	vmax.f32 v11, v26;
	v11 =	vmin.f32 v11, v26;
	v28 =	vld [tilespmem:s19+$0xFFFFFF40]  }
0x311: {  	v10 =	vmax.f32 v12, v10;
	v12 =	vmax.f32 v21, v17;
	v17 =	vmin.f32 v21, v17;
	v24 =	vld [tilespmem:s19+$0xFFFFFF30]  }
0x312: {  	v3 =	vmax.f32 v3, v20;
	v20 =	vmin.f32 v12, v14;
	v21 =	vld [tilespmem:s19+$0xFFFFFF00];
	v26 =	vmax.f32 v7, v25  }
0x313: {  	v3 =	vmax.f32 v3, v17;
	v9 =	vmax.f32 v10, v9;
	v7 =	vmin.f32 v7, v25;
	v25 =	vld [tilespmem:s19+$0xFFFFFF20]  }
0x314: {  	v30 =	vmax.f32 v12, v14;
	v3 =	vmax.f32 v3, v20;
	v29 =	vmax.f32 v9, v11;
	v17 =	vld [tilespmem:s19+$0x10]  }
0x315: {  	v12 =	vmax.f32 v6, v7;
	v6 =	vmin.f32 v6, v7;
	v7 =	vmax.f32 v13, v16;
	v14 =	vld [tilespmem:s19+$0xFFFFFF60]  }
0x316: {  	v11 =	vmax.f32 v5, v24;
	v13 =	vmin.f32 v5, v24;
	v9 =	vld [tilespmem:s19+$0x70]  }
0x317: {  	v6 =	vmax.f32 v8, v6;
	v16 =	vmax.f32 v7, v21;
	v8 =	vmin.f32 v11, v23  }
0x318: {  	v5 =	vmin.f32 v7, v21;
	v20 =	vmax.f32 v18, v25;
	v21 =	vmin.f32 v18, v25;
	v7 =	vld [tilespmem:s19+$0x30]  }
0x319: {  	v24 =	vmax.f32 v27, v13;
	v10 =	vmax.f32 v19, v5;
	v18 =	vmin.f32 v26, v15;
	v25 =	vld [tilespmem:s19+$0x50]  }
0x31a: {  	v23 =	vmax.f32 v11, v23;
	v31 =	vmin.f32 v30, v21;
	v32 =	vmax.f32 v12, v18  }
0x31b: {  	v11 =	vmin.f32 v16, v28;
	v3 =	vmax.f32 v3, v31;
	v31 =	vmax.f32 v20, v14;
	v33 =	vld [tilespmem:s19+$0x20]  }
0x31c: {  	v19 =	vmin.f32 v19, v5;
	v5 =	vmax.f32 v26, v15;
	v18 =	vmin.f32 v12, v18  }
0x31d: {  	v34 =	vmax.f32 v5, v17;
	v17 =	vmin.f32 v5, v17;
	v26 =	vld [tilespmem:s19+$0x0];
	v15 =	vmax.f32 v23, v7  }
0x31e: {  	v35 =	vmax.f32 v32, v17;
	v36 =	vmin.f32 v34, v25;
	v5 =	vmax.f32 v15, v9  }
0x31f: {  	v12 =	vmax.f32 v29, v19;
	v29 =	vmax.f32 v6, v18;
	v6 =	vmax.f32 v35, v36;
	v18 =	vld [tilespmem:s19+$0x60]  }
0x320: {  	v37 =	vmin.f32 v23, v7;
	v7 =	vmax.f32 v34, v25;
	v19 =	vmax.f32 v31, v33  }
0x321: {  	v25 =	vmax.f32 v16, v28;
	v16 =	vmin.f32 v32, v17;
	v28 =	vmin.f32 v35, v36  }
0x322: {  	v17 =	vmin.f32 v27, v13;
	v27 =	vmax.f32 v29, v16;
	v13 =	vmax.f32 v25, v26  }
.Ltmp17:
0x323: {  	v20 =	vmin.f32 v20, v14;
	v22 =	vmax.f32 v22, v17;
	v17 =	vmin.f32 v31, v33;
	v16 =	vld [tilespmem:s19+$0x40];
	(pc) =	sbr.rel @p0 .LBB2_28-.Ltmp17, $4  }
0x324: {  	v29 =	vmax.f32 v24, v8;
	v8 =	vmin.f32 v24, v8;
	v14 =	vmin.f32 v19, v18  }
0x325: {  	v8 =	vmax.f32 v22, v8;
	v23 =	vmax.f32 v29, v37;
	v22 =	vmin.f32 v29, v37  }
0x326: {  	v24 =	vmax.f32 v30, v21;
	v22 =	vmax.f32 v8, v22;
	v8 =	vmax.f32 v27, v28  }
0x327: {  	v21 =	vmax.f32 v24, v20;
	v20 =	vmin.f32 v24, v20;
	v24 =	vmin.f32 v25, v26;
	s19 =	sadd.s32 $0x200, s19  }
0x328: {  	v25 =	vmin.f32 v13, v16  }
0x329: {  	v9 =	vmin.f32 v15, v9;
	v15 =	vmax.f32 v19, v18;
	v45 =	vmax.f32 v10, v11  }
0x32a: {  	v10 =	vmin.f32 v10, v11;
	v48 =	vmax.f32 v13, v16;
	v13 =	vmin.f32 v21, v17  }
0x32b: {  	v3 =	vmax.f32 v3, v20;
	v46 =	vmax.f32 v23, v9;
	v9 =	vmin.f32 v23, v9  }
0x32c: {  	v11 =	vmax.f32 v45, v24;
	v10 =	vmax.f32 v12, v10;
	v12 =	vmax.f32 v21, v17  }
0x32d: {  	v49 =	vmax.f32 v48, v7;
	v3 =	vmax.f32 v3, v13;
	v13 =	vmin.f32 v48, v6  }
0x32e: {  	v22 =	vmax.f32 v22, v9;
	v9 =	vmin.f32 v45, v24;
	v47 =	vmax.f32 v11, v25  }
0x32f: {  	v11 =	vmin.f32 v11, v25;
	v50 =	vmin.f32 v12, v14;
	v51 =	vmax.f32 v49, v15  }
0x330: {  	v14 =	vmax.f32 v12, v14;
	v9 =	vmax.f32 v10, v9;
	v10 =	vmax.f32 v51, v5  }
0x331: {  	v12 =	vmin.f32 v47, v7;
	v20 =	vmax.f32 v3, v50;
	v52 =	vmax.f32 v9, v11  }
0x332: {  	v9 =	vmax.f32 v47, v6;
	(xrf0) =	vmax.scan.msk.f32 $0xffff, v10;
	v11 =	vmin.f32 v48, v7;
	v12 =	vmax.f32 v12, v13  }
0x333: {  	v13 =	vmin.f32 v49, v14;
	v9 =	vmax.f32 v9, v11;
	v11 =	vmax.f32 v52, v8  }
0x334: {  	v3 =	vmax.f32 v11, v12;
	v11 =	vmax.f32 v9, v14;
	v9 =	vmin.f32 v9, v15  }
0x335: {  	v9 =	vmax.f32 v9, v13;
	_ =	sdelay $0x1  }
0x336: {  	v53 =	vmin.f32 v51, v46;
	v12 =	vmin.f32 v49, v15;
	v3 =	vmax.f32 v3, v20  }
0x337: {  	v11 =	vmax.f32 v11, v12;
	v13 =	vmin.f32 v51, v5;
	v3 =	vmax.f32 v3, v9;
	v9, _, _ =	vpop (xrf0)  }
0x338: {  	v12 =	vmax.f32 v11, v46;
	v11 =	vmin.f32 v11, v5;
	v9 =	vbroadcast v9, $0xF  }
0x339: {  	v12 =	vmax.f32 v12, v13;
	v3 =	vmax.f32 v3, v22;
	v11 =	vmax.f32 v11, v53  }
0x33a: {  	v3 =	vmax.f32 v3, v11;
	vm0 =	vlt.f32 v10, v9;
	vm1 =	vlt.f32 v12, v9  }
0x33b: {  	vm5 =	vlt.f32 v3, v9;
	v11 =	vnsel vm0, $0xBF800000, v10;
	v13 =	vnsel vm1, $0xBF800000, v12  }
0x33c: {  	v54 =	vnsel vm5, $0xBF800000, v3;
	v55 =	vmax.f32 v11, v13  }
0x33d: {  	v21 =	vmax.f32 v55, v54  }
0x33e: {  	(xrf0) =	vmax.scan.msk.f32 $0xffff, v21;
	_ =	sdelay $0x5  }
0x33f: {  	v21, _, _ =	vpop (xrf0)  }
0x340: {  	vm6 =	veq.f32 v10, v9;
	v10 =	vbroadcast v21, $0xF  }
0x341: {  	vm7 =	veq.f32 v12, v9;
	vm10 =	veq.f32 v3, v9;
	v12 =	vsel vm6, $0x3F800000, v0  }
0x342: {  	v56 =	vsel vm7, $0x3F800000, v0;
	vm8 =	veq.f32 v11, v10;
	vm9 =	veq.f32 v13, v10  }
0x343: {  	v12 =	vadd.f32 v56, v12;
	v57 =	vsel vm8, $0x3F800000, v0;
	v3 =	vsel vm9, $0x3F800000, v0  }
0x344: {  	v58 =	vsel vm10, $0x3F800000, v0;
	vm11 =	veq.f32 v54, v10;
	v3 =	vadd.f32 v3, v57  }
0x345: {  	v12 =	vadd.f32 v12, v58;
	v59 =	vsel vm11, $0x3F800000, v0  }
0x346: {  	v3 =	vadd.f32 v3, v59  }
0x347: {  	(xrf2) =	vadd.scan.msk.f32 $0xffff, v12  }
0x348: {  	(xrf2) =	vadd.scan.msk.f32 $0xffff, v3;
	_ =	sdelay $0x2  }
0x349: {  	vm12 =	vlt.f32 v11, v10;
	vm13 =	vlt.f32 v13, v10  }
0x34a: {  	vm14 =	vlt.f32 v54, v10;
	v3 =	vnsel vm12, $0xBF800000, v11;
	v11 =	vnsel vm13, $0xBF800000, v13  }
0x34b: {  	v12 =	vnsel vm14, $0xBF800000, v54;
	v3 =	vmax.f32 v3, v11  }
0x34c: {  	v3 =	vmax.f32 v3, v12  }
0x34d: {  	(xrf0) =	vmax.scan.msk.f32 $0xffff, v3;
	_ =	sdelay $0x1  }
0x34e: {  	v3, _, _ =	vpop (xrf2)  }
0x34f: {  	v11, _, _ =	vpop (xrf2)  }
0x350: {  	v13 =	vbroadcast v3, $0xF;
	v12 =	vbroadcast v11, $0xF;
	_ =	sdelay $0x1  }
0x351: {  	v3, _, _ =	vpop (xrf0);
	v60 =	vadd.f32 v12, v13  }
0x352: {  	v11 =	vbroadcast v3, $0xF  }
0x353: {  	vm15 =	vge.f32 v60, $3.000000000e+00  }
0x354: {  	vm4 =	vge.f32 v13, $3.000000000e+00;
	v3 =	vsel vm15, v10, v11  }
0x355: {  	v3 =	vsel vm4, v9, v3  }
0x356: {  	vm5 =	vge.f32 v48, v3;
	vm1 =	vge.f32 v47, v3  }
0x357: {  	vm6 =	vge.f32 v52, v3;
	v16 =	vsel vm5, $0x1, v1;
	v61 =	vsel vm1, $0x1, v1  }
0x358: {  	vm7 =	vge.f32 v7, v3;
	v62 =	vsel vm6, $0x1, v1;
	v16 =	vadd.s32 v61, v16  }
0x359: {  	vm8 =	vge.f32 v6, v3;
	v63 =	vsel vm7, $0x1, v1;
	v7 =	vadd.s32 v62, v16  }
0x35a: {  	vm9 =	vge.f32 v8, v3;
	v6 =	vadd.s32 v63, v7;
	v7 =	vsel vm8, $0x1, v1  }
0x35b: {  	vm10 =	vge.f32 v15, v3;
	v6 =	vadd.s32 v7, v6;
	v7 =	vsel vm9, $0x1, v1  }
0x35c: {  	vm11 =	vge.f32 v14, v3;
	v8 =	vsel vm10, $0x1, v1;
	v6 =	vadd.s32 v7, v6  }
0x35d: {  	vm12 =	vge.f32 v20, v3;
	v6 =	vadd.s32 v8, v6;
	v8 =	vsel vm11, $0x1, v1  }
0x35e: {  	vm13 =	vge.f32 v5, v3;
	v6 =	vadd.s32 v8, v6;
	v8 =	vsel vm12, $0x1, v1  }
0x35f: {  	vm14 =	vge.f32 v46, v3;
	v5 =	vadd.s32 v8, v6;
	v6 =	vsel vm13, $0x1, v1  }
0x360: {  	vm15 =	vge.f32 v22, v3;
	v5 =	vadd.s32 v6, v5;
	v6 =	vsel vm14, $0x1, v1  }
0x361: {  	v7 =	vadd.s32 v7, v62;
	v5 =	vadd.s32 v6, v5;
	v6 =	vsel vm15, $0x1, v1  }
0x362: {  	v7 =	vadd.s32 v8, v7;
	v5 =	vadd.s32 v6, v5  }
0x363: {  	v6 =	vadd.s32 v6, v7;
	(xrf0) =	vadd.scan.msk.s32 $0xffff, v5  }
0x364: {  	(xrf0) =	vadd.scan.msk.s32 $0xffff, v6;
	_ =	sdelay $0x4  }
0x365: {  	v5, _, _ =	vpop (xrf0)  }
0x366: {  	(v2sf) =	vpush v5, $0xF;
	v5, _, _ =	vpop (xrf0)  }
0x367: {  	(v2sf) =	vpush v5, $0xF;
	_ =	sdelay $0xd  }
0x368: {  	(erf) = vrcp.f32 v4;
	s18 =	spop (v2sf)  }
0x369: {  	s19 =	spop (v2sf)  }
0x36a: {  	p0 =	sgt.s32 s19, $0x0  }
0x36b: {  	p1 =	seq.s32 @!p0 s18, $0x3  }
0x36c: {  	p1 =	por p0, !p1  }
.Ltmp18:
0x36d: {  	_ = 	snop;
	(pc) =	sbr.rel @p1 .LBB2_31-.Ltmp18, $2  }
0x36e: {  	_ =	sdelay $0x2  }
0x36f: {  	v4 =	vpop (erf)  }
0x370: {  	v5 =	vmin.f32 v13, $3.000000000e+00  }
0x371: {  	v6 =	vsub.f32 $3.000000000e+00, v5;
	_ =	sdelay $0x1  }
0x372: {  	v7 =	vclamp.gez.f32 v12, v6  }
0x373: {  	v7 =	vmin.f32 v7, $3.000000000e+00  }
.Ltmp19:
0x374: {  	v5 =	vmul.f32 v5, v9;
	v6 =	vsub.f32 v6, v7;
	v7 =	vmul.f32 v7, v10;
	(pc) =	sbr.rel .LBB2_34-.Ltmp19, $3  }
0x375: {  	_ = 	snop  }
0x376: {  	v5 =	vadd.f32 v7, v5;
	v6 =	vmul.f32 v6, v11;
	_ =	sdelay $0x1  }
0x377: {  	v5 =	vadd.f32 v6, v5  }
.LBB2_31:
0x378: {  	s19 =	simm.s32 $0x4180  }
0x379: {  	s19 =	simm.s32 @p0 $0x4180  }
0x37a: {  	v5 =	vld [tilespmem:s19+$0xFFFFFF00]  }
0x37b: {  	v8 =	vld [tilespmem:s19+$0x10]  }
0x37c: {  	v11 =	vld [tilespmem:s19+$0xFFFFFF60]  }
0x37d: {  	v9 =	vld [tilespmem:s19+$0x0]  }
0x37e: {  	v12 =	vld [tilespmem:s19+$0xFFFFFF50]  }
0x37f: {  	v13 =	vld [tilespmem:s19+$0xFFFFFF40]  }
0x380: {  	v16 =	vld [tilespmem:s19+$0xFFFFFF20]  }
0x381: {  	v6 =	vpsel p0, $0x0, v0;
	v10 =	vpsel p0, $0x0, v0;
	v18 =	vpsel p0, $0x0, v0;
	s18 =	simm.s32 $0xFFFFFFF0;
	v15 =	vld [tilespmem:s19+$0xFFFFFF10]  }
0x382: {  	s18 =	simm.s32 @p0 $0xFFFFFFF0;
	v21 =	vld [tilespmem:s19+$0xFFFFFF70];
	vm0 =	vge.f32 v5, v3;
	vm1 =	vge.f32 v9, v3;
	vm2 =	vge.f32 v11, v3  }
0x383: {  	v7 =	vld [tilespmem:s19+$0xFFFFFF30];
	s18 =	sadd.s32 $0x10, s18;
	v5 =	vnsel vm0, $0x0, v5;
	vm0 =	vge.f32 v8, v3;
	v22 =	vnsel vm1, $0x0, v9  }
0x384: {  	p0 =	slt.u32 s18, $0x1F0;
	vm1 =	vge.f32 v13, v3;
	v17 =	vadd.f32 v5, v18;
	v5 =	vnsel vm0, $0x0, v8;
	v8 =	vld [tilespmem:s19+$0x60]  }
.Ltmp20:
0x385: {  	v14 =	vld [tilespmem:s19+$0x40];
	vm0 =	vge.f32 v12, v3;
	v13 =	vnsel vm1, $0x0, v13;
	vm1 =	vge.f32 v16, v3;
	(pc) =	sbr.rel @!p0 .LBB2_33-.Ltmp20, $4  }
0x386: {  	v9 =	vld [tilespmem:s19+$0x30];
	v12 =	vnsel vm0, $0x0, v12;
	vm0 =	vge.f32 v15, v3;
	v20 =	vnsel vm1, $0x0, v16  }
0x387: {  	vm1 =	vge.f32 v21, v3;
	v19 =	vnsel vm0, $0x0, v15;
	v23 =	vadd.f32 v13, v17;
	v15 =	vld [tilespmem:s19+$0x20]  }
0x388: {  	v16 =	vld [tilespmem:s19+$0x50];
	vm0 =	vge.f32 v7, v3;
	v17 =	vnsel vm2, $0x0, v11;
	v13 =	vnsel vm1, $0x0, v21  }
0x389: {  	v11 =	vld [tilespmem:s19+$0x70];
	s19 =	sadd.s32 $0x200, s19;
	v19 =	vadd.f32 v19, v18;
	v18 =	vadd.f32 v22, v23;
	vm1 =	vge.f32 v8, v3  }
.LBB2_32:
0x38a: {  	v21 =	vld [tilespmem:s19+$0xFFFFFF00];
	s18 =	sadd.s32 $0x10, s18;
	v10 =	vadd.f32 v20, v10;
	vm2 =	vge.f32 v14, v3;
	v20 =	vnsel vm1, $0x0, v8  }
0x38b: {  	v12 =	vadd.f32 v12, v19;
	v8 =	vld [tilespmem:s19+$0x10];
	p0 =	slt.u32 s18, $0x1F0;
	vm1 =	vge.f32 v9, v3;
	v14 =	vnsel vm2, $0x0, v14  }
0x38c: {  	v7 =	vnsel vm0, $0x0, v7;
	v19 =	vld [tilespmem:s19+$0xFFFFFF60];
	v10 =	vadd.f32 v17, v10;
	vm0 =	vge.f32 v15, v3  }
0x38d: {  	v12 =	vadd.f32 v5, v12;
	v5 =	vadd.f32 v14, v18;
	v17 =	vld [tilespmem:s19+$0x0];
	vm2 =	vge.f32 v16, v3  }
0x38e: {  	v6 =	vadd.f32 v7, v6;
	v9 =	vnsel vm1, $0x0, v9;
	v7 =	vnsel vm0, $0x0, v15;
	v14 =	vld [tilespmem:s19+$0xFFFFFF50]  }
0x38f: {  	v16 =	vnsel vm2, $0x0, v16;
	vm1 =	vge.f32 v11, v3;
	vm0 =	vge.f32 v21, v3;
	v15 =	vld [tilespmem:s19+$0xFFFFFF40]  }
0x390: {  	v6 =	vadd.f32 v13, v6;
	v10 =	vadd.f32 v7, v10;
	v18 =	vnsel vm0, $0x0, v21;
	v21 =	vld [tilespmem:s19+$0xFFFFFF10]  }
0x391: {  	v11 =	vnsel vm1, $0x0, v11;
	vm0 =	vge.f32 v8, v3;
	v13 =	vadd.f32 v18, v5;
	v18 =	vld [tilespmem:s19+$0xFFFFFF20]  }
0x392: {  	v16 =	vadd.f32 v16, v12;
	v5 =	vnsel vm0, $0x0, v8;
	v7 =	vld [tilespmem:s19+$0xFFFFFF30];
	vm1 =	vge.f32 v17, v3  }
0x393: {  	v6 =	vadd.f32 v9, v6;
	vm0 =	vge.f32 v14, v3;
	v22 =	vld [tilespmem:s19+$0xFFFFFF70];
	v23 =	vnsel vm1, $0x0, v17  }
0x394: {  	v10 =	vadd.f32 v20, v10;
	vm1 =	vge.f32 v15, v3;
	v12 =	vnsel vm0, $0x0, v14;
	v8 =	vld [tilespmem:s19+$0x60]  }
.Ltmp21:
0x395: {  	v6 =	vadd.f32 v11, v6;
	vm0 =	vge.f32 v21, v3;
	v15 =	vnsel vm1, $0x0, v15;
	v14 =	vld [tilespmem:s19+$0x40];
	(pc) =	sbr.rel @p0 .LBB2_32-.Ltmp21, $4  }
0x396: {  	vm2 =	vge.f32 v19, v3;
	v11 =	vnsel vm0, $0x0, v21;
	vm1 =	vge.f32 v18, v3;
	v9 =	vld [tilespmem:s19+$0x30]  }
0x397: {  	v17 =	vnsel vm2, $0x0, v19;
	v21 =	vadd.f32 v15, v13;
	vm0 =	vge.f32 v7, v3;
	v15 =	vld [tilespmem:s19+$0x20]  }
0x398: {  	v19 =	vadd.f32 v11, v16;
	v20 =	vnsel vm1, $0x0, v18;
	vm1 =	vge.f32 v22, v3;
	v16 =	vld [tilespmem:s19+$0x50]  }
0x399: {  	v18 =	vadd.f32 v23, v21;
	v13 =	vnsel vm1, $0x0, v22;
	vm1 =	vge.f32 v8, v3;
	v11 =	vld [tilespmem:s19+$0x70];
	s19 =	sadd.s32 $0x200, s19  }
.LBB2_33:
0x39a: {  	v10 =	vadd.f32 v20, v10;
	vm2 =	vge.f32 v14, v3;
	v7 =	vnsel vm0, $0x0, v7  }
0x39b: {  	v12 =	vadd.f32 v12, v19;
	v14 =	vnsel vm2, $0x0, v14;
	vm12 =	vge.f32 v9, v3  }
0x39c: {  	v6 =	vadd.f32 v7, v6;
	v10 =	vadd.f32 v17, v10;
	vm13 =	vge.f32 v15, v3  }
0x39d: {  	v61 =	vadd.f32 v14, v18;
	v5 =	vadd.f32 v5, v12;
	vm14 =	vge.f32 v16, v3  }
0x39e: {  	v7 =	vnsel vm13, $0x0, v15;
	v6 =	vadd.f32 v13, v6;
	v62 =	vnsel vm14, $0x0, v16  }
0x39f: {  	v9 =	vnsel vm12, $0x0, v9;
	v7 =	vadd.f32 v7, v10;
	v5 =	vadd.f32 v62, v5  }
0x3a0: {  	v8 =	vnsel vm1, $0x0, v8;
	v6 =	vadd.f32 v9, v6  }
0x3a1: {  	vm15 =	vge.f32 v11, v3;
	v7 =	vadd.f32 v8, v7;
	v5 =	vadd.f32 v5, v61  }
0x3a2: {  	v63 =	vnsel vm15, $0x0, v11  }
0x3a3: {  	v6 =	vadd.f32 v63, v6;
	v5 =	vadd.f32 v7, v5;
	_ =	sdelay $0x1  }
0x3a4: {  	v5 =	vadd.f32 v6, v5;
	_ =	sdelay $0x1  }
0x3a5: {  	(xrf2) =	vadd.scan.msk.f32 $0xffff, v5;
	_ =	sdelay $0x9  }
0x3a6: {  	v5, _, _ =	vpop (xrf2)  }
0x3a7: {  	v5 =	vbroadcast v5, $0xF  }
.LBB2_34:
0x3a8: {  	_ =	swait.ge [sflag:s14], $0x4000  }
0x3a9: {  	[sflag:s14] =	ssyncset.done $0x0  }
0x3aa: {  	s23 =	simm.s32 $0x4100;
	[sflag:s14] =	ssyncadd.s32 $0xFFFFC000  }
0x3ab: {  	v6 =	vld [tilespmem:s23+$0x40];
	_ =	sdelay $0x3  }
0x3ac: {  	v7 =	vld [tilespmem:s23+$0xFFFFFF00]  }
0x3ad: {  	v8 =	vld [tilespmem:s23+$0xFFFFFF40];
	v9 =	vmul.f32 v6, v4  }
0x3ae: {  	v10 =	vld [tilespmem:s23+$0x0];
	vm0 =	vge.f32 v6, v2  }
0x3af: {  	s18 =	simm.s32 $0x8100;
	v6 =	vnsel vm0, $0x0, v9  }
0x3b0: {  	[tilespmem:s18+$0x40] =	vst v6  }
0x3b1: {  	v6 =	vmul.f32 v7, v4;
	v9 =	vld [tilespmem:s23+$0x50]  }
0x3b2: {  	v11 =	vmul.f32 v8, v4;
	vm0 =	vge.f32 v7, v2  }
0x3b3: {  	vm1 =	vge.f32 v8, v2;
	v7 =	vmul.f32 v10, v4;
	v6 =	vnsel vm0, $0x0, v6  }
0x3b4: {  	v8 =	vnsel vm1, $0x0, v11;
	vm0 =	vge.f32 v10, v2;
	[tilespmem:s18+$0xFFFFFF00] =	vst v6  }
0x3b5: {  	[tilespmem:s18+$0xFFFFFF40] =	vst v8;
	v6 =	vnsel vm0, $0x0, v7;
	v7 =	vld [tilespmem:s23+$0xFFFFFF10]  }
0x3b6: {  	v8 =	vld [tilespmem:s23+$0xFFFFFF50];
	[tilespmem:s18+$0x0] =	vst v6;
	v6 =	vmul.f32 v9, v4  }
0x3b7: {  	s20 =	simm.s32 $0x4300;
	v10 =	vld [tilespmem:s23+$0x10];
	vm0 =	vge.f32 v9, v2  }
0x3b8: {  	v9 =	vld [tilespmem:s20+$0x40];
	v6 =	vnsel vm0, $0x0, v6  }
0x3b9: {  	[tilespmem:s18+$0x50] =	vst v6  }
0x3ba: {  	v6 =	vmul.f32 v7, v4;
	v11 =	vld [tilespmem:s23+$0x60]  }
0x3bb: {  	v12 =	vld [tilespmem:s20+$0xFFFFFF40];
	v13 =	vmul.f32 v8, v4;
	vm0 =	vge.f32 v7, v2  }
0x3bc: {  	vm1 =	vge.f32 v8, v2;
	v8 =	vld [tilespmem:s20+$0xFFFFFF00];
	v7 =	vmul.f32 v10, v4;
	v6 =	vnsel vm0, $0x0, v6  }
0x3bd: {  	v14 =	vld [tilespmem:s20+$0x0];
	v13 =	vnsel vm1, $0x0, v13;
	vm0 =	vge.f32 v10, v2;
	v10 =	vmul.f32 v9, v4;
	[tilespmem:s18+$0xFFFFFF10] =	vst v6  }
0x3be: {  	[tilespmem:s18+$0xFFFFFF50] =	vst v13;
	v6 =	vnsel vm0, $0x0, v7;
	vm0 =	vge.f32 v9, v2;
	v7 =	vld [tilespmem:s23+$0xFFFFFF20]  }
0x3bf: {  	s19 =	simm.s32 $0x8300;
	v9 =	vld [tilespmem:s23+$0xFFFFFF60];
	[tilespmem:s18+$0x10] =	vst v6;
	v6 =	vnsel vm0, $0x0, v10;
	v10 =	vmul.f32 v11, v4  }
0x3c0: {  	v13 =	vmul.f32 v12, v4;
	v15 =	vld [tilespmem:s23+$0x20];
	[tilespmem:s19+$0x40] =	vst v6;
	vm0 =	vge.f32 v11, v2  }
0x3c1: {  	s21 =	simm.s32 $0x4500;
	vm1 =	vge.f32 v12, v2;
	v6 =	vmul.f32 v8, v4;
	v11 =	vld [tilespmem:s20+$0x50];
	v10 =	vnsel vm0, $0x0, v10  }
0x3c2: {  	v62 =	vld [tilespmem:s21+$0xFFFFFF40];
	v12 =	vmul.f32 v14, v4;
	vm0 =	vge.f32 v8, v2;
	v8 =	vnsel vm1, $0x0, v13;
	[tilespmem:s18+$0x60] =	vst v10  }
0x3c3: {  	vm1 =	vge.f32 v14, v2;
	v6 =	vnsel vm0, $0x0, v6;
	[tilespmem:s19+$0xFFFFFF40] =	vst v8;
	v8 =	vmul.f32 v7, v4;
	v10 =	vld [tilespmem:s23+$0x70]  }
0x3c4: {  	v12 =	vnsel vm1, $0x0, v12;
	vm0 =	vge.f32 v7, v2;
	[tilespmem:s19+$0xFFFFFF00] =	vst v6;
	v6 =	vld [tilespmem:s20+$0xFFFFFF50]  }
0x3c5: {  	v7 =	vmul.f32 v9, v4;
	[tilespmem:s19+$0x0] =	vst v12;
	v13 =	vld [tilespmem:s20+$0xFFFFFF10];
	v8 =	vnsel vm0, $0x0, v8  }
0x3c6: {  	v12 =	vmul.f32 v15, v4;
	v14 =	vld [tilespmem:s20+$0x10];
	v16 =	vmul.f32 v11, v4;
	vm0 =	vge.f32 v9, v2;
	[tilespmem:s18+$0xFFFFFF20] =	vst v8  }
0x3c7: {  	vm1 =	vge.f32 v15, v2;
	vm2 =	vge.f32 v11, v2;
	v7 =	vnsel vm0, $0x0, v7;
	v8 =	vld [tilespmem:s23+$0xFFFFFF30]  }
0x3c8: {  	v11 =	vld [tilespmem:s21+$0x40];
	v9 =	vnsel vm1, $0x0, v12;
	v12 =	vnsel vm2, $0x0, v16;
	[tilespmem:s18+$0xFFFFFF60] =	vst v7  }
0x3c9: {  	[tilespmem:s19+$0x50] =	vst v12;
	v12 =	vld [tilespmem:s21+$0x0];
	v15 =	vmul.f32 v10, v4;
	vm0 =	vge.f32 v6, v2;
	v6 =	vmul.f32 v6, v4  }
0x3ca: {  	[tilespmem:s18+$0x20] =	vst v9;
	vm1 =	vge.f32 v10, v2;
	v10 =	vld [tilespmem:s20+$0x60];
	vm2 =	vge.f32 v13, v2;
	v7 =	vmul.f32 v13, v4  }
0x3cb: {  	v17 =	vld [tilespmem:s23+$0x30];
	v13 =	vmul.f32 v14, v4;
	v9 =	vnsel vm1, $0x0, v15;
	v6 =	vnsel vm0, $0x0, v6  }
0x3cc: {  	vm0 =	vge.f32 v14, v2;
	v14 =	vld [tilespmem:s21+$0xFFFFFF00];
	v7 =	vnsel vm2, $0x0, v7;
	[tilespmem:s19+$0xFFFFFF50] =	vst v6;
	vm1 =	vge.f32 v8, v2  }
0x3cd: {  	v6 =	vmul.f32 v8, v4;
	v8 =	vmul.f32 v11, v4;
	v13 =	vnsel vm0, $0x0, v13;
	[tilespmem:s19+$0xFFFFFF10] =	vst v7;
	v7 =	vld [tilespmem:s20+$0xFFFFFF60]  }
0x3ce: {  	v15 =	vmul.f32 v62, v4;
	vm0 =	vge.f32 v62, v2;
	vm2 =	vge.f32 v11, v2;
	[tilespmem:s19+$0x10] =	vst v13;
	v11 =	vld [tilespmem:s20+$0xFFFFFF20]  }
0x3cf: {  	s22 =	simm.s32 $0x8500;
	[tilespmem:s18+$0x70] =	vst v9;
	v8 =	vnsel vm2, $0x0, v8;
	v13 =	vld [tilespmem:s20+$0x20];
	v9 =	vmul.f32 v10, v4;
	v6 =	vnsel vm1, $0x0, v6  }
0x3d0: {  	vm1 =	vge.f32 v12, v2;
	v12 =	vmul.f32 v12, v4;
	vm2 =	vge.f32 v10, v2;
	[tilespmem:s22+$0x40] =	vst v8;
	v8 =	vld [tilespmem:s23+$0xFFFFFF70]  }
0x3d1: {  	[tilespmem:s18+$0xFFFFFF30] =	vst v6;
	v6 =	vnsel vm0, $0x0, v15;
	v10 =	vmul.f32 v14, v4;
	v63 =	vld [tilespmem:s21+$0x50];
	v9 =	vnsel vm2, $0x0, v9  }
0x3d2: {  	vm3 =	vge.f32 v14, v2;
	v14 =	vnsel vm1, $0x0, v12;
	[tilespmem:s19+$0x60] =	vst v9;
	v15 =	vmul.f32 v7, v4  }
0x3d3: {  	[tilespmem:s22+$0xFFFFFF40] =	vst v6;
	v9 =	vnsel vm3, $0x0, v10;
	v6 =	vld [tilespmem:s20+$0x70];
	vm1 =	vge.f32 v7, v2;
	v10 =	vmul.f32 v11, v4  }
0x3d4: {  	vm0 =	vge.f32 v11, v2;
	[tilespmem:s22+$0xFFFFFF00] =	vst v9;
	v9 =	vld [tilespmem:s21+$0xFFFFFF50];
	vm2 =	vge.f32 v13, v2;
	v7 =	vmul.f32 v13, v4  }
0x3d5: {  	[tilespmem:s22+$0x0] =	vst v14;
	v12 =	vld [tilespmem:s21+$0xFFFFFF10];
	v15 =	vnsel vm1, $0x0, v15;
	v11 =	vmul.f32 v8, v4;
	v13 =	vnsel vm0, $0x0, v10  }
0x3d6: {  	vm1 =	vge.f32 v8, v2;
	v10 =	vld [tilespmem:s21+$0x10];
	v14 =	vmul.f32 v63, v4;
	vm0 =	vge.f32 v17, v2;
	[tilespmem:s19+$0xFFFFFF20] =	vst v13  }
0x3d7: {  	s24 =	simm.s32 $0x4700;
	s23 =	simm.s32 $0x20;
	[tilespmem:s19+$0xFFFFFF60] =	vst v15;
	v13 =	vnsel vm2, $0x0, v7;
	vm2 =	vge.f32 v63, v2;
	v7 =	vmul.f32 v17, v4;
	v8 =	vld [tilespmem:s20+$0xFFFFFF30]  }
.LBB2_35:
0x3d8: {  	v15 =	vld [tilespmem:s24+$0x40];
	s23 =	sadd.s32 $0x10, s23;
	v14 =	vnsel vm2, $0x0, v14;
	[tilespmem:s19+$0x20] =	vst v13;
	v13 =	vmul.f32 v6, v4;
	v11 =	vnsel vm1, $0x0, v11  }
0x3d9: {  	vm2 =	vge.f32 v6, v2;
	v16 =	vld [tilespmem:s24+$0xFFFFFF40];
	p0 =	slt.u32 s23, $0x1F0;
	vm1 =	vge.f32 v9, v2;
	v9 =	vmul.f32 v9, v4;
	[tilespmem:s22+$0x50] =	vst v14  }
0x3da: {  	vm3 =	vge.f32 v12, v2;
	v6 =	vmul.f32 v12, v4;
	v12 =	vld [tilespmem:s21+$0x60];
	v13 =	vnsel vm2, $0x0, v13;
	[tilespmem:s18+$0xFFFFFF70] =	vst v11  }
0x3db: {  	v11 =	vld [tilespmem:s24+$0x0];
	v9 =	vnsel vm1, $0x0, v9;
	vm1 =	vge.f32 v10, v2;
	v10 =	vmul.f32 v10, v4;
	[tilespmem:s19+$0x70] =	vst v13  }
0x3dc: {  	v13 =	vld [tilespmem:s24+$0xFFFFFF00];
	v6 =	vnsel vm3, $0x0, v6;
	[tilespmem:s22+$0xFFFFFF50] =	vst v9;
	vm2 =	vge.f32 v8, v2;
	v8 =	vmul.f32 v8, v4  }
0x3dd: {  	v7 =	vnsel vm0, $0x0, v7;
	v9 =	vmul.f32 v15, v4;
	[tilespmem:s22+$0xFFFFFF10] =	vst v6;
	v14 =	vld [tilespmem:s21+$0xFFFFFF60];
	v6 =	vnsel vm1, $0x0, v10  }
0x3de: {  	vm1 =	vge.f32 v15, v2;
	vm0 =	vge.f32 v16, v2;
	v10 =	vmul.f32 v16, v4;
	v15 =	vld [tilespmem:s21+$0xFFFFFF20];
	[tilespmem:s22+$0x10] =	vst v6  }
0x3df: {  	v8 =	vnsel vm2, $0x0, v8;
	v6 =	vnsel vm1, $0x0, v9;
	v16 =	vld [tilespmem:s21+$0x20];
	v9 =	vmul.f32 v12, v4;
	[tilespmem:s18+$0x30] =	vst v7;
	s18 =	smov.u32 s19;
	s19 =	smov.u32 s22;
	s22 =	sadd.s32 $0x200, s22  }
0x3e0: {  	vm2 =	vge.f32 v12, v2;
	vm1 =	vge.f32 v11, v2;
	v7 =	vmul.f32 v11, v4;
	[tilespmem:s22+$0x40] =	vst v6;
	v17 =	vld [tilespmem:s20+$0xFFFFFF70]  }
0x3e1: {  	vm3 =	vge.f32 v13, v2;
	v6 =	vmul.f32 v13, v4;
	v18 =	vld [tilespmem:s24+$0x50];
	v9 =	vnsel vm2, $0x0, v9;
	[tilespmem:s18+$0xFFFFFF30] =	vst v8  }
0x3e2: {  	v8 =	vnsel vm0, $0x0, v10;
	v7 =	vnsel vm1, $0x0, v7;
	v10 =	vmul.f32 v14, v4;
	[tilespmem:s19+$0x60] =	vst v9;
	v19 =	vld [tilespmem:s20+$0x30];
	s20 =	smov.u32 s21;
	s21 =	smov.u32 s24  }
.Ltmp22:
0x3e3: {  	v9 =	vnsel vm3, $0x0, v6;
	[tilespmem:s22+$0xFFFFFF40] =	vst v8;
	vm0 =	vge.f32 v15, v2;
	v8 =	vmul.f32 v15, v4;
	v6 =	vld [tilespmem:s20+$0x70];
	(pc) =	sbr.rel @p0 .LBB2_35-.Ltmp22, $4  }
0x3e4: {  	vm1 =	vge.f32 v14, v2;
	[tilespmem:s22+$0xFFFFFF00] =	vst v9;
	v9 =	vld [tilespmem:s24+$0xFFFFFF50];
	vm2 =	vge.f32 v16, v2;
	v13 =	vmul.f32 v16, v4  }
0x3e5: {  	v15 =	vnsel vm1, $0x0, v10;
	v12 =	vld [tilespmem:s24+$0xFFFFFF10];
	[tilespmem:s22+$0x0] =	vst v7;
	v7 =	vnsel vm0, $0x0, v8;
	v11 =	vmul.f32 v17, v4  }
0x3e6: {  	vm1 =	vge.f32 v17, v2;
	v10 =	vld [tilespmem:s24+$0x10];
	v14 =	vmul.f32 v18, v4;
	[tilespmem:s19+$0xFFFFFF20] =	vst v7;
	v13 =	vnsel vm2, $0x0, v13  }
0x3e7: {  	vm2 =	vge.f32 v18, v2;
	s24 =	sadd.s32 $0x200, s24;
	v8 =	vld [tilespmem:s20+$0xFFFFFF30];
	[tilespmem:s19+$0xFFFFFF60] =	vst v15;
	vm0 =	vge.f32 v19, v2;
	v7 =	vmul.f32 v19, v4  }
0x3e8: {  	_ =	sdelay $0x1  }
0x3e9: {  	v14 =	vnsel vm2, $0x0, v14;
	v15 =	vmul.f32 v12, v4  }
0x3ea: {  	[tilespmem:s22+$0x50] =	vst v14;
	v14 =	vmul.f32 v9, v4;
	vm2 =	vge.f32 v12, v2  }
0x3eb: {  	vm3 =	vge.f32 v9, v2;
	v9 =	vld [tilespmem:s21+$0x60];
	v12 =	vnsel vm2, $0x0, v15;
	v15 =	vmul.f32 v10, v4  }
0x3ec: {  	v14 =	vnsel vm3, $0x0, v14;
	vm2 =	vge.f32 v10, v2;
	[tilespmem:s22+$0xFFFFFF10] =	vst v12  }
0x3ed: {  	[tilespmem:s22+$0xFFFFFF50] =	vst v14;
	v10 =	vnsel vm2, $0x0, v15;
	v12 =	vld [tilespmem:s21+$0xFFFFFF20]  }
0x3ee: {  	v14 =	vld [tilespmem:s21+$0xFFFFFF60];
	[tilespmem:s22+$0x10] =	vst v10  }
0x3ef: {  	v10 =	vld [tilespmem:s21+$0x20]  }
0x3f0: {  	v15 =	vmul.f32 v9, v4  }
0x3f1: {  	vm2 =	vge.f32 v9, v2  }
0x3f2: {  	[tilespmem:s19+$0x20] =	vst v13;
	v13 =	vnsel vm2, $0x0, v15;
	v15 =	vmul.f32 v12, v4  }
0x3f3: {  	v11 =	vnsel vm1, $0x0, v11;
	v9 =	vld [tilespmem:s20+$0xFFFFFF70];
	[tilespmem:s22+$0x60] =	vst v13;
	v13 =	vmul.f32 v14, v4;
	vm1 =	vge.f32 v12, v2  }
0x3f4: {  	[tilespmem:s18+$0xFFFFFF70] =	vst v11;
	vm2 =	vge.f32 v14, v2;
	v11 =	vld [tilespmem:s21+$0x70];
	v14 =	vnsel vm1, $0x0, v15;
	v15 =	vmul.f32 v10, v4  }
0x3f5: {  	v12 =	vld [tilespmem:s20+$0x30];
	vm1 =	vge.f32 v10, v2;
	v10 =	vnsel vm2, $0x0, v13;
	v13 =	vmul.f32 v6, v4;
	[tilespmem:s22+$0xFFFFFF20] =	vst v14  }
0x3f6: {  	vm2 =	vge.f32 v6, v2;
	[tilespmem:s22+$0xFFFFFF60] =	vst v10;
	v14 =	vnsel vm1, $0x0, v15;
	v15 =	vld [tilespmem:s21+$0xFFFFFF30]  }
0x3f7: {  	v6 =	vmul.f32 v8, v4;
	v10 =	vnsel vm2, $0x0, v13;
	vm1 =	vge.f32 v8, v2;
	v8 =	vld [tilespmem:s21+$0xFFFFFF70];
	[tilespmem:s22+$0x20] =	vst v14  }
0x3f8: {  	(erf) = vrcp.f32 v5;
	v7 =	vnsel vm0, $0x0, v7;
	[tilespmem:s19+$0x70] =	vst v10;
	v10 =	vmul.f32 v9, v4;
	v13 =	vld [tilespmem:s21+$0x30]  }
0x3f9: {  	[tilespmem:s18+$0x30] =	vst v7;
	vm0 =	vge.f32 v9, v2;
	v6 =	vnsel vm1, $0x0, v6;
	v7 =	vmul.f32 v11, v4  }
0x3fa: {  	[tilespmem:s19+$0xFFFFFF30] =	vst v6;
	v6 =	vmul.f32 v12, v4;
	v9 =	vnsel vm0, $0x0, v10;
	vm0 =	vge.f32 v11, v2  }
0x3fb: {  	vm1 =	vge.f32 v12, v2;
	v7 =	vnsel vm0, $0x0, v7;
	[tilespmem:s19+$0xFFFFFF70] =	vst v9;
	v9 =	vmul.f32 v15, v4  }
0x3fc: {  	v6 =	vnsel vm1, $0x0, v6;
	vm0 =	vge.f32 v15, v2;
	[tilespmem:s22+$0x70] =	vst v7;
	v7 =	vmul.f32 v8, v4  }
0x3fd: {  	[tilespmem:s19+$0x30] =	vst v6;
	v5 =	vnsel vm0, $0x0, v9;
	vm0 =	vge.f32 v8, v2;
	v4 =	vmul.f32 v13, v4  }
0x3fe: {  	vm1 =	vge.f32 v13, v2;
	[tilespmem:s22+$0xFFFFFF30] =	vst v5;
	v2 =	vnsel vm0, $0x0, v7  }
0x3ff: {  	[tilespmem:s22+$0xFFFFFF70] =	vst v2;
	v2 =	vnsel vm1, $0x0, v4  }
0x400: {  	s23 =	simm.s32 $0x4180;
	[tilespmem:s22+$0x30] =	vst v2  }
0x401: {  	v4 =	vld [tilespmem:s23+$0x40];
	_ =	sdelay $0x3  }
0x402: {  	v6 =	vld [tilespmem:s23+$0xFFFFFF40];
	v2 =	vpop (erf)  }
0x403: {  	v5 =	vld [tilespmem:s23+$0xFFFFFF00];
	v7 =	vmul.f32 v4, v2  }
0x404: {  	v8 =	vld [tilespmem:s23+$0x0];
	vm0 =	vge.f32 v4, v3  }
0x405: {  	s18 =	simm.s32 $0x8180;
	v4 =	vnsel vm0, $0x0, v7  }
0x406: {  	[tilespmem:s18+$0x40] =	vst v4  }
0x407: {  	v9 =	vmul.f32 v6, v2;
	v7 =	vld [tilespmem:s23+$0x50]  }
0x408: {  	vm1 =	vge.f32 v6, v3;
	v4 =	vmul.f32 v5, v2  }
0x409: {  	vm0 =	vge.f32 v5, v3;
	v6 =	vnsel vm1, $0x0, v9;
	v5 =	vmul.f32 v8, v2  }
0x40a: {  	[tilespmem:s18+$0xFFFFFF40] =	vst v6;
	v4 =	vnsel vm0, $0x0, v4;
	vm0 =	vge.f32 v8, v3  }
0x40b: {  	v6 =	vld [tilespmem:s23+$0xFFFFFF50];
	[tilespmem:s18+$0xFFFFFF00] =	vst v4;
	v4 =	vnsel vm0, $0x0, v5  }
0x40c: {  	v5 =	vld [tilespmem:s23+$0xFFFFFF10];
	[tilespmem:s18+$0x0] =	vst v4;
	v4 =	vmul.f32 v7, v2  }
0x40d: {  	s20 =	simm.s32 $0x4380;
	v8 =	vld [tilespmem:s23+$0x10];
	vm0 =	vge.f32 v7, v3  }
0x40e: {  	v7 =	vld [tilespmem:s20+$0x40];
	v4 =	vnsel vm0, $0x0, v4  }
0x40f: {  	[tilespmem:s18+$0x50] =	vst v4  }
0x410: {  	v11 =	vmul.f32 v6, v2;
	v9 =	vld [tilespmem:s23+$0x60]  }
0x411: {  	v10 =	vld [tilespmem:s20+$0xFFFFFF40];
	vm1 =	vge.f32 v6, v3;
	v4 =	vmul.f32 v5, v2  }
0x412: {  	v6 =	vld [tilespmem:s20+$0xFFFFFF00];
	v11 =	vnsel vm1, $0x0, v11;
	vm0 =	vge.f32 v5, v3;
	v5 =	vmul.f32 v8, v2  }
0x413: {  	v12 =	vld [tilespmem:s20+$0x0];
	[tilespmem:s18+$0xFFFFFF50] =	vst v11;
	v4 =	vnsel vm0, $0x0, v4;
	vm0 =	vge.f32 v8, v3;
	v8 =	vmul.f32 v7, v2  }
0x414: {  	[tilespmem:s18+$0xFFFFFF10] =	vst v4;
	v4 =	vnsel vm0, $0x0, v5;
	vm0 =	vge.f32 v7, v3  }
0x415: {  	v5 =	vld [tilespmem:s23+$0xFFFFFF20];
	[tilespmem:s18+$0x10] =	vst v4;
	v4 =	vnsel vm0, $0x0, v8;
	v8 =	vmul.f32 v9, v2  }
0x416: {  	s19 =	simm.s32 $0x8380;
	v11 =	vmul.f32 v10, v2;
	v7 =	vld [tilespmem:s23+$0xFFFFFF60];
	vm0 =	vge.f32 v9, v3  }
0x417: {  	vm1 =	vge.f32 v10, v3;
	v13 =	vld [tilespmem:s23+$0x20];
	[tilespmem:s19+$0x40] =	vst v4;
	v4 =	vmul.f32 v6, v2;
	v8 =	vnsel vm0, $0x0, v8  }
0x418: {  	v10 =	vmul.f32 v12, v2;
	v9 =	vld [tilespmem:s20+$0x50];
	vm0 =	vge.f32 v6, v3;
	v6 =	vnsel vm1, $0x0, v11;
	[tilespmem:s18+$0x60] =	vst v8  }
0x419: {  	vm1 =	vge.f32 v12, v3;
	v4 =	vnsel vm0, $0x0, v4;
	[tilespmem:s19+$0xFFFFFF40] =	vst v6;
	v8 =	vld [tilespmem:s23+$0x70]  }
0x41a: {  	v6 =	vmul.f32 v5, v2;
	v10 =	vnsel vm1, $0x0, v10;
	[tilespmem:s19+$0xFFFFFF00] =	vst v4;
	v4 =	vld [tilespmem:s20+$0xFFFFFF50]  }
0x41b: {  	vm0 =	vge.f32 v5, v3;
	[tilespmem:s19+$0x0] =	vst v10;
	v11 =	vld [tilespmem:s20+$0xFFFFFF10]  }
0x41c: {  	s21 =	simm.s32 $0x4580;
	v5 =	vmul.f32 v7, v2;
	v10 =	vmul.f32 v13, v2;
	v6 =	vnsel vm0, $0x0, v6;
	v12 =	vld [tilespmem:s20+$0x10]  }
0x41d: {  	v14 =	vmul.f32 v9, v2;
	vm0 =	vge.f32 v7, v3;
	vm2 =	vge.f32 v9, v3;
	v9 =	vld [tilespmem:s21+$0x40];
	[tilespmem:s18+$0xFFFFFF20] =	vst v6  }
0x41e: {  	vm1 =	vge.f32 v13, v3;
	v5 =	vnsel vm0, $0x0, v5;
	v6 =	vld [tilespmem:s23+$0xFFFFFF30]  }
0x41f: {  	v7 =	vnsel vm1, $0x0, v10;
	v10 =	vnsel vm2, $0x0, v14;
	v14 =	vld [tilespmem:s21+$0xFFFFFF40];
	[tilespmem:s18+$0xFFFFFF60] =	vst v5  }
0x420: {  	[tilespmem:s19+$0x50] =	vst v10;
	v10 =	vld [tilespmem:s21+$0x0];
	v13 =	vmul.f32 v8, v2;
	vm0 =	vge.f32 v4, v3;
	v4 =	vmul.f32 v4, v2  }
0x421: {  	[tilespmem:s18+$0x20] =	vst v7;
	vm1 =	vge.f32 v8, v3;
	v8 =	vld [tilespmem:s20+$0x60];
	vm2 =	vge.f32 v11, v3;
	v5 =	vmul.f32 v11, v2  }
0x422: {  	v15 =	vld [tilespmem:s23+$0x30];
	v11 =	vmul.f32 v12, v2;
	v7 =	vnsel vm1, $0x0, v13;
	v4 =	vnsel vm0, $0x0, v4  }
0x423: {  	vm0 =	vge.f32 v12, v3;
	v12 =	vld [tilespmem:s21+$0xFFFFFF00];
	v5 =	vnsel vm2, $0x0, v5;
	[tilespmem:s19+$0xFFFFFF50] =	vst v4;
	vm1 =	vge.f32 v6, v3  }
0x424: {  	v4 =	vmul.f32 v6, v2;
	v6 =	vmul.f32 v9, v2;
	v11 =	vnsel vm0, $0x0, v11;
	[tilespmem:s19+$0xFFFFFF10] =	vst v5;
	v5 =	vld [tilespmem:s20+$0xFFFFFF60]  }
0x425: {  	vm0 =	vge.f32 v14, v3;
	v13 =	vmul.f32 v14, v2;
	vm2 =	vge.f32 v9, v3;
	[tilespmem:s19+$0x10] =	vst v11;
	v9 =	vld [tilespmem:s20+$0xFFFFFF20]  }
0x426: {  	s22 =	simm.s32 $0x8580;
	[tilespmem:s18+$0x70] =	vst v7;
	v6 =	vnsel vm2, $0x0, v6;
	v11 =	vld [tilespmem:s20+$0x20];
	v7 =	vmul.f32 v8, v2;
	v4 =	vnsel vm1, $0x0, v4  }
0x427: {  	vm1 =	vge.f32 v10, v3;
	v10 =	vmul.f32 v10, v2;
	vm2 =	vge.f32 v8, v3;
	[tilespmem:s22+$0x40] =	vst v6;
	v6 =	vld [tilespmem:s23+$0xFFFFFF70]  }
0x428: {  	[tilespmem:s18+$0xFFFFFF30] =	vst v4;
	v4 =	vnsel vm0, $0x0, v13;
	v8 =	vmul.f32 v12, v2;
	v14 =	vld [tilespmem:s21+$0x50];
	v7 =	vnsel vm2, $0x0, v7  }
0x429: {  	vm3 =	vge.f32 v12, v3;
	v12 =	vnsel vm1, $0x0, v10;
	[tilespmem:s19+$0x60] =	vst v7;
	v13 =	vmul.f32 v5, v2  }
0x42a: {  	[tilespmem:s22+$0xFFFFFF40] =	vst v4;
	v7 =	vnsel vm3, $0x0, v8;
	v4 =	vld [tilespmem:s20+$0x70];
	vm1 =	vge.f32 v5, v3;
	v8 =	vmul.f32 v9, v2  }
0x42b: {  	vm0 =	vge.f32 v9, v3;
	[tilespmem:s22+$0xFFFFFF00] =	vst v7;
	v7 =	vld [tilespmem:s21+$0xFFFFFF50];
	vm2 =	vge.f32 v11, v3;
	v5 =	vmul.f32 v11, v2  }
0x42c: {  	[tilespmem:s22+$0x0] =	vst v12;
	v10 =	vld [tilespmem:s21+$0xFFFFFF10];
	v13 =	vnsel vm1, $0x0, v13;
	v9 =	vmul.f32 v6, v2;
	v11 =	vnsel vm0, $0x0, v8  }
0x42d: {  	vm1 =	vge.f32 v6, v3;
	v8 =	vld [tilespmem:s21+$0x10];
	v12 =	vmul.f32 v14, v2;
	vm0 =	vge.f32 v15, v3;
	[tilespmem:s19+$0xFFFFFF20] =	vst v11  }
0x42e: {  	s24 =	simm.s32 $0x4780;
	s23 =	simm.s32 $0x20;
	[tilespmem:s19+$0xFFFFFF60] =	vst v13;
	v11 =	vnsel vm2, $0x0, v5;
	vm2 =	vge.f32 v14, v3;
	v5 =	vmul.f32 v15, v2;
	v6 =	vld [tilespmem:s20+$0xFFFFFF30]  }
.LBB2_37:
0x42f: {  	v13 =	vld [tilespmem:s24+$0x40];
	s23 =	sadd.s32 $0x10, s23;
	v12 =	vnsel vm2, $0x0, v12;
	[tilespmem:s19+$0x20] =	vst v11;
	v11 =	vmul.f32 v4, v2;
	v9 =	vnsel vm1, $0x0, v9  }
0x430: {  	vm2 =	vge.f32 v4, v3;
	v14 =	vld [tilespmem:s24+$0xFFFFFF40];
	p0 =	slt.u32 s23, $0x1F0;
	vm1 =	vge.f32 v7, v3;
	v7 =	vmul.f32 v7, v2;
	[tilespmem:s22+$0x50] =	vst v12  }
0x431: {  	vm3 =	vge.f32 v10, v3;
	v4 =	vmul.f32 v10, v2;
	v10 =	vld [tilespmem:s21+$0x60];
	v11 =	vnsel vm2, $0x0, v11;
	[tilespmem:s18+$0xFFFFFF70] =	vst v9  }
0x432: {  	v9 =	vld [tilespmem:s24+$0x0];
	v7 =	vnsel vm1, $0x0, v7;
	vm1 =	vge.f32 v8, v3;
	v8 =	vmul.f32 v8, v2;
	[tilespmem:s19+$0x70] =	vst v11  }
0x433: {  	v11 =	vld [tilespmem:s24+$0xFFFFFF00];
	v4 =	vnsel vm3, $0x0, v4;
	[tilespmem:s22+$0xFFFFFF50] =	vst v7;
	vm2 =	vge.f32 v6, v3;
	v6 =	vmul.f32 v6, v2  }
0x434: {  	v5 =	vnsel vm0, $0x0, v5;
	v7 =	vmul.f32 v13, v2;
	[tilespmem:s22+$0xFFFFFF10] =	vst v4;
	v12 =	vld [tilespmem:s21+$0xFFFFFF60];
	v4 =	vnsel vm1, $0x0, v8  }
0x435: {  	vm1 =	vge.f32 v13, v3;
	vm0 =	vge.f32 v14, v3;
	v8 =	vmul.f32 v14, v2;
	v13 =	vld [tilespmem:s21+$0xFFFFFF20];
	[tilespmem:s22+$0x10] =	vst v4  }
0x436: {  	v6 =	vnsel vm2, $0x0, v6;
	v4 =	vnsel vm1, $0x0, v7;
	v14 =	vld [tilespmem:s21+$0x20];
	v7 =	vmul.f32 v10, v2;
	[tilespmem:s18+$0x30] =	vst v5;
	s18 =	smov.u32 s19;
	s19 =	smov.u32 s22;
	s22 =	sadd.s32 $0x200, s22  }
0x437: {  	vm2 =	vge.f32 v10, v3;
	vm1 =	vge.f32 v9, v3;
	v5 =	vmul.f32 v9, v2;
	[tilespmem:s22+$0x40] =	vst v4;
	v15 =	vld [tilespmem:s20+$0xFFFFFF70]  }
0x438: {  	vm3 =	vge.f32 v11, v3;
	v4 =	vmul.f32 v11, v2;
	v16 =	vld [tilespmem:s24+$0x50];
	v7 =	vnsel vm2, $0x0, v7;
	[tilespmem:s18+$0xFFFFFF30] =	vst v6  }
0x439: {  	v6 =	vnsel vm0, $0x0, v8;
	v5 =	vnsel vm1, $0x0, v5;
	v8 =	vmul.f32 v12, v2;
	[tilespmem:s19+$0x60] =	vst v7;
	v17 =	vld [tilespmem:s20+$0x30];
	s20 =	smov.u32 s21;
	s21 =	smov.u32 s24  }
.Ltmp23:
0x43a: {  	v7 =	vnsel vm3, $0x0, v4;
	[tilespmem:s22+$0xFFFFFF40] =	vst v6;
	vm0 =	vge.f32 v13, v3;
	v6 =	vmul.f32 v13, v2;
	v4 =	vld [tilespmem:s20+$0x70];
	(pc) =	sbr.rel @p0 .LBB2_37-.Ltmp23, $4  }
0x43b: {  	vm1 =	vge.f32 v12, v3;
	[tilespmem:s22+$0xFFFFFF00] =	vst v7;
	v7 =	vld [tilespmem:s24+$0xFFFFFF50];
	vm2 =	vge.f32 v14, v3;
	v11 =	vmul.f32 v14, v2  }
0x43c: {  	v13 =	vnsel vm1, $0x0, v8;
	v10 =	vld [tilespmem:s24+$0xFFFFFF10];
	[tilespmem:s22+$0x0] =	vst v5;
	v5 =	vnsel vm0, $0x0, v6;
	v9 =	vmul.f32 v15, v2  }
0x43d: {  	vm1 =	vge.f32 v15, v3;
	v8 =	vld [tilespmem:s24+$0x10];
	v12 =	vmul.f32 v16, v2;
	[tilespmem:s19+$0xFFFFFF20] =	vst v5;
	v11 =	vnsel vm2, $0x0, v11  }
0x43e: {  	vm2 =	vge.f32 v16, v3;
	s24 =	sadd.s32 $0x200, s24;
	v6 =	vld [tilespmem:s20+$0xFFFFFF30];
	[tilespmem:s19+$0xFFFFFF60] =	vst v13;
	vm0 =	vge.f32 v17, v3;
	v5 =	vmul.f32 v17, v2  }
0x43f: {  	_ = 	snop  }
0x440: {  	v12 =	vnsel vm2, $0x0, v12;
	v42 =	vmul.f32 v7, v2  }
0x441: {  	[tilespmem:s22+$0x50] =	vst v12;
	vm3 =	vge.f32 v7, v3;
	v13 =	vmul.f32 v10, v2  }
0x442: {  	vm14 =	vge.f32 v10, v3;
	v43 =	vld [tilespmem:s21+$0x60];
	v44 =	vmul.f32 v8, v2;
	v12 =	vnsel vm3, $0x0, v42  }
0x443: {  	vm15 =	vge.f32 v8, v3;
	v10 =	vnsel vm14, $0x0, v13;
	[tilespmem:s22+$0xFFFFFF50] =	vst v12  }
0x444: {  	[tilespmem:s22+$0xFFFFFF10] =	vst v10;
	v8 =	vnsel vm15, $0x0, v44;
	v12 =	vld [tilespmem:s21+$0xFFFFFF60]  }
0x445: {  	v10 =	vld [tilespmem:s21+$0xFFFFFF20];
	[tilespmem:s22+$0x10] =	vst v8  }
0x446: {  	v8 =	vld [tilespmem:s21+$0x20]  }
0x447: {  	v45 =	vmul.f32 v43, v2  }
0x448: {  	[tilespmem:s19+$0x20] =	vst v11;
	v47 =	vld [tilespmem:s20+$0xFFFFFF70];
	vm4 =	vge.f32 v43, v3  }
0x449: {  	v52 =	vld [tilespmem:s20+$0x30];
	v7 =	vnsel vm4, $0x0, v45;
	v48 =	vmul.f32 v12, v2  }
0x44a: {  	v9 =	vnsel vm1, $0x0, v9;
	[tilespmem:s22+$0x60] =	vst v7;
	vm6 =	vge.f32 v12, v3;
	v46 =	vmul.f32 v10, v2  }
0x44b: {  	[tilespmem:s18+$0xFFFFFF70] =	vst v9;
	vm5 =	vge.f32 v10, v3;
	v49 =	vld [tilespmem:s21+$0x70];
	v50 =	vmul.f32 v8, v2;
	v10 =	vnsel vm6, $0x0, v48  }
0x44c: {  	v51 =	vmul.f32 v4, v2;
	vm7 =	vge.f32 v8, v3;
	v11 =	vnsel vm5, $0x0, v46;
	[tilespmem:s22+$0xFFFFFF60] =	vst v10  }
0x44d: {  	v5 =	vnsel vm0, $0x0, v5;
	v57 =	vmul.f32 v47, v2;
	[tilespmem:s22+$0xFFFFFF20] =	vst v11;
	v53 =	vnsel vm7, $0x0, v50;
	v56 =	vld [tilespmem:s21+$0xFFFFFF70]  }
0x44e: {  	v55 =	vmul.f32 v6, v2;
	vm10 =	vge.f32 v47, v3;
	v60 =	vmul.f32 v52, v2;
	v54 =	vld [tilespmem:s21+$0xFFFFFF30];
	[tilespmem:s22+$0x20] =	vst v53  }
0x44f: {  	[tilespmem:s18+$0x30] =	vst v5;
	vm9 =	vge.f32 v6, v3;
	vm12 =	vge.f32 v52, v3;
	v6 =	vnsel vm10, $0x0, v57;
	v58 =	vld [tilespmem:s21+$0x30]  }
0x450: {  	vm8 =	vge.f32 v4, v3;
	[tilespmem:s19+$0xFFFFFF70] =	vst v6;
	v62 =	vnsel vm12, $0x0, v60;
	v59 =	vmul.f32 v49, v2  }
0x451: {  	[tilespmem:s19+$0x30] =	vst v62;
	v8 =	vnsel vm8, $0x0, v51;
	vm11 =	vge.f32 v49, v3  }
0x452: {  	s16 =	sadd.s32 $0x1, s16;
	[tilespmem:s19+$0x70] =	vst v8;
	v10 =	vnsel vm9, $0x0, v55;
	v5 =	vnsel vm11, $0x0, v59;
	v63 =	vmul.f32 v56, v2  }
0x453: {  	p0 =	sne.s32 s16, $0x20;
	[tilespmem:s19+$0xFFFFFF30] =	vst v10;
	vm14 =	vge.f32 v56, v3;
	v61 =	vmul.f32 v54, v2;
	vm13 =	vge.f32 v54, v3  }
.Ltmp24:
0x454: {  	[tilespmem:s22+$0x70] =	vst v5;
	v2 =	vmul.f32 v58, v2;
	vm15 =	vge.f32 v58, v3;
	v3 =	vnsel vm14, $0x0, v63;
	(pc) =	sbr.rel @p0 .LBB2_2-.Ltmp24, $4  }
0x455: {  	v6 =	vnsel vm13, $0x0, v61;
	[tilespmem:s22+$0xFFFFFF70] =	vst v3  }
0x456: {  	[tilespmem:s22+$0xFFFFFF30] =	vst v6;
	v2 =	vnsel vm15, $0x0, v2  }
0x457: {  	s17 =	sadd.s32 s3, s17;
	[tilespmem:s22+$0x30] =	vst v2  }
0x458: {  	[hbm4b:s17+s8] =	stream.strided.scatter [tilespmem:s12], [sflag:$0x3], $0x4000, s9, s8, $0x38;
	[tilespmem:$0xC000] =	vst v63  }
0x459: {  	s15 =	sadd.s32 $0x1, s15  }
0x45a: {  	p0 =	sne.s32 s15, s7  }
.Ltmp25:
0x45b: {  	_ = 	snop;
	(pc) =	sbr.rel @p0 .LBB2_1-.Ltmp25, $4  }
0x45c: {  	_ = 	snop  }
0x45d: {  	_ =	swait.ge [sflag:s14], $0x4000  }
0x45e: {  	[sflag:s14] =	ssyncset.done $0x0  }
0x45f: {  	[sflag:s14] =	ssyncadd.s32 $0xFFFFC000  }
0x460: {  	_ =	sfence.sel $0x180000  }
0x461: {  	[bflag:$0x0] =	sbarrier.arrive $0xFFFF  }
0x462: {  	p0 =	sne.s32 s1, $0x0;
	_ =	strace $0x90000047  }
0x463: {  	s0 =	sadd.s32 @!p0 $0x100000, s0;
	[bflag:$0x2] =	sbarrier.arrive $0xFFFF  }
0x464: {  	[sflag:s0] =	ssyncadd.tile.s32 @!p0 $0x1;
	_ =	shalt  }
.Lfunc_end2:
_tile_overlayer_lowered:
.L_overlay_start_2:
0x465: {  	(tag) =	ssettag $0x2  }
0x466: {  	s0 =	rddreg [dreg:$0x0];
	s2 =	stileid.u32  }
0x467: {  	s1 =	rddreg [dreg:$0x1];
	p0 =	sne.s32 s2, $0x0  }
0x468: {  	s3 =	rddreg [dreg:$0x2];
	[bflag:$0x3] =	sbarrier.arrive $0xFFFF;
	s2 =	simm.s32 @!p0 $0x1C04  }
0x469: {  	[timem:s3], [sflag:s2] =	dma.local @!p0 [hbm:s0], s1  }
0x46a: {  	s0 =	simm.s32 @!p0 $0x4  }
0x46b: {  	_ =	swait.ge @!p0 [sflag:s0], s1  }
0x46c: {  	s1 =	ssub.s32 @!p0 $0x0, s1;
	[sflag:s0] =	ssyncset.done @!p0 $0x0  }
0x46d: {  	[sflag:s0] =	ssyncadd.s32 @!p0 s1  }
0x46e: {  	[bflag:$0x3] =	sbarrier.arrive $0xFFFF  }
0x46f: {  	_ =	shalt  }

</sc_bundles>
